<compile_context>
chip_gen: v7x
topology: tpu7x:2x2x1
jax: 0.10.2.dev20260603
libtpu: 0.0.44.dev20260713+nightly
codegen_flags: <defaults>
</compile_context>

<pallas_src>
import jax
import jax.numpy as jnp
from jax import lax
from jax.experimental import pallas as pl
from jax.experimental.pallas import tpu as pltpu
from jax.experimental.pallas import tpu_sc as plsc

N_NODES = 10000
N_EDGES = 320000
D_FEAT = 128
N_PAD = 10240

NC = 2
NS = 16
L = 16
NW = NC * NS

B = 48
G = B // L
PITCH = L + 1
C = 210
EW = C * B
E_PAD = EW * NW


def _tree_sum(vals):
    while len(vals) > 1:
        vals = [a + b for a, b in zip(vals[::2], vals[1::2])]
    return vals[0]


def _edge_dot_body(h_hbm, src_hbm, dst_hbm, out_hbm,
                   h_sp, idx_s_v, idx_d_v, rs0, rd0, rs1, rd1, scr,
                   ob0, ob1, sem0, sem1, semo0, semo1):
    cid = lax.axis_index("c")
    sid = lax.axis_index("s")
    wid = sid * NC + cid
    base = wid * EW

    rows_per_tile = N_PAD // NS
    roff = sid * rows_per_tile
    pltpu.sync_copy(h_hbm.at[pl.ds(roff, rows_per_tile)],
                    h_sp.at[pl.ds(roff, rows_per_tile)])

    pltpu.sync_copy(src_hbm.at[pl.ds(base, EW)], idx_s_v)
    pltpu.sync_copy(dst_hbm.at[pl.ds(base, EW)], idx_d_v)
    plsc.subcore_barrier()

    lane = lax.iota(jnp.int32, L)

    H = B // 2

    def start_gather(c, rs, rd, sem):
        off = c * B
        pltpu.async_copy(h_sp.at[idx_s_v.at[pl.ds(off, H)]],
                         rs.at[pl.ds(0, H)], sem)
        pltpu.async_copy(h_sp.at[idx_d_v.at[pl.ds(off, H)]],
                         rd.at[pl.ds(0, H)], sem)
        pltpu.async_copy(h_sp.at[idx_s_v.at[pl.ds(off + H, H)]],
                         rs.at[pl.ds(H, H)], sem)
        pltpu.async_copy(h_sp.at[idx_d_v.at[pl.ds(off + H, H)]],
                         rd.at[pl.ds(H, H)], sem)

    def wait_gather(c, rs, rd, sem):
        off = c * B
        pltpu.make_async_copy(h_sp.at[idx_s_v.at[pl.ds(off, H)]],
                              rs.at[pl.ds(0, H)], sem).wait()
        pltpu.make_async_copy(h_sp.at[idx_d_v.at[pl.ds(off, H)]],
                              rd.at[pl.ds(0, H)], sem).wait()
        pltpu.make_async_copy(h_sp.at[idx_s_v.at[pl.ds(off + H, H)]],
                              rs.at[pl.ds(H, H)], sem).wait()
        pltpu.make_async_copy(h_sp.at[idx_d_v.at[pl.ds(off + H, H)]],
                              rd.at[pl.ds(H, H)], sem).wait()

    def start_out(c, ob, sem):
        pltpu.async_copy(ob, out_hbm.at[pl.ds(base + c * B, B)], sem)

    def wait_out(c, ob, sem):
        pltpu.make_async_copy(ob, out_hbm.at[pl.ds(base + c * B, B)],
                              sem).wait()

    def compute_chunk(rs, rd, ob):
        @pl.loop(0, G)
        def _group(g):
            eb = g * L
            for i in range(L):
                e = eb + i
                prods = []
                for k in range(D_FEAT // L):
                    sv = rs[e, pl.ds(k * L, L)]
                    dv = rd[e, pl.ds(k * L, L)]
                    prods.append(sv * dv)
                plsc.store_scatter(scr, [lane + i * PITCH],
                                   _tree_sum(prods))
            cols = [plsc.load_gather(scr, [lane * PITCH + j])
                    for j in range(L)]
            ob[pl.ds(eb, L)] = _tree_sum(cols)

    start_gather(0, rs0, rd0, sem0)

    @pl.loop(0, C, step=2)
    def _pair(c):
        wait_gather(c, rs0, rd0, sem0)
        start_gather(c + 1, rs1, rd1, sem1)

        @pl.when(c >= 2)
        def _():
            wait_out(c - 2, ob0, semo0)

        compute_chunk(rs0, rd0, ob0)
        start_out(c, ob0, semo0)

        wait_gather(c + 1, rs1, rd1, sem1)

        @pl.when(c + 2 < C)
        def _():
            start_gather(c + 2, rs0, rd0, sem0)

        @pl.when(c >= 2)
        def _():
            wait_out(c - 1, ob1, semo1)

        compute_chunk(rs1, rd1, ob1)
        start_out(c + 1, ob1, semo1)

    wait_out(C - 2, ob0, semo0)
    wait_out(C - 1, ob1, semo1)


@jax.jit
def kernel(h, edge_index):
    h = jnp.pad(h, ((0, N_PAD - N_NODES), (0, 0)))
    src = edge_index[0].astype(jnp.int32)
    dst = edge_index[1].astype(jnp.int32)
    pad = E_PAD - N_EDGES
    if pad:
        zeros = jnp.zeros((pad,), jnp.int32)
        src = jnp.concatenate([src, zeros])
        dst = jnp.concatenate([dst, zeros])

    mesh = plsc.VectorSubcoreMesh(core_axis_name="c", subcore_axis_name="s",
                                  num_cores=NC, num_subcores=NS)
    run = pl.kernel(
        _edge_dot_body,
        out_type=jax.ShapeDtypeStruct((E_PAD,), jnp.float32),
        mesh=mesh,
        compiler_params=pltpu.CompilerParams(needs_layout_passes=False),
        scratch_types=[
            pltpu.VMEM_SHARED((N_PAD, D_FEAT), jnp.float32),
            pltpu.VMEM((EW,), jnp.int32),
            pltpu.VMEM((EW,), jnp.int32),
            pltpu.VMEM((B, D_FEAT), jnp.float32),
            pltpu.VMEM((B, D_FEAT), jnp.float32),
            pltpu.VMEM((B, D_FEAT), jnp.float32),
            pltpu.VMEM((B, D_FEAT), jnp.float32),
            pltpu.VMEM((L * PITCH,), jnp.float32),
            pltpu.VMEM((B,), jnp.float32),
            pltpu.VMEM((B,), jnp.float32),
            pltpu.SemaphoreType.DMA,
            pltpu.SemaphoreType.DMA,
            pltpu.SemaphoreType.DMA,
            pltpu.SemaphoreType.DMA,
        ],
    )
    out = run(h, src, dst)
    return out[:N_EDGES]

# --- scband reference (transcript-rebuilt; emitter-appended) ---
"""Pipeline reference for scband-dot-predictor-88725434401263 (READ-ONLY COPY).

The authoritative reference and input builder live on the scoring server;
editing this copy changes nothing except your own understanding.
"""

import jax, jax.numpy as jnp
import numpy as np

N_NODES = 10000
N_EDGES = 320000
D_FEAT = 128

def setup_inputs(seed: int = 0) -> dict:
    key = jax.random.key(seed)
    k1, k2 = jax.random.split(key)
    h = jax.random.normal(k1, (N_NODES, D_FEAT), dtype=jnp.float32)
    edge_index = jax.random.randint(k2, (2, N_EDGES), 0, N_NODES, dtype=jnp.int64)
    return {"h": h, "edge_index": edge_index}

def reference(h, edge_index):
    # DGL u_dot_v: for each edge (u, v), score = dot(h[u], h[v])
    src = edge_index[0]
    dst = edge_index[1]
    h_src = jnp.take(h, src, axis=0)
    h_dst = jnp.take(h, dst, axis=0)
    score = jnp.sum(h_src * h_dst, axis=-1)  # [E], matches g.edata['score'][:, 0]
    return score

if __name__ == "__main__":
    import jax
    _d = setup_inputs()
    print(jax.jit(kernel)(*tuple(_d.values())))

</pallas_src>

<mosaic_0001>
#map = affine_map<(d0, d1) -> (0, 0)>
#map1 = affine_map<(d0, d1) -> (0)>
module attributes {stable_mosaic.version = 14 : i64} {
  func.func @_edge_dot_body(%arg0: i32, %arg1: i32, %arg2: memref<10240x128xf32, #tpu.memory_space<hbm>>, %arg3: memref<322560xi32, #tpu.memory_space<hbm>>, %arg4: memref<322560xi32, #tpu.memory_space<hbm>>, %arg5: memref<322560xf32, #tpu.memory_space<hbm>>, %arg6: memref<10240x128xf32, #tpu.memory_space<vmem_shared>>, %arg7: memref<10080xi32, #tpu.memory_space<vmem>>, %arg8: memref<10080xi32, #tpu.memory_space<vmem>>, %arg9: memref<48x128xf32, #tpu.memory_space<vmem>>, %arg10: memref<48x128xf32, #tpu.memory_space<vmem>>, %arg11: memref<48x128xf32, #tpu.memory_space<vmem>>, %arg12: memref<48x128xf32, #tpu.memory_space<vmem>>, %arg13: memref<272xf32, #tpu.memory_space<vmem>>, %arg14: memref<48xf32, #tpu.memory_space<vmem>>, %arg15: memref<48xf32, #tpu.memory_space<vmem>>, %arg16: memref<!tpu.dma_semaphore, #tpu.memory_space<semaphore_mem>>, %arg17: memref<!tpu.dma_semaphore, #tpu.memory_space<semaphore_mem>>, %arg18: memref<!tpu.dma_semaphore, #tpu.memory_space<semaphore_mem>>, %arg19: memref<!tpu.dma_semaphore, #tpu.memory_space<semaphore_mem>>) attributes {dimension_semantics = [#tpu.dimension_semantics<core_parallel>, #tpu.dimension_semantics<subcore_parallel>], iteration_bounds = array<i64: 2, 16>, scalar_prefetch = 0 : i64, scratch_operands = 14 : i64, tpu.core_type = #tpu.core_type<sc_vector_subcore>, window_params = [{transform_indices = #map}, {transform_indices = #map1}, {transform_indices = #map1}, {transform_indices = #map1}]} {
    %mul3A = arith.constant 2 : i32
    %mul3A_0 = arith.muli %arg1, %mul3A : i32
    %add3A = arith.addi %mul3A_0, %arg0 : i32
    %mul3A_1 = arith.constant 10080 : i32
    %mul3A_2 = arith.muli %add3A, %mul3A_1 : i32
    %mul3A_3 = arith.constant 640 : i32
    %mul3A_4 = arith.muli %arg1, %mul3A_3 : i32
    "tpu.region"() ({
      %run_scoped3A = tpu.sem_alloc : memref<!tpu.dma_semaphore, #tpu.memory_space<semaphore_mem>>
      %dma_start3A_47 = arith.constant 0 : i32
      %dma_start3A_48 = tpu.memref_slice %arg6[%mul3A_4, %dma_start3A_47] : memref<10240x128xf32, #tpu.memory_space<vmem_shared>> -> memref<640x128xf32, #tpu.memory_space<vmem_shared>>
      %dma_start3A_49 = arith.constant 0 : i32
      %dma_start3A_50 = tpu.memref_slice %arg2[%mul3A_4, %dma_start3A_49] : memref<10240x128xf32, #tpu.memory_space<hbm>> -> memref<640x128xf32, #tpu.memory_space<hbm>>
      tpu.enqueue_dma source(%dma_start3A_50 : memref<640x128xf32, #tpu.memory_space<hbm>>) target(%dma_start3A_48 : memref<640x128xf32, #tpu.memory_space<vmem_shared>>) target_semaphore(%run_scoped3A : memref<!tpu.dma_semaphore, #tpu.memory_space<semaphore_mem>>)
      %dma_wait3A_51 = arith.constant 0 : i32
      %dma_wait3A_52 = tpu.memref_slice %arg6[%mul3A_4, %dma_wait3A_51] : memref<10240x128xf32, #tpu.memory_space<vmem_shared>> -> memref<640x128xf32, #tpu.memory_space<vmem_shared>>
      %dma_wait3A_53 = arith.constant 0 : i32
      %dma_wait3A_54 = tpu.memref_slice %arg2[%mul3A_4, %dma_wait3A_53] : memref<10240x128xf32, #tpu.memory_space<hbm>> -> memref<640x128xf32, #tpu.memory_space<hbm>>
      tpu.wait_dma2 semaphore(%run_scoped3A : memref<!tpu.dma_semaphore, #tpu.memory_space<semaphore_mem>>) src(%dma_wait3A_54 : memref<640x128xf32, #tpu.memory_space<hbm>>) dst(%dma_wait3A_52 : memref<640x128xf32, #tpu.memory_space<vmem_shared>>)
      tpu.yield
    }) : () -> ()
    "tpu.region"() ({
      %run_scoped3A = tpu.sem_alloc : memref<!tpu.dma_semaphore, #tpu.memory_space<semaphore_mem>>
      %dma_start3A_47 = tpu.memref_slice %arg3[%mul3A_2] : memref<322560xi32, #tpu.memory_space<hbm>> -> memref<10080xi32, #tpu.memory_space<hbm>>
      %dma_start3A_48 = tpu.memref_slice %arg3[%mul3A_2] : memref<322560xi32, #tpu.memory_space<hbm>> -> memref<10080xi32, #tpu.memory_space<hbm>>
      tpu.enqueue_dma source(%dma_start3A_48 : memref<10080xi32, #tpu.memory_space<hbm>>) target(%arg7 : memref<10080xi32, #tpu.memory_space<vmem>>) target_semaphore(%run_scoped3A : memref<!tpu.dma_semaphore, #tpu.memory_space<semaphore_mem>>)
      %dma_wait3A_49 = tpu.memref_slice %arg3[%mul3A_2] : memref<322560xi32, #tpu.memory_space<hbm>> -> memref<10080xi32, #tpu.memory_space<hbm>>
      %dma_wait3A_50 = tpu.memref_slice %arg3[%mul3A_2] : memref<322560xi32, #tpu.memory_space<hbm>> -> memref<10080xi32, #tpu.memory_space<hbm>>
      tpu.wait_dma2 semaphore(%run_scoped3A : memref<!tpu.dma_semaphore, #tpu.memory_space<semaphore_mem>>) src(%dma_wait3A_50 : memref<10080xi32, #tpu.memory_space<hbm>>) dst(%arg7 : memref<10080xi32, #tpu.memory_space<vmem>>)
      tpu.yield
    }) : () -> ()
    "tpu.region"() ({
      %run_scoped3A = tpu.sem_alloc : memref<!tpu.dma_semaphore, #tpu.memory_space<semaphore_mem>>
      %dma_start3A_47 = tpu.memref_slice %arg4[%mul3A_2] : memref<322560xi32, #tpu.memory_space<hbm>> -> memref<10080xi32, #tpu.memory_space<hbm>>
      %dma_start3A_48 = tpu.memref_slice %arg4[%mul3A_2] : memref<322560xi32, #tpu.memory_space<hbm>> -> memref<10080xi32, #tpu.memory_space<hbm>>
      tpu.enqueue_dma source(%dma_start3A_48 : memref<10080xi32, #tpu.memory_space<hbm>>) target(%arg8 : memref<10080xi32, #tpu.memory_space<vmem>>) target_semaphore(%run_scoped3A : memref<!tpu.dma_semaphore, #tpu.memory_space<semaphore_mem>>)
      %dma_wait3A_49 = tpu.memref_slice %arg4[%mul3A_2] : memref<322560xi32, #tpu.memory_space<hbm>> -> memref<10080xi32, #tpu.memory_space<hbm>>
      %dma_wait3A_50 = tpu.memref_slice %arg4[%mul3A_2] : memref<322560xi32, #tpu.memory_space<hbm>> -> memref<10080xi32, #tpu.memory_space<hbm>>
      tpu.wait_dma2 semaphore(%run_scoped3A : memref<!tpu.dma_semaphore, #tpu.memory_space<semaphore_mem>>) src(%dma_wait3A_50 : memref<10080xi32, #tpu.memory_space<hbm>>) dst(%arg8 : memref<10080xi32, #tpu.memory_space<vmem>>)
      tpu.yield
    }) : () -> ()
    %barrier3A = arith.constant 0 : index
    tpu.barrier barrier_id(%barrier3A)
    %iota3A = tpu.iota {dimensions = array<i32: 0>} : vector<16xi32>
    %dma_start3A = arith.constant 0 : i32
    %dma_start3A_5 = arith.constant 0 : i32
    %dma_start3A_6 = tpu.memref_slice %arg9[%dma_start3A, %dma_start3A_5] : memref<48x128xf32, #tpu.memory_space<vmem>> -> memref<24x128xf32, #tpu.memory_space<vmem>>
    %dma_start3A_7 = arith.constant 0 : i32
    %dma_start3A_8 = tpu.memref_slice %arg7[%dma_start3A_7] : memref<10080xi32, #tpu.memory_space<vmem>> -> memref<24xi32, #tpu.memory_space<vmem>>
    %dma_start3A_9 = arith.constant 0 : i32
    %dma_start3A_10 = arith.constant 0 : i32
    %dma_start3A_11 = tpu.memref_slice %arg6[%dma_start3A_9, %dma_start3A_10] : memref<10240x128xf32, #tpu.memory_space<vmem_shared>> -> memref<10240x128xf32, #tpu.memory_space<vmem_shared>>
    tpu.enqueue_indirect_dma source(%dma_start3A_11 : memref<10240x128xf32, #tpu.memory_space<vmem_shared>>) target(%dma_start3A_6 : memref<24x128xf32, #tpu.memory_space<vmem>>) offsets(%dma_start3A_8 : memref<24xi32, #tpu.memory_space<vmem>>) semaphore(%arg16 : memref<!tpu.dma_semaphore, #tpu.memory_space<semaphore_mem>>)
    %dma_start3A_12 = arith.constant 0 : i32
    %dma_start3A_13 = arith.constant 0 : i32
    %dma_start3A_14 = tpu.memref_slice %arg10[%dma_start3A_12, %dma_start3A_13] : memref<48x128xf32, #tpu.memory_space<vmem>> -> memref<24x128xf32, #tpu.memory_space<vmem>>
    %dma_start3A_15 = arith.constant 0 : i32
    %dma_start3A_16 = tpu.memref_slice %arg8[%dma_start3A_15] : memref<10080xi32, #tpu.memory_space<vmem>> -> memref<24xi32, #tpu.memory_space<vmem>>
    %dma_start3A_17 = arith.constant 0 : i32
    %dma_start3A_18 = arith.constant 0 : i32
    %dma_start3A_19 = tpu.memref_slice %arg6[%dma_start3A_17, %dma_start3A_18] : memref<10240x128xf32, #tpu.memory_space<vmem_shared>> -> memref<10240x128xf32, #tpu.memory_space<vmem_shared>>
    tpu.enqueue_indirect_dma source(%dma_start3A_19 : memref<10240x128xf32, #tpu.memory_space<vmem_shared>>) target(%dma_start3A_14 : memref<24x128xf32, #tpu.memory_space<vmem>>) offsets(%dma_start3A_16 : memref<24xi32, #tpu.memory_space<vmem>>) semaphore(%arg16 : memref<!tpu.dma_semaphore, #tpu.memory_space<semaphore_mem>>)
    %dma_start3A_20 = arith.constant 24 : i32
    %dma_start3A_21 = arith.constant 0 : i32
    %dma_start3A_22 = tpu.memref_slice %arg9[%dma_start3A_20, %dma_start3A_21] : memref<48x128xf32, #tpu.memory_space<vmem>> -> memref<24x128xf32, #tpu.memory_space<vmem>>
    %dma_start3A_23 = arith.constant 24 : i32
    %dma_start3A_24 = tpu.memref_slice %arg7[%dma_start3A_23] : memref<10080xi32, #tpu.memory_space<vmem>> -> memref<24xi32, #tpu.memory_space<vmem>>
    %dma_start3A_25 = arith.constant 0 : i32
    %dma_start3A_26 = arith.constant 0 : i32
    %dma_start3A_27 = tpu.memref_slice %arg6[%dma_start3A_25, %dma_start3A_26] : memref<10240x128xf32, #tpu.memory_space<vmem_shared>> -> memref<10240x128xf32, #tpu.memory_space<vmem_shared>>
    tpu.enqueue_indirect_dma source(%dma_start3A_27 : memref<10240x128xf32, #tpu.memory_space<vmem_shared>>) target(%dma_start3A_22 : memref<24x128xf32, #tpu.memory_space<vmem>>) offsets(%dma_start3A_24 : memref<24xi32, #tpu.memory_space<vmem>>) semaphore(%arg16 : memref<!tpu.dma_semaphore, #tpu.memory_space<semaphore_mem>>)
    %dma_start3A_28 = arith.constant 24 : i32
    %dma_start3A_29 = arith.constant 0 : i32
    %dma_start3A_30 = tpu.memref_slice %arg10[%dma_start3A_28, %dma_start3A_29] : memref<48x128xf32, #tpu.memory_space<vmem>> -> memref<24x128xf32, #tpu.memory_space<vmem>>
    %dma_start3A_31 = arith.constant 24 : i32
    %dma_start3A_32 = tpu.memref_slice %arg8[%dma_start3A_31] : memref<10080xi32, #tpu.memory_space<vmem>> -> memref<24xi32, #tpu.memory_space<vmem>>
    %dma_start3A_33 = arith.constant 0 : i32
    %dma_start3A_34 = arith.constant 0 : i32
    %dma_start3A_35 = tpu.memref_slice %arg6[%dma_start3A_33, %dma_start3A_34] : memref<10240x128xf32, #tpu.memory_space<vmem_shared>> -> memref<10240x128xf32, #tpu.memory_space<vmem_shared>>
    tpu.enqueue_indirect_dma source(%dma_start3A_35 : memref<10240x128xf32, #tpu.memory_space<vmem_shared>>) target(%dma_start3A_30 : memref<24x128xf32, #tpu.memory_space<vmem>>) offsets(%dma_start3A_32 : memref<24xi32, #tpu.memory_space<vmem>>) semaphore(%arg16 : memref<!tpu.dma_semaphore, #tpu.memory_space<semaphore_mem>>)
    %scan3A = arith.constant 0 : i32
    %scan3A_36 = arith.constant 105 : i32
    %scan3A_37 = arith.addi %scan3A, %scan3A_36 : i32
    %scan3A_38 = arith.constant 1 : i32
    scf.for %scan3A_47 = %scan3A to %scan3A_37 step %scan3A_38  : i32 {
      %mul3A_48 = arith.constant 2 : i32
      %mul3A_49 = arith.muli %scan3A_47, %mul3A_48 : i32
      %add3A_50 = arith.constant 0 : i32
      %add3A_51 = arith.addi %add3A_50, %mul3A_49 : i32
      %mul3A_52 = arith.constant 48 : i32
      %mul3A_53 = arith.muli %add3A_51, %mul3A_52 : i32
      %dma_wait3A_54 = arith.constant 0 : i32
      %dma_wait3A_55 = arith.constant 0 : i32
      %dma_wait3A_56 = tpu.memref_slice %arg9[%dma_wait3A_54, %dma_wait3A_55] : memref<48x128xf32, #tpu.memory_space<vmem>> -> memref<24x128xf32, #tpu.memory_space<vmem>>
      %dma_wait3A_57 = tpu.memref_slice %arg7[%mul3A_53] : memref<10080xi32, #tpu.memory_space<vmem>> -> memref<24xi32, #tpu.memory_space<vmem>>
      %dma_wait3A_58 = arith.constant 0 : i32
      %dma_wait3A_59 = arith.constant 0 : i32
      %dma_wait3A_60 = tpu.memref_slice %arg6[%dma_wait3A_58, %dma_wait3A_59] : memref<10240x128xf32, #tpu.memory_space<vmem_shared>> -> memref<10240x128xf32, #tpu.memory_space<vmem_shared>>
      tpu.wait_indirect_dma semaphore(%arg16 : memref<!tpu.dma_semaphore, #tpu.memory_space<semaphore_mem>>) src(%dma_wait3A_60 : memref<10240x128xf32, #tpu.memory_space<vmem_shared>>) dst(%dma_wait3A_56 : memref<24x128xf32, #tpu.memory_space<vmem>>)
      %dma_wait3A_61 = arith.constant 0 : i32
      %dma_wait3A_62 = arith.constant 0 : i32
      %dma_wait3A_63 = tpu.memref_slice %arg10[%dma_wait3A_61, %dma_wait3A_62] : memref<48x128xf32, #tpu.memory_space<vmem>> -> memref<24x128xf32, #tpu.memory_space<vmem>>
      %dma_wait3A_64 = tpu.memref_slice %arg8[%mul3A_53] : memref<10080xi32, #tpu.memory_space<vmem>> -> memref<24xi32, #tpu.memory_space<vmem>>
      %dma_wait3A_65 = arith.constant 0 : i32
      %dma_wait3A_66 = arith.constant 0 : i32
      %dma_wait3A_67 = tpu.memref_slice %arg6[%dma_wait3A_65, %dma_wait3A_66] : memref<10240x128xf32, #tpu.memory_space<vmem_shared>> -> memref<10240x128xf32, #tpu.memory_space<vmem_shared>>
      tpu.wait_indirect_dma semaphore(%arg16 : memref<!tpu.dma_semaphore, #tpu.memory_space<semaphore_mem>>) src(%dma_wait3A_67 : memref<10240x128xf32, #tpu.memory_space<vmem_shared>>) dst(%dma_wait3A_63 : memref<24x128xf32, #tpu.memory_space<vmem>>)
      %add3A_68 = arith.constant 24 : i32
      %add3A_69 = arith.addi %mul3A_53, %add3A_68 : i32
      %dma_wait3A_70 = arith.constant 24 : i32
      %dma_wait3A_71 = arith.constant 0 : i32
      %dma_wait3A_72 = tpu.memref_slice %arg9[%dma_wait3A_70, %dma_wait3A_71] : memref<48x128xf32, #tpu.memory_space<vmem>> -> memref<24x128xf32, #tpu.memory_space<vmem>>
      %dma_wait3A_73 = tpu.memref_slice %arg7[%add3A_69] : memref<10080xi32, #tpu.memory_space<vmem>> -> memref<24xi32, #tpu.memory_space<vmem>>
      %dma_wait3A_74 = arith.constant 0 : i32
      %dma_wait3A_75 = arith.constant 0 : i32
      %dma_wait3A_76 = tpu.memref_slice %arg6[%dma_wait3A_74, %dma_wait3A_75] : memref<10240x128xf32, #tpu.memory_space<vmem_shared>> -> memref<10240x128xf32, #tpu.memory_space<vmem_shared>>
      tpu.wait_indirect_dma semaphore(%arg16 : memref<!tpu.dma_semaphore, #tpu.memory_space<semaphore_mem>>) src(%dma_wait3A_76 : memref<10240x128xf32, #tpu.memory_space<vmem_shared>>) dst(%dma_wait3A_72 : memref<24x128xf32, #tpu.memory_space<vmem>>)
      %add3A_77 = arith.constant 24 : i32
      %add3A_78 = arith.addi %mul3A_53, %add3A_77 : i32
      %dma_wait3A_79 = arith.constant 24 : i32
      %dma_wait3A_80 = arith.constant 0 : i32
      %dma_wait3A_81 = tpu.memref_slice %arg10[%dma_wait3A_79, %dma_wait3A_80] : memref<48x128xf32, #tpu.memory_space<vmem>> -> memref<24x128xf32, #tpu.memory_space<vmem>>
      %dma_wait3A_82 = tpu.memref_slice %arg8[%add3A_78] : memref<10080xi32, #tpu.memory_space<vmem>> -> memref<24xi32, #tpu.memory_space<vmem>>
      %dma_wait3A_83 = arith.constant 0 : i32
      %dma_wait3A_84 = arith.constant 0 : i32
      %dma_wait3A_85 = tpu.memref_slice %arg6[%dma_wait3A_83, %dma_wait3A_84] : memref<10240x128xf32, #tpu.memory_space<vmem_shared>> -> memref<10240x128xf32, #tpu.memory_space<vmem_shared>>
      tpu.wait_indirect_dma semaphore(%arg16 : memref<!tpu.dma_semaphore, #tpu.memory_space<semaphore_mem>>) src(%dma_wait3A_85 : memref<10240x128xf32, #tpu.memory_space<vmem_shared>>) dst(%dma_wait3A_81 : memref<24x128xf32, #tpu.memory_space<vmem>>)
      %add3A_86 = arith.constant 1 : i32
      %add3A_87 = arith.addi %add3A_51, %add3A_86 : i32
      %mul3A_88 = arith.constant 48 : i32
      %mul3A_89 = arith.muli %add3A_87, %mul3A_88 : i32
      %dma_start3A_90 = arith.constant 0 : i32
      %dma_start3A_91 = arith.constant 0 : i32
      %dma_start3A_92 = tpu.memref_slice %arg11[%dma_start3A_90, %dma_start3A_91] : memref<48x128xf32, #tpu.memory_space<vmem>> -> memref<24x128xf32, #tpu.memory_space<vmem>>
      %dma_start3A_93 = tpu.memref_slice %arg7[%mul3A_89] : memref<10080xi32, #tpu.memory_space<vmem>> -> memref<24xi32, #tpu.memory_space<vmem>>
      %dma_start3A_94 = arith.constant 0 : i32
      %dma_start3A_95 = arith.constant 0 : i32
      %dma_start3A_96 = tpu.memref_slice %arg6[%dma_start3A_94, %dma_start3A_95] : memref<10240x128xf32, #tpu.memory_space<vmem_shared>> -> memref<10240x128xf32, #tpu.memory_space<vmem_shared>>
      tpu.enqueue_indirect_dma source(%dma_start3A_96 : memref<10240x128xf32, #tpu.memory_space<vmem_shared>>) target(%dma_start3A_92 : memref<24x128xf32, #tpu.memory_space<vmem>>) offsets(%dma_start3A_93 : memref<24xi32, #tpu.memory_space<vmem>>) semaphore(%arg17 : memref<!tpu.dma_semaphore, #tpu.memory_space<semaphore_mem>>)
      %dma_start3A_97 = arith.constant 0 : i32
      %dma_start3A_98 = arith.constant 0 : i32
      %dma_start3A_99 = tpu.memref_slice %arg12[%dma_start3A_97, %dma_start3A_98] : memref<48x128xf32, #tpu.memory_space<vmem>> -> memref<24x128xf32, #tpu.memory_space<vmem>>
      %dma_start3A_100 = tpu.memref_slice %arg8[%mul3A_89] : memref<10080xi32, #tpu.memory_space<vmem>> -> memref<24xi32, #tpu.memory_space<vmem>>
      %dma_start3A_101 = arith.constant 0 : i32
      %dma_start3A_102 = arith.constant 0 : i32
      %dma_start3A_103 = tpu.memref_slice %arg6[%dma_start3A_101, %dma_start3A_102] : memref<10240x128xf32, #tpu.memory_space<vmem_shared>> -> memref<10240x128xf32, #tpu.memory_space<vmem_shared>>
      tpu.enqueue_indirect_dma source(%dma_start3A_103 : memref<10240x128xf32, #tpu.memory_space<vmem_shared>>) target(%dma_start3A_99 : memref<24x128xf32, #tpu.memory_space<vmem>>) offsets(%dma_start3A_100 : memref<24xi32, #tpu.memory_space<vmem>>) semaphore(%arg17 : memref<!tpu.dma_semaphore, #tpu.memory_space<semaphore_mem>>)
      %add3A_104 = arith.constant 24 : i32
      %add3A_105 = arith.addi %mul3A_89, %add3A_104 : i32
      %dma_start3A_106 = arith.constant 24 : i32
      %dma_start3A_107 = arith.constant 0 : i32
      %dma_start3A_108 = tpu.memref_slice %arg11[%dma_start3A_106, %dma_start3A_107] : memref<48x128xf32, #tpu.memory_space<vmem>> -> memref<24x128xf32, #tpu.memory_space<vmem>>
      %dma_start3A_109 = tpu.memref_slice %arg7[%add3A_105] : memref<10080xi32, #tpu.memory_space<vmem>> -> memref<24xi32, #tpu.memory_space<vmem>>
      %dma_start3A_110 = arith.constant 0 : i32
      %dma_start3A_111 = arith.constant 0 : i32
      %dma_start3A_112 = tpu.memref_slice %arg6[%dma_start3A_110, %dma_start3A_111] : memref<10240x128xf32, #tpu.memory_space<vmem_shared>> -> memref<10240x128xf32, #tpu.memory_space<vmem_shared>>
      tpu.enqueue_indirect_dma source(%dma_start3A_112 : memref<10240x128xf32, #tpu.memory_space<vmem_shared>>) target(%dma_start3A_108 : memref<24x128xf32, #tpu.memory_space<vmem>>) offsets(%dma_start3A_109 : memref<24xi32, #tpu.memory_space<vmem>>) semaphore(%arg17 : memref<!tpu.dma_semaphore, #tpu.memory_space<semaphore_mem>>)
      %add3A_113 = arith.constant 24 : i32
      %add3A_114 = arith.addi %mul3A_89, %add3A_113 : i32
      %dma_start3A_115 = arith.constant 24 : i32
      %dma_start3A_116 = arith.constant 0 : i32
      %dma_start3A_117 = tpu.memref_slice %arg12[%dma_start3A_115, %dma_start3A_116] : memref<48x128xf32, #tpu.memory_space<vmem>> -> memref<24x128xf32, #tpu.memory_space<vmem>>
      %dma_start3A_118 = tpu.memref_slice %arg8[%add3A_114] : memref<10080xi32, #tpu.memory_space<vmem>> -> memref<24xi32, #tpu.memory_space<vmem>>
      %dma_start3A_119 = arith.constant 0 : i32
      %dma_start3A_120 = arith.constant 0 : i32
      %dma_start3A_121 = tpu.memref_slice %arg6[%dma_start3A_119, %dma_start3A_120] : memref<10240x128xf32, #tpu.memory_space<vmem_shared>> -> memref<10240x128xf32, #tpu.memory_space<vmem_shared>>
      tpu.enqueue_indirect_dma source(%dma_start3A_121 : memref<10240x128xf32, #tpu.memory_space<vmem_shared>>) target(%dma_start3A_117 : memref<24x128xf32, #tpu.memory_space<vmem>>) offsets(%dma_start3A_118 : memref<24xi32, #tpu.memory_space<vmem>>) semaphore(%arg17 : memref<!tpu.dma_semaphore, #tpu.memory_space<semaphore_mem>>)
      %ge3A = arith.constant 2 : i32
      %ge3A_122 = arith.cmpi sge, %add3A_51, %ge3A : i32
      %convert_element_type3A = arith.extui %ge3A_122 : i1 to i32
      %cond3A = arith.constant 0 : i32
      %cond3A_123 = arith.cmpi ne, %convert_element_type3A, %cond3A : i32
      scf.if %cond3A_123 {
        %sub3A = arith.constant 2 : i32
        %sub3A_193 = arith.subi %add3A_51, %sub3A : i32
        %mul3A_194 = arith.constant 48 : i32
        %mul3A_195 = arith.muli %sub3A_193, %mul3A_194 : i32
        %add3A_196 = arith.addi %mul3A_2, %mul3A_195 : i32
        %dma_wait3A_197 = tpu.memref_slice %arg5[%add3A_196] : memref<322560xf32, #tpu.memory_space<hbm>> -> memref<48xf32, #tpu.memory_space<hbm>>
        %dma_wait3A_198 = tpu.memref_slice %arg5[%add3A_196] : memref<322560xf32, #tpu.memory_space<hbm>> -> memref<48xf32, #tpu.memory_space<hbm>>
        tpu.wait_dma2 semaphore(%arg18 : memref<!tpu.dma_semaphore, #tpu.memory_space<semaphore_mem>>) src(%arg14 : memref<48xf32, #tpu.memory_space<vmem>>) dst(%dma_wait3A_198 : memref<48xf32, #tpu.memory_space<hbm>>)
      } else {
      }
      %scan3A_124 = arith.constant 0 : i32
      %scan3A_125 = arith.constant 3 : i32
      %scan3A_126 = arith.addi %scan3A_124, %scan3A_125 : i32
      %scan3A_127 = arith.constant 1 : i32
      scf.for %scan3A_193 = %scan3A_124 to %scan3A_126 step %scan3A_127  : i32 {
        %mul3A_194 = arith.constant 1 : i32
        %mul3A_195 = arith.muli %scan3A_193, %mul3A_194 : i32
        %add3A_196 = arith.constant 0 : i32
        %add3A_197 = arith.addi %add3A_196, %mul3A_195 : i32
        %mul3A_198 = arith.constant 16 : i32
        %mul3A_199 = arith.muli %add3A_197, %mul3A_198 : i32
        %add3A_200 = arith.constant 0 : i32
        %add3A_201 = arith.addi %mul3A_199, %add3A_200 : i32
        %get3A = arith.index_cast %add3A_201 : i32 to index
        %get3A_202 = arith.constant 0 : index
        %get3A_203 = tpu.vector_load %arg9[%get3A, %get3A_202] {strides = array<i32>} : memref<48x128xf32, #tpu.memory_space<vmem>>, vector<16xf32>,
        %get3A_204 = arith.index_cast %add3A_201 : i32 to index
        %get3A_205 = arith.constant 0 : index
        %get3A_206 = tpu.vector_load %arg10[%get3A_204, %get3A_205] {strides = array<i32>} : memref<48x128xf32, #tpu.memory_space<vmem>>, vector<16xf32>,
        %mul3A_207 = arith.mulf %get3A_203, %get3A_206 : vector<16xf32>
        %get3A_208 = arith.index_cast %add3A_201 : i32 to index
        %get3A_209 = arith.constant 16 : index
        %get3A_210 = tpu.vector_load %arg9[%get3A_208, %get3A_209] {strides = array<i32>} : memref<48x128xf32, #tpu.memory_space<vmem>>, vector<16xf32>,
        %get3A_211 = arith.index_cast %add3A_201 : i32 to index
        %get3A_212 = arith.constant 16 : index
        %get3A_213 = tpu.vector_load %arg10[%get3A_211, %get3A_212] {strides = array<i32>} : memref<48x128xf32, #tpu.memory_space<vmem>>, vector<16xf32>,
        %mul3A_214 = arith.mulf %get3A_210, %get3A_213 : vector<16xf32>
        %get3A_215 = arith.index_cast %add3A_201 : i32 to index
        %get3A_216 = arith.constant 32 : index
        %get3A_217 = tpu.vector_load %arg9[%get3A_215, %get3A_216] {strides = array<i32>} : memref<48x128xf32, #tpu.memory_space<vmem>>, vector<16xf32>,
        %get3A_218 = arith.index_cast %add3A_201 : i32 to index
        %get3A_219 = arith.constant 32 : index
        %get3A_220 = tpu.vector_load %arg10[%get3A_218, %get3A_219] {strides = array<i32>} : memref<48x128xf32, #tpu.memory_space<vmem>>, vector<16xf32>,
        %mul3A_221 = arith.mulf %get3A_217, %get3A_220 : vector<16xf32>
        %get3A_222 = arith.index_cast %add3A_201 : i32 to index
        %get3A_223 = arith.constant 48 : index
        %get3A_224 = tpu.vector_load %arg9[%get3A_222, %get3A_223] {strides = array<i32>} : memref<48x128xf32, #tpu.memory_space<vmem>>, vector<16xf32>,
        %get3A_225 = arith.index_cast %add3A_201 : i32 to index
        %get3A_226 = arith.constant 48 : index
        %get3A_227 = tpu.vector_load %arg10[%get3A_225, %get3A_226] {strides = array<i32>} : memref<48x128xf32, #tpu.memory_space<vmem>>, vector<16xf32>,
        %mul3A_228 = arith.mulf %get3A_224, %get3A_227 : vector<16xf32>
        %get3A_229 = arith.index_cast %add3A_201 : i32 to index
        %get3A_230 = arith.constant 64 : index
        %get3A_231 = tpu.vector_load %arg9[%get3A_229, %get3A_230] {strides = array<i32>} : memref<48x128xf32, #tpu.memory_space<vmem>>, vector<16xf32>,
        %get3A_232 = arith.index_cast %add3A_201 : i32 to index
        %get3A_233 = arith.constant 64 : index
        %get3A_234 = tpu.vector_load %arg10[%get3A_232, %get3A_233] {strides = array<i32>} : memref<48x128xf32, #tpu.memory_space<vmem>>, vector<16xf32>,
        %mul3A_235 = arith.mulf %get3A_231, %get3A_234 : vector<16xf32>
        %get3A_236 = arith.index_cast %add3A_201 : i32 to index
        %get3A_237 = arith.constant 80 : index
        %get3A_238 = tpu.vector_load %arg9[%get3A_236, %get3A_237] {strides = array<i32>} : memref<48x128xf32, #tpu.memory_space<vmem>>, vector<16xf32>,
        %get3A_239 = arith.index_cast %add3A_201 : i32 to index
        %get3A_240 = arith.constant 80 : index
        %get3A_241 = tpu.vector_load %arg10[%get3A_239, %get3A_240] {strides = array<i32>} : memref<48x128xf32, #tpu.memory_space<vmem>>, vector<16xf32>,
        %mul3A_242 = arith.mulf %get3A_238, %get3A_241 : vector<16xf32>
        %get3A_243 = arith.index_cast %add3A_201 : i32 to index
        %get3A_244 = arith.constant 96 : index
        %get3A_245 = tpu.vector_load %arg9[%get3A_243, %get3A_244] {strides = array<i32>} : memref<48x128xf32, #tpu.memory_space<vmem>>, vector<16xf32>,
        %get3A_246 = arith.index_cast %add3A_201 : i32 to index
        %get3A_247 = arith.constant 96 : index
        %get3A_248 = tpu.vector_load %arg10[%get3A_246, %get3A_247] {strides = array<i32>} : memref<48x128xf32, #tpu.memory_space<vmem>>, vector<16xf32>,
        %mul3A_249 = arith.mulf %get3A_245, %get3A_248 : vector<16xf32>
        %get3A_250 = arith.index_cast %add3A_201 : i32 to index
        %get3A_251 = arith.constant 112 : index
        %get3A_252 = tpu.vector_load %arg9[%get3A_250, %get3A_251] {strides = array<i32>} : memref<48x128xf32, #tpu.memory_space<vmem>>, vector<16xf32>,
        %get3A_253 = arith.index_cast %add3A_201 : i32 to index
        %get3A_254 = arith.constant 112 : index
        %get3A_255 = tpu.vector_load %arg10[%get3A_253, %get3A_254] {strides = array<i32>} : memref<48x128xf32, #tpu.memory_space<vmem>>, vector<16xf32>,
        %mul3A_256 = arith.mulf %get3A_252, %get3A_255 : vector<16xf32>
        %add3A_257 = arith.constant 0 : i32
        %add3A_258 = vector.broadcast %add3A_257 : i32 to vector<16xi32>
        %add3A_259 = arith.addi %iota3A, %add3A_258 : vector<16xi32>
        %add3A_260 = arith.addf %mul3A_207, %mul3A_214 : vector<16xf32>
        %add3A_261 = arith.addf %mul3A_221, %mul3A_228 : vector<16xf32>
        %add3A_262 = arith.addf %mul3A_235, %mul3A_242 : vector<16xf32>
        %add3A_263 = arith.addf %mul3A_249, %mul3A_256 : vector<16xf32>
        %add3A_264 = arith.addf %add3A_260, %add3A_261 : vector<16xf32>
        %add3A_265 = arith.addf %add3A_262, %add3A_263 : vector<16xf32>
        %add3A_266 = arith.addf %add3A_264, %add3A_265 : vector<16xf32>
        tpu.vector_store_idx %arg13[%add3A_259], %add3A_266 : memref<272xf32, #tpu.memory_space<vmem>>[vector<16xi32>], vector<16xf32>,
        %add3A_267 = arith.constant 1 : i32
        %add3A_268 = arith.addi %mul3A_199, %add3A_267 : i32
        %get3A_269 = arith.index_cast %add3A_268 : i32 to index
        %get3A_270 = arith.constant 0 : index
        %get3A_271 = tpu.vector_load %arg9[%get3A_269, %get3A_270] {strides = array<i32>} : memref<48x128xf32, #tpu.memory_space<vmem>>, vector<16xf32>,
        %get3A_272 = arith.index_cast %add3A_268 : i32 to index
        %get3A_273 = arith.constant 0 : index
        %get3A_274 = tpu.vector_load %arg10[%get3A_272, %get3A_273] {strides = array<i32>} : memref<48x128xf32, #tpu.memory_space<vmem>>, vector<16xf32>,
        %mul3A_275 = arith.mulf %get3A_271, %get3A_274 : vector<16xf32>
        %get3A_276 = arith.index_cast %add3A_268 : i32 to index
        %get3A_277 = arith.constant 16 : index
        %get3A_278 = tpu.vector_load %arg9[%get3A_276, %get3A_277] {strides = array<i32>} : memref<48x128xf32, #tpu.memory_space<vmem>>, vector<16xf32>,
        %get3A_279 = arith.index_cast %add3A_268 : i32 to index
        %get3A_280 = arith.constant 16 : index
        %get3A_281 = tpu.vector_load %arg10[%get3A_279, %get3A_280] {strides = array<i32>} : memref<48x128xf32, #tpu.memory_space<vmem>>, vector<16xf32>,
        %mul3A_282 = arith.mulf %get3A_278, %get3A_281 : vector<16xf32>
        %get3A_283 = arith.index_cast %add3A_268 : i32 to index
        %get3A_284 = arith.constant 32 : index
        %get3A_285 = tpu.vector_load %arg9[%get3A_283, %get3A_284] {strides = array<i32>} : memref<48x128xf32, #tpu.memory_space<vmem>>, vector<16xf32>,
        %get3A_286 = arith.index_cast %add3A_268 : i32 to index
        %get3A_287 = arith.constant 32 : index
        %get3A_288 = tpu.vector_load %arg10[%get3A_286, %get3A_287] {strides = array<i32>} : memref<48x128xf32, #tpu.memory_space<vmem>>, vector<16xf32>,
        %mul3A_289 = arith.mulf %get3A_285, %get3A_288 : vector<16xf32>
        %get3A_290 = arith.index_cast %add3A_268 : i32 to index
        %get3A_291 = arith.constant 48 : index
        %get3A_292 = tpu.vector_load %arg9[%get3A_290, %get3A_291] {strides = array<i32>} : memref<48x128xf32, #tpu.memory_space<vmem>>, vector<16xf32>,
        %get3A_293 = arith.index_cast %add3A_268 : i32 to index
        %get3A_294 = arith.constant 48 : index
        %get3A_295 = tpu.vector_load %arg10[%get3A_293, %get3A_294] {strides = array<i32>} : memref<48x128xf32, #tpu.memory_space<vmem>>, vector<16xf32>,
        %mul3A_296 = arith.mulf %get3A_292, %get3A_295 : vector<16xf32>
        %get3A_297 = arith.index_cast %add3A_268 : i32 to index
        %get3A_298 = arith.constant 64 : index
        %get3A_299 = tpu.vector_load %arg9[%get3A_297, %get3A_298] {strides = array<i32>} : memref<48x128xf32, #tpu.memory_space<vmem>>, vector<16xf32>,
        %get3A_300 = arith.index_cast %add3A_268 : i32 to index
        %get3A_301 = arith.constant 64 : index
        %get3A_302 = tpu.vector_load %arg10[%get3A_300, %get3A_301] {strides = array<i32>} : memref<48x128xf32, #tpu.memory_space<vmem>>, vector<16xf32>,
        %mul3A_303 = arith.mulf %get3A_299, %get3A_302 : vector<16xf32>
        %get3A_304 = arith.index_cast %add3A_268 : i32 to index
        %get3A_305 = arith.constant 80 : index
        %get3A_306 = tpu.vector_load %arg9[%get3A_304, %get3A_305] {strides = array<i32>} : memref<48x128xf32, #tpu.memory_space<vmem>>, vector<16xf32>,
        %get3A_307 = arith.index_cast %add3A_268 : i32 to index
        %get3A_308 = arith.constant 80 : index
        %get3A_309 = tpu.vector_load %arg10[%get3A_307, %get3A_308] {strides = array<i32>} : memref<48x128xf32, #tpu.memory_space<vmem>>, vector<16xf32>,
        %mul3A_310 = arith.mulf %get3A_306, %get3A_309 : vector<16xf32>
        %get3A_311 = arith.index_cast %add3A_268 : i32 to index
        %get3A_312 = arith.constant 96 : index
        %get3A_313 = tpu.vector_load %arg9[%get3A_311, %get3A_312] {strides = array<i32>} : memref<48x128xf32, #tpu.memory_space<vmem>>, vector<16xf32>,
        %get3A_314 = arith.index_cast %add3A_268 : i32 to index
        %get3A_315 = arith.constant 96 : index
        %get3A_316 = tpu.vector_load %arg10[%get3A_314, %get3A_315] {strides = array<i32>} : memref<48x128xf32, #tpu.memory_space<vmem>>, vector<16xf32>,
        %mul3A_317 = arith.mulf %get3A_313, %get3A_316 : vector<16xf32>
        %get3A_318 = arith.index_cast %add3A_268 : i32 to index
        %get3A_319 = arith.constant 112 : index
        %get3A_320 = tpu.vector_load %arg9[%get3A_318, %get3A_319] {strides = array<i32>} : memref<48x128xf32, #tpu.memory_space<vmem>>, vector<16xf32>,
        %get3A_321 = arith.index_cast %add3A_268 : i32 to index
        %get3A_322 = arith.constant 112 : index
        %get3A_323 = tpu.vector_load %arg10[%get3A_321, %get3A_322] {strides = array<i32>} : memref<48x128xf32, #tpu.memory_space<vmem>>, vector<16xf32>,
        %mul3A_324 = arith.mulf %get3A_320, %get3A_323 : vector<16xf32>
        %add3A_325 = arith.constant 17 : i32
        %add3A_326 = vector.broadcast %add3A_325 : i32 to vector<16xi32>
        %add3A_327 = arith.addi %iota3A, %add3A_326 : vector<16xi32>
        %add3A_328 = arith.addf %mul3A_275, %mul3A_282 : vector<16xf32>
        %add3A_329 = arith.addf %mul3A_289, %mul3A_296 : vector<16xf32>
        %add3A_330 = arith.addf %mul3A_303, %mul3A_310 : vector<16xf32>
        %add3A_331 = arith.addf %mul3A_317, %mul3A_324 : vector<16xf32>
        %add3A_332 = arith.addf %add3A_328, %add3A_329 : vector<16xf32>
        %add3A_333 = arith.addf %add3A_330, %add3A_331 : vector<16xf32>
        %add3A_334 = arith.addf %add3A_332, %add3A_333 : vector<16xf32>
        tpu.vector_store_idx %arg13[%add3A_327], %add3A_334 : memref<272xf32, #tpu.memory_space<vmem>>[vector<16xi32>], vector<16xf32>,
        %add3A_335 = arith.constant 2 : i32
        %add3A_336 = arith.addi %mul3A_199, %add3A_335 : i32
        %get3A_337 = arith.index_cast %add3A_336 : i32 to index
        %get3A_338 = arith.constant 0 : index
        %get3A_339 = tpu.vector_load %arg9[%get3A_337, %get3A_338] {strides = array<i32>} : memref<48x128xf32, #tpu.memory_space<vmem>>, vector<16xf32>,
        %get3A_340 = arith.index_cast %add3A_336 : i32 to index
        %get3A_341 = arith.constant 0 : index
        %get3A_342 = tpu.vector_load %arg10[%get3A_340, %get3A_341] {strides = array<i32>} : memref<48x128xf32, #tpu.memory_space<vmem>>, vector<16xf32>,
        %mul3A_343 = arith.mulf %get3A_339, %get3A_342 : vector<16xf32>
        %get3A_344 = arith.index_cast %add3A_336 : i32 to index
        %get3A_345 = arith.constant 16 : index
        %get3A_346 = tpu.vector_load %arg9[%get3A_344, %get3A_345] {strides = array<i32>} : memref<48x128xf32, #tpu.memory_space<vmem>>, vector<16xf32>,
        %get3A_347 = arith.index_cast %add3A_336 : i32 to index
        %get3A_348 = arith.constant 16 : index
        %get3A_349 = tpu.vector_load %arg10[%get3A_347, %get3A_348] {strides = array<i32>} : memref<48x128xf32, #tpu.memory_space<vmem>>, vector<16xf32>,
        %mul3A_350 = arith.mulf %get3A_346, %get3A_349 : vector<16xf32>
        %get3A_351 = arith.index_cast %add3A_336 : i32 to index
        %get3A_352 = arith.constant 32 : index
        %get3A_353 = tpu.vector_load %arg9[%get3A_351, %get3A_352] {strides = array<i32>} : memref<48x128xf32, #tpu.memory_space<vmem>>, vector<16xf32>,
        %get3A_354 = arith.index_cast %add3A_336 : i32 to index
        %get3A_355 = arith.constant 32 : index
        %get3A_356 = tpu.vector_load %arg10[%get3A_354, %get3A_355] {strides = array<i32>} : memref<48x128xf32, #tpu.memory_space<vmem>>, vector<16xf32>,
        %mul3A_357 = arith.mulf %get3A_353, %get3A_356 : vector<16xf32>
        %get3A_358 = arith.index_cast %add3A_336 : i32 to index
        %get3A_359 = arith.constant 48 : index
        %get3A_360 = tpu.vector_load %arg9[%get3A_358, %get3A_359] {strides = array<i32>} : memref<48x128xf32, #tpu.memory_space<vmem>>, vector<16xf32>,
        %get3A_361 = arith.index_cast %add3A_336 : i32 to index
        %get3A_362 = arith.constant 48 : index
        %get3A_363 = tpu.vector_load %arg10[%get3A_361, %get3A_362] {strides = array<i32>} : memref<48x128xf32, #tpu.memory_space<vmem>>, vector<16xf32>,
        %mul3A_364 = arith.mulf %get3A_360, %get3A_363 : vector<16xf32>
        %get3A_365 = arith.index_cast %add3A_336 : i32 to index
        %get3A_366 = arith.constant 64 : index
        %get3A_367 = tpu.vector_load %arg9[%get3A_365, %get3A_366] {strides = array<i32>} : memref<48x128xf32, #tpu.memory_space<vmem>>, vector<16xf32>,
        %get3A_368 = arith.index_cast %add3A_336 : i32 to index
        %get3A_369 = arith.constant 64 : index
        %get3A_370 = tpu.vector_load %arg10[%get3A_368, %get3A_369] {strides = array<i32>} : memref<48x128xf32, #tpu.memory_space<vmem>>, vector<16xf32>,
        %mul3A_371 = arith.mulf %get3A_367, %get3A_370 : vector<16xf32>
        %get3A_372 = arith.index_cast %add3A_336 : i32 to index
        %get3A_373 = arith.constant 80 : index
        %get3A_374 = tpu.vector_load %arg9[%get3A_372, %get3A_373] {strides = array<i32>} : memref<48x128xf32, #tpu.memory_space<vmem>>, vector<16xf32>,
        %get3A_375 = arith.index_cast %add3A_336 : i32 to index
        %get3A_376 = arith.constant 80 : index
        %get3A_377 = tpu.vector_load %arg10[%get3A_375, %get3A_376] {strides = array<i32>} : memref<48x128xf32, #tpu.memory_space<vmem>>, vector<16xf32>,
        %mul3A_378 = arith.mulf %get3A_374, %get3A_377 : vector<16xf32>
        %get3A_379 = arith.index_cast %add3A_336 : i32 to index
        %get3A_380 = arith.constant 96 : index
        %get3A_381 = tpu.vector_load %arg9[%get3A_379, %get3A_380] {strides = array<i32>} : memref<48x128xf32, #tpu.memory_space<vmem>>, vector<16xf32>,
        %get3A_382 = arith.index_cast %add3A_336 : i32 to index
        %get3A_383 = arith.constant 96 : index
        %get3A_384 = tpu.vector_load %arg10[%get3A_382, %get3A_383] {strides = array<i32>} : memref<48x128xf32, #tpu.memory_space<vmem>>, vector<16xf32>,
        %mul3A_385 = arith.mulf %get3A_381, %get3A_384 : vector<16xf32>
        %get3A_386 = arith.index_cast %add3A_336 : i32 to index
        %get3A_387 = arith.constant 112 : index
        %get3A_388 = tpu.vector_load %arg9[%get3A_386, %get3A_387] {strides = array<i32>} : memref<48x128xf32, #tpu.memory_space<vmem>>, vector<16xf32>,
        %get3A_389 = arith.index_cast %add3A_336 : i32 to index
        %get3A_390 = arith.constant 112 : index
        %get3A_391 = tpu.vector_load %arg10[%get3A_389, %get3A_390] {strides = array<i32>} : memref<48x128xf32, #tpu.memory_space<vmem>>, vector<16xf32>,
        %mul3A_392 = arith.mulf %get3A_388, %get3A_391 : vector<16xf32>
        %add3A_393 = arith.constant 34 : i32
        %add3A_394 = vector.broadcast %add3A_393 : i32 to vector<16xi32>
        %add3A_395 = arith.addi %iota3A, %add3A_394 : vector<16xi32>
        %add3A_396 = arith.addf %mul3A_343, %mul3A_350 : vector<16xf32>
        %add3A_397 = arith.addf %mul3A_357, %mul3A_364 : vector<16xf32>
        %add3A_398 = arith.addf %mul3A_371, %mul3A_378 : vector<16xf32>
        %add3A_399 = arith.addf %mul3A_385, %mul3A_392 : vector<16xf32>
        %add3A_400 = arith.addf %add3A_396, %add3A_397 : vector<16xf32>
        %add3A_401 = arith.addf %add3A_398, %add3A_399 : vector<16xf32>
        %add3A_402 = arith.addf %add3A_400, %add3A_401 : vector<16xf32>
        tpu.vector_store_idx %arg13[%add3A_395], %add3A_402 : memref<272xf32, #tpu.memory_space<vmem>>[vector<16xi32>], vector<16xf32>,
        %add3A_403 = arith.constant 3 : i32
        %add3A_404 = arith.addi %mul3A_199, %add3A_403 : i32
        %get3A_405 = arith.index_cast %add3A_404 : i32 to index
        %get3A_406 = arith.constant 0 : index
        %get3A_407 = tpu.vector_load %arg9[%get3A_405, %get3A_406] {strides = array<i32>} : memref<48x128xf32, #tpu.memory_space<vmem>>, vector<16xf32>,
        %get3A_408 = arith.index_cast %add3A_404 : i32 to index
        %get3A_409 = arith.constant 0 : index
        %get3A_410 = tpu.vector_load %arg10[%get3A_408, %get3A_409] {strides = array<i32>} : memref<48x128xf32, #tpu.memory_space<vmem>>, vector<16xf32>,
        %mul3A_411 = arith.mulf %get3A_407, %get3A_410 : vector<16xf32>
        %get3A_412 = arith.index_cast %add3A_404 : i32 to index
        %get3A_413 = arith.constant 16 : index
        %get3A_414 = tpu.vector_load %arg9[%get3A_412, %get3A_413] {strides = array<i32>} : memref<48x128xf32, #tpu.memory_space<vmem>>, vector<16xf32>,
        %get3A_415 = arith.index_cast %add3A_404 : i32 to index
        %get3A_416 = arith.constant 16 : index
        %get3A_417 = tpu.vector_load %arg10[%get3A_415, %get3A_416] {strides = array<i32>} : memref<48x128xf32, #tpu.memory_space<vmem>>, vector<16xf32>,
        %mul3A_418 = arith.mulf %get3A_414, %get3A_417 : vector<16xf32>
        %get3A_419 = arith.index_cast %add3A_404 : i32 to index
        %get3A_420 = arith.constant 32 : index
        %get3A_421 = tpu.vector_load %arg9[%get3A_419, %get3A_420] {strides = array<i32>} : memref<48x128xf32, #tpu.memory_space<vmem>>, vector<16xf32>,
        %get3A_422 = arith.index_cast %add3A_404 : i32 to index
        %get3A_423 = arith.constant 32 : index
        %get3A_424 = tpu.vector_load %arg10[%get3A_422, %get3A_423] {strides = array<i32>} : memref<48x128xf32, #tpu.memory_space<vmem>>, vector<16xf32>,
        %mul3A_425 = arith.mulf %get3A_421, %get3A_424 : vector<16xf32>
        %get3A_426 = arith.index_cast %add3A_404 : i32 to index
        %get3A_427 = arith.constant 48 : index
        %get3A_428 = tpu.vector_load %arg9[%get3A_426, %get3A_427] {strides = array<i32>} : memref<48x128xf32, #tpu.memory_space<vmem>>, vector<16xf32>,
        %get3A_429 = arith.index_cast %add3A_404 : i32 to index
        %get3A_430 = arith.constant 48 : index
        %get3A_431 = tpu.vector_load %arg10[%get3A_429, %get3A_430] {strides = array<i32>} : memref<48x128xf32, #tpu.memory_space<vmem>>, vector<16xf32>,
        %mul3A_432 = arith.mulf %get3A_428, %get3A_431 : vector<16xf32>
        %get3A_433 = arith.index_cast %add3A_404 : i32 to index
        %get3A_434 = arith.constant 64 : index
        %get3A_435 = tpu.vector_load %arg9[%get3A_433, %get3A_434] {strides = array<i32>} : memref<48x128xf32, #tpu.memory_space<vmem>>, vector<16xf32>,
        %get3A_436 = arith.index_cast %add3A_404 : i32 to index
        %get3A_437 = arith.constant 64 : index
        %get3A_438 = tpu.vector_load %arg10[%get3A_436, %get3A_437] {strides = array<i32>} : memref<48x128xf32, #tpu.memory_space<vmem>>, vector<16xf32>,
        %mul3A_439 = arith.mulf %get3A_435, %get3A_438 : vector<16xf32>
        %get3A_440 = arith.index_cast %add3A_404 : i32 to index
        %get3A_441 = arith.constant 80 : index
        %get3A_442 = tpu.vector_load %arg9[%get3A_440, %get3A_441] {strides = array<i32>} : memref<48x128xf32, #tpu.memory_space<vmem>>, vector<16xf32>,
        %get3A_443 = arith.index_cast %add3A_404 : i32 to index
        %get3A_444 = arith.constant 80 : index
        %get3A_445 = tpu.vector_load %arg10[%get3A_443, %get3A_444] {strides = array<i32>} : memref<48x128xf32, #tpu.memory_space<vmem>>, vector<16xf32>,
        %mul3A_446 = arith.mulf %get3A_442, %get3A_445 : vector<16xf32>
        %get3A_447 = arith.index_cast %add3A_404 : i32 to index
        %get3A_448 = arith.constant 96 : index
        %get3A_449 = tpu.vector_load %arg9[%get3A_447, %get3A_448] {strides = array<i32>} : memref<48x128xf32, #tpu.memory_space<vmem>>, vector<16xf32>,
        %get3A_450 = arith.index_cast %add3A_404 : i32 to index
        %get3A_451 = arith.constant 96 : index
        %get3A_452 = tpu.vector_load %arg10[%get3A_450, %get3A_451] {strides = array<i32>} : memref<48x128xf32, #tpu.memory_space<vmem>>, vector<16xf32>,
        %mul3A_453 = arith.mulf %get3A_449, %get3A_452 : vector<16xf32>
        %get3A_454 = arith.index_cast %add3A_404 : i32 to index
        %get3A_455 = arith.constant 112 : index
        %get3A_456 = tpu.vector_load %arg9[%get3A_454, %get3A_455] {strides = array<i32>} : memref<48x128xf32, #tpu.memory_space<vmem>>, vector<16xf32>,
        %get3A_457 = arith.index_cast %add3A_404 : i32 to index
        %get3A_458 = arith.constant 112 : index
        %get3A_459 = tpu.vector_load %arg10[%get3A_457, %get3A_458] {strides = array<i32>} : memref<48x128xf32, #tpu.memory_space<vmem>>, vector<16xf32>,
        %mul3A_460 = arith.mulf %get3A_456, %get3A_459 : vector<16xf32>
        %add3A_461 = arith.constant 51 : i32
        %add3A_462 = vector.broadcast %add3A_461 : i32 to vector<16xi32>
        %add3A_463 = arith.addi %iota3A, %add3A_462 : vector<16xi32>
        %add3A_464 = arith.addf %mul3A_411, %mul3A_418 : vector<16xf32>
        %add3A_465 = arith.addf %mul3A_425, %mul3A_432 : vector<16xf32>
        %add3A_466 = arith.addf %mul3A_439, %mul3A_446 : vector<16xf32>
        %add3A_467 = arith.addf %mul3A_453, %mul3A_460 : vector<16xf32>
        %add3A_468 = arith.addf %add3A_464, %add3A_465 : vector<16xf32>
        %add3A_469 = arith.addf %add3A_466, %add3A_467 : vector<16xf32>
        %add3A_470 = arith.addf %add3A_468, %add3A_469 : vector<16xf32>
        tpu.vector_store_idx %arg13[%add3A_463], %add3A_470 : memref<272xf32, #tpu.memory_space<vmem>>[vector<16xi32>], vector<16xf32>,
        %add3A_471 = arith.constant 4 : i32
        %add3A_472 = arith.addi %mul3A_199, %add3A_471 : i32
        %get3A_473 = arith.index_cast %add3A_472 : i32 to index
        %get3A_474 = arith.constant 0 : index
        %get3A_475 = tpu.vector_load %arg9[%get3A_473, %get3A_474] {strides = array<i32>} : memref<48x128xf32, #tpu.memory_space<vmem>>, vector<16xf32>,
        %get3A_476 = arith.index_cast %add3A_472 : i32 to index
        %get3A_477 = arith.constant 0 : index
        %get3A_478 = tpu.vector_load %arg10[%get3A_476, %get3A_477] {strides = array<i32>} : memref<48x128xf32, #tpu.memory_space<vmem>>, vector<16xf32>,
        %mul3A_479 = arith.mulf %get3A_475, %get3A_478 : vector<16xf32>
        %get3A_480 = arith.index_cast %add3A_472 : i32 to index
        %get3A_481 = arith.constant 16 : index
        %get3A_482 = tpu.vector_load %arg9[%get3A_480, %get3A_481] {strides = array<i32>} : memref<48x128xf32, #tpu.memory_space<vmem>>, vector<16xf32>,
        %get3A_483 = arith.index_cast %add3A_472 : i32 to index
        %get3A_484 = arith.constant 16 : index
        %get3A_485 = tpu.vector_load %arg10[%get3A_483, %get3A_484] {strides = array<i32>} : memref<48x128xf32, #tpu.memory_space<vmem>>, vector<16xf32>,
        %mul3A_486 = arith.mulf %get3A_482, %get3A_485 : vector<16xf32>
        %get3A_487 = arith.index_cast %add3A_472 : i32 to index
        %get3A_488 = arith.constant 32 : index
        %get3A_489 = tpu.vector_load %arg9[%get3A_487, %get3A_488] {strides = array<i32>} : memref<48x128xf32, #tpu.memory_space<vmem>>, vector<16xf32>,
        %get3A_490 = arith.index_cast %add3A_472 : i32 to index
        %get3A_491 = arith.constant 32 : index
        %get3A_492 = tpu.vector_load %arg10[%get3A_490, %get3A_491] {strides = array<i32>} : memref<48x128xf32, #tpu.memory_space<vmem>>, vector<16xf32>,
        %mul3A_493 = arith.mulf %get3A_489, %get3A_492 : vector<16xf32>
        %get3A_494 = arith.index_cast %add3A_472 : i32 to index
        %get3A_495 = arith.constant 48 : index
        %get3A_496 = tpu.vector_load %arg9[%get3A_494, %get3A_495] {strides = array<i32>} : memref<48x128xf32, #tpu.memory_space<vmem>>, vector<16xf32>,
        %get3A_497 = arith.index_cast %add3A_472 : i32 to index
        %get3A_498 = arith.constant 48 : index
        %get3A_499 = tpu.vector_load %arg10[%get3A_497, %get3A_498] {strides = array<i32>} : memref<48x128xf32, #tpu.memory_space<vmem>>, vector<16xf32>,
        %mul3A_500 = arith.mulf %get3A_496, %get3A_499 : vector<16xf32>
        %get3A_501 = arith.index_cast %add3A_472 : i32 to index
        %get3A_502 = arith.constant 64 : index
        %get3A_503 = tpu.vector_load %arg9[%get3A_501, %get3A_502] {strides = array<i32>} : memref<48x128xf32, #tpu.memory_space<vmem>>, vector<16xf32>,
        %get3A_504 = arith.index_cast %add3A_472 : i32 to index
        %get3A_505 = arith.constant 64 : index
        %get3A_506 = tpu.vector_load %arg10[%get3A_504, %get3A_505] {strides = array<i32>} : memref<48x128xf32, #tpu.memory_space<vmem>>, vector<16xf32>,
        %mul3A_507 = arith.mulf %get3A_503, %get3A_506 : vector<16xf32>
        %get3A_508 = arith.index_cast %add3A_472 : i32 to index
        %get3A_509 = arith.constant 80 : index
        %get3A_510 = tpu.vector_load %arg9[%get3A_508, %get3A_509] {strides = array<i32>} : memref<48x128xf32, #tpu.memory_space<vmem>>, vector<16xf32>,
        %get3A_511 = arith.index_cast %add3A_472 : i32 to index
        %get3A_512 = arith.constant 80 : index
        %get3A_513 = tpu.vector_load %arg10[%get3A_511, %get3A_512] {strides = array<i32>} : memref<48x128xf32, #tpu.memory_space<vmem>>, vector<16xf32>,
        %mul3A_514 = arith.mulf %get3A_510, %get3A_513 : vector<16xf32>
        %get3A_515 = arith.index_cast %add3A_472 : i32 to index
        %get3A_516 = arith.constant 96 : index
        %get3A_517 = tpu.vector_load %arg9[%get3A_515, %get3A_516] {strides = array<i32>} : memref<48x128xf32, #tpu.memory_space<vmem>>, vector<16xf32>,
        %get3A_518 = arith.index_cast %add3A_472 : i32 to index
        %get3A_519 = arith.constant 96 : index
        %get3A_520 = tpu.vector_load %arg10[%get3A_518, %get3A_519] {strides = array<i32>} : memref<48x128xf32, #tpu.memory_space<vmem>>, vector<16xf32>,
        %mul3A_521 = arith.mulf %get3A_517, %get3A_520 : vector<16xf32>
        %get3A_522 = arith.index_cast %add3A_472 : i32 to index
        %get3A_523 = arith.constant 112 : index
        %get3A_524 = tpu.vector_load %arg9[%get3A_522, %get3A_523] {strides = array<i32>} : memref<48x128xf32, #tpu.memory_space<vmem>>, vector<16xf32>,
        %get3A_525 = arith.index_cast %add3A_472 : i32 to index
        %get3A_526 = arith.constant 112 : index
        %get3A_527 = tpu.vector_load %arg10[%get3A_525, %get3A_526] {strides = array<i32>} : memref<48x128xf32, #tpu.memory_space<vmem>>, vector<16xf32>,
        %mul3A_528 = arith.mulf %get3A_524, %get3A_527 : vector<16xf32>
        %add3A_529 = arith.constant 68 : i32
        %add3A_530 = vector.broadcast %add3A_529 : i32 to vector<16xi32>
        %add3A_531 = arith.addi %iota3A, %add3A_530 : vector<16xi32>
        %add3A_532 = arith.addf %mul3A_479, %mul3A_486 : vector<16xf32>
        %add3A_533 = arith.addf %mul3A_493, %mul3A_500 : vector<16xf32>
        %add3A_534 = arith.addf %mul3A_507, %mul3A_514 : vector<16xf32>
        %add3A_535 = arith.addf %mul3A_521, %mul3A_528 : vector<16xf32>
        %add3A_536 = arith.addf %add3A_532, %add3A_533 : vector<16xf32>
        %add3A_537 = arith.addf %add3A_534, %add3A_535 : vector<16xf32>
        %add3A_538 = arith.addf %add3A_536, %add3A_537 : vector<16xf32>
        tpu.vector_store_idx %arg13[%add3A_531], %add3A_538 : memref<272xf32, #tpu.memory_space<vmem>>[vector<16xi32>], vector<16xf32>,
        %add3A_539 = arith.constant 5 : i32
        %add3A_540 = arith.addi %mul3A_199, %add3A_539 : i32
        %get3A_541 = arith.index_cast %add3A_540 : i32 to index
        %get3A_542 = arith.constant 0 : index
        %get3A_543 = tpu.vector_load %arg9[%get3A_541, %get3A_542] {strides = array<i32>} : memref<48x128xf32, #tpu.memory_space<vmem>>, vector<16xf32>,
        %get3A_544 = arith.index_cast %add3A_540 : i32 to index
        %get3A_545 = arith.constant 0 : index
        %get3A_546 = tpu.vector_load %arg10[%get3A_544, %get3A_545] {strides = array<i32>} : memref<48x128xf32, #tpu.memory_space<vmem>>, vector<16xf32>,
        %mul3A_547 = arith.mulf %get3A_543, %get3A_546 : vector<16xf32>
        %get3A_548 = arith.index_cast %add3A_540 : i32 to index
        %get3A_549 = arith.constant 16 : index
        %get3A_550 = tpu.vector_load %arg9[%get3A_548, %get3A_549] {strides = array<i32>} : memref<48x128xf32, #tpu.memory_space<vmem>>, vector<16xf32>,
        %get3A_551 = arith.index_cast %add3A_540 : i32 to index
        %get3A_552 = arith.constant 16 : index
        %get3A_553 = tpu.vector_load %arg10[%get3A_551, %get3A_552] {strides = array<i32>} : memref<48x128xf32, #tpu.memory_space<vmem>>, vector<16xf32>,
        %mul3A_554 = arith.mulf %get3A_550, %get3A_553 : vector<16xf32>
        %get3A_555 = arith.index_cast %add3A_540 : i32 to index
        %get3A_556 = arith.constant 32 : index
        %get3A_557 = tpu.vector_load %arg9[%get3A_555, %get3A_556] {strides = array<i32>} : memref<48x128xf32, #tpu.memory_space<vmem>>, vector<16xf32>,
        %get3A_558 = arith.index_cast %add3A_540 : i32 to index
        %get3A_559 = arith.constant 32 : index
        %get3A_560 = tpu.vector_load %arg10[%get3A_558, %get3A_559] {strides = array<i32>} : memref<48x128xf32, #tpu.memory_space<vmem>>, vector<16xf32>,
        %mul3A_561 = arith.mulf %get3A_557, %get3A_560 : vector<16xf32>
        %get3A_562 = arith.index_cast %add3A_540 : i32 to index
        %get3A_563 = arith.constant 48 : index
        %get3A_564 = tpu.vector_load %arg9[%get3A_562, %get3A_563] {strides = array<i32>} : memref<48x128xf32, #tpu.memory_space<vmem>>, vector<16xf32>,
        %get3A_565 = arith.index_cast %add3A_540 : i32 to index
        %get3A_566 = arith.constant 48 : index
        %get3A_567 = tpu.vector_load %arg10[%get3A_565, %get3A_566] {strides = array<i32>} : memref<48x128xf32, #tpu.memory_space<vmem>>, vector<16xf32>,
        %mul3A_568 = arith.mulf %get3A_564, %get3A_567 : vector<16xf32>
        %get3A_569 = arith.index_cast %add3A_540 : i32 to index
        %get3A_570 = arith.constant 64 : index
        %get3A_571 = tpu.vector_load %arg9[%get3A_569, %get3A_570] {strides = array<i32>} : memref<48x128xf32, #tpu.memory_space<vmem>>, vector<16xf32>,
        %get3A_572 = arith.index_cast %add3A_540 : i32 to index
        %get3A_573 = arith.constant 64 : index
        %get3A_574 = tpu.vector_load %arg10[%get3A_572, %get3A_573] {strides = array<i32>} : memref<48x128xf32, #tpu.memory_space<vmem>>, vector<16xf32>,
        %mul3A_575 = arith.mulf %get3A_571, %get3A_574 : vector<16xf32>
        %get3A_576 = arith.index_cast %add3A_540 : i32 to index
        %get3A_577 = arith.constant 80 : index
        %get3A_578 = tpu.vector_load %arg9[%get3A_576, %get3A_577] {strides = array<i32>} : memref<48x128xf32, #tpu.memory_space<vmem>>, vector<16xf32>,
        %get3A_579 = arith.index_cast %add3A_540 : i32 to index
        %get3A_580 = arith.constant 80 : index
        %get3A_581 = tpu.vector_load %arg10[%get3A_579, %get3A_580] {strides = array<i32>} : memref<48x128xf32, #tpu.memory_space<vmem>>, vector<16xf32>,
        %mul3A_582 = arith.mulf %get3A_578, %get3A_581 : vector<16xf32>
        %get3A_583 = arith.index_cast %add3A_540 : i32 to index
        %get3A_584 = arith.constant 96 : index
        %get3A_585 = tpu.vector_load %arg9[%get3A_583, %get3A_584] {strides = array<i32>} : memref<48x128xf32, #tpu.memory_space<vmem>>, vector<16xf32>,
        %get3A_586 = arith.index_cast %add3A_540 : i32 to index
        %get3A_587 = arith.constant 96 : index
        %get3A_588 = tpu.vector_load %arg10[%get3A_586, %get3A_587] {strides = array<i32>} : memref<48x128xf32, #tpu.memory_space<vmem>>, vector<16xf32>,
        %mul3A_589 = arith.mulf %get3A_585, %get3A_588 : vector<16xf32>
        %get3A_590 = arith.index_cast %add3A_540 : i32 to index
        %get3A_591 = arith.constant 112 : index
        %get3A_592 = tpu.vector_load %arg9[%get3A_590, %get3A_591] {strides = array<i32>} : memref<48x128xf32, #tpu.memory_space<vmem>>, vector<16xf32>,
        %get3A_593 = arith.index_cast %add3A_540 : i32 to index
        %get3A_594 = arith.constant 112 : index
        %get3A_595 = tpu.vector_load %arg10[%get3A_593, %get3A_594] {strides = array<i32>} : memref<48x128xf32, #tpu.memory_space<vmem>>, vector<16xf32>,
        %mul3A_596 = arith.mulf %get3A_592, %get3A_595 : vector<16xf32>
        %add3A_597 = arith.constant 85 : i32
        %add3A_598 = vector.broadcast %add3A_597 : i32 to vector<16xi32>
        %add3A_599 = arith.addi %iota3A, %add3A_598 : vector<16xi32>
        %add3A_600 = arith.addf %mul3A_547, %mul3A_554 : vector<16xf32>
        %add3A_601 = arith.addf %mul3A_561, %mul3A_568 : vector<16xf32>
        %add3A_602 = arith.addf %mul3A_575, %mul3A_582 : vector<16xf32>
        %add3A_603 = arith.addf %mul3A_589, %mul3A_596 : vector<16xf32>
        %add3A_604 = arith.addf %add3A_600, %add3A_601 : vector<16xf32>
        %add3A_605 = arith.addf %add3A_602, %add3A_603 : vector<16xf32>
        %add3A_606 = arith.addf %add3A_604, %add3A_605 : vector<16xf32>
        tpu.vector_store_idx %arg13[%add3A_599], %add3A_606 : memref<272xf32, #tpu.memory_space<vmem>>[vector<16xi32>], vector<16xf32>,
        %add3A_607 = arith.constant 6 : i32
        %add3A_608 = arith.addi %mul3A_199, %add3A_607 : i32
        %get3A_609 = arith.index_cast %add3A_608 : i32 to index
        %get3A_610 = arith.constant 0 : index
        %get3A_611 = tpu.vector_load %arg9[%get3A_609, %get3A_610] {strides = array<i32>} : memref<48x128xf32, #tpu.memory_space<vmem>>, vector<16xf32>,
        %get3A_612 = arith.index_cast %add3A_608 : i32 to index
        %get3A_613 = arith.constant 0 : index
        %get3A_614 = tpu.vector_load %arg10[%get3A_612, %get3A_613] {strides = array<i32>} : memref<48x128xf32, #tpu.memory_space<vmem>>, vector<16xf32>,
        %mul3A_615 = arith.mulf %get3A_611, %get3A_614 : vector<16xf32>
        %get3A_616 = arith.index_cast %add3A_608 : i32 to index
        %get3A_617 = arith.constant 16 : index
        %get3A_618 = tpu.vector_load %arg9[%get3A_616, %get3A_617] {strides = array<i32>} : memref<48x128xf32, #tpu.memory_space<vmem>>, vector<16xf32>,
        %get3A_619 = arith.index_cast %add3A_608 : i32 to index
        %get3A_620 = arith.constant 16 : index
        %get3A_621 = tpu.vector_load %arg10[%get3A_619, %get3A_620] {strides = array<i32>} : memref<48x128xf32, #tpu.memory_space<vmem>>, vector<16xf32>,
        %mul3A_622 = arith.mulf %get3A_618, %get3A_621 : vector<16xf32>
        %get3A_623 = arith.index_cast %add3A_608 : i32 to index
        %get3A_624 = arith.constant 32 : index
        %get3A_625 = tpu.vector_load %arg9[%get3A_623, %get3A_624] {strides = array<i32>} : memref<48x128xf32, #tpu.memory_space<vmem>>, vector<16xf32>,
        %get3A_626 = arith.index_cast %add3A_608 : i32 to index
        %get3A_627 = arith.constant 32 : index
        %get3A_628 = tpu.vector_load %arg10[%get3A_626, %get3A_627] {strides = array<i32>} : memref<48x128xf32, #tpu.memory_space<vmem>>, vector<16xf32>,
        %mul3A_629 = arith.mulf %get3A_625, %get3A_628 : vector<16xf32>
        %get3A_630 = arith.index_cast %add3A_608 : i32 to index
        %get3A_631 = arith.constant 48 : index
        %get3A_632 = tpu.vector_load %arg9[%get3A_630, %get3A_631] {strides = array<i32>} : memref<48x128xf32, #tpu.memory_space<vmem>>, vector<16xf32>,
        %get3A_633 = arith.index_cast %add3A_608 : i32 to index
        %get3A_634 = arith.constant 48 : index
        %get3A_635 = tpu.vector_load %arg10[%get3A_633, %get3A_634] {strides = array<i32>} : memref<48x128xf32, #tpu.memory_space<vmem>>, vector<16xf32>,
        %mul3A_636 = arith.mulf %get3A_632, %get3A_635 : vector<16xf32>
        %get3A_637 = arith.index_cast %add3A_608 : i32 to index
        %get3A_638 = arith.constant 64 : index
        %get3A_639 = tpu.vector_load %arg9[%get3A_637, %get3A_638] {strides = array<i32>} : memref<48x128xf32, #tpu.memory_space<vmem>>, vector<16xf32>,
        %get3A_640 = arith.index_cast %add3A_608 : i32 to index
        %get3A_641 = arith.constant 64 : index
        %get3A_642 = tpu.vector_load %arg10[%get3A_640, %get3A_641] {strides = array<i32>} : memref<48x128xf32, #tpu.memory_space<vmem>>, vector<16xf32>,
        %mul3A_643 = arith.mulf %get3A_639, %get3A_642 : vector<16xf32>
        %get3A_644 = arith.index_cast %add3A_608 : i32 to index
        %get3A_645 = arith.constant 80 : index
        %get3A_646 = tpu.vector_load %arg9[%get3A_644, %get3A_645] {strides = array<i32>} : memref<48x128xf32, #tpu.memory_space<vmem>>, vector<16xf32>,
        %get3A_647 = arith.index_cast %add3A_608 : i32 to index
        %get3A_648 = arith.constant 80 : index
        %get3A_649 = tpu.vector_load %arg10[%get3A_647, %get3A_648] {strides = array<i32>} : memref<48x128xf32, #tpu.memory_space<vmem>>, vector<16xf32>,
        %mul3A_650 = arith.mulf %get3A_646, %get3A_649 : vector<16xf32>
        %get3A_651 = arith.index_cast %add3A_608 : i32 to index
        %get3A_652 = arith.constant 96 : index
        %get3A_653 = tpu.vector_load %arg9[%get3A_651, %get3A_652] {strides = array<i32>} : memref<48x128xf32, #tpu.memory_space<vmem>>, vector<16xf32>,
        %get3A_654 = arith.index_cast %add3A_608 : i32 to index
        %get3A_655 = arith.constant 96 : index
        %get3A_656 = tpu.vector_load %arg10[%get3A_654, %get3A_655] {strides = array<i32>} : memref<48x128xf32, #tpu.memory_space<vmem>>, vector<16xf32>,
        %mul3A_657 = arith.mulf %get3A_653, %get3A_656 : vector<16xf32>
        %get3A_658 = arith.index_cast %add3A_608 : i32 to index
        %get3A_659 = arith.constant 112 : index
        %get3A_660 = tpu.vector_load %arg9[%get3A_658, %get3A_659] {strides = array<i32>} : memref<48x128xf32, #tpu.memory_space<vmem>>, vector<16xf32>,
        %get3A_661 = arith.index_cast %add3A_608 : i32 to index
        %get3A_662 = arith.constant 112 : index
        %get3A_663 = tpu.vector_load %arg10[%get3A_661, %get3A_662] {strides = array<i32>} : memref<48x128xf32, #tpu.memory_space<vmem>>, vector<16xf32>,
        %mul3A_664 = arith.mulf %get3A_660, %get3A_663 : vector<16xf32>
        %add3A_665 = arith.constant 102 : i32
        %add3A_666 = vector.broadcast %add3A_665 : i32 to vector<16xi32>
        %add3A_667 = arith.addi %iota3A, %add3A_666 : vector<16xi32>
        %add3A_668 = arith.addf %mul3A_615, %mul3A_622 : vector<16xf32>
        %add3A_669 = arith.addf %mul3A_629, %mul3A_636 : vector<16xf32>
        %add3A_670 = arith.addf %mul3A_643, %mul3A_650 : vector<16xf32>
        %add3A_671 = arith.addf %mul3A_657, %mul3A_664 : vector<16xf32>
        %add3A_672 = arith.addf %add3A_668, %add3A_669 : vector<16xf32>
        %add3A_673 = arith.addf %add3A_670, %add3A_671 : vector<16xf32>
        %add3A_674 = arith.addf %add3A_672, %add3A_673 : vector<16xf32>
        tpu.vector_store_idx %arg13[%add3A_667], %add3A_674 : memref<272xf32, #tpu.memory_space<vmem>>[vector<16xi32>], vector<16xf32>,
        %add3A_675 = arith.constant 7 : i32
        %add3A_676 = arith.addi %mul3A_199, %add3A_675 : i32
        %get3A_677 = arith.index_cast %add3A_676 : i32 to index
        %get3A_678 = arith.constant 0 : index
        %get3A_679 = tpu.vector_load %arg9[%get3A_677, %get3A_678] {strides = array<i32>} : memref<48x128xf32, #tpu.memory_space<vmem>>, vector<16xf32>,
        %get3A_680 = arith.index_cast %add3A_676 : i32 to index
        %get3A_681 = arith.constant 0 : index
        %get3A_682 = tpu.vector_load %arg10[%get3A_680, %get3A_681] {strides = array<i32>} : memref<48x128xf32, #tpu.memory_space<vmem>>, vector<16xf32>,
        %mul3A_683 = arith.mulf %get3A_679, %get3A_682 : vector<16xf32>
        %get3A_684 = arith.index_cast %add3A_676 : i32 to index
        %get3A_685 = arith.constant 16 : index
        %get3A_686 = tpu.vector_load %arg9[%get3A_684, %get3A_685] {strides = array<i32>} : memref<48x128xf32, #tpu.memory_space<vmem>>, vector<16xf32>,
        %get3A_687 = arith.index_cast %add3A_676 : i32 to index
        %get3A_688 = arith.constant 16 : index
        %get3A_689 = tpu.vector_load %arg10[%get3A_687, %get3A_688] {strides = array<i32>} : memref<48x128xf32, #tpu.memory_space<vmem>>, vector<16xf32>,
        %mul3A_690 = arith.mulf %get3A_686, %get3A_689 : vector<16xf32>
        %get3A_691 = arith.index_cast %add3A_676 : i32 to index
        %get3A_692 = arith.constant 32 : index
        %get3A_693 = tpu.vector_load %arg9[%get3A_691, %get3A_692] {strides = array<i32>} : memref<48x128xf32, #tpu.memory_space<vmem>>, vector<16xf32>,
        %get3A_694 = arith.index_cast %add3A_676 : i32 to index
        %get3A_695 = arith.constant 32 : index
        %get3A_696 = tpu.vector_load %arg10[%get3A_694, %get3A_695] {strides = array<i32>} : memref<48x128xf32, #tpu.memory_space<vmem>>, vector<16xf32>,
        %mul3A_697 = arith.mulf %get3A_693, %get3A_696 : vector<16xf32>
        %get3A_698 = arith.index_cast %add3A_676 : i32 to index
        %get3A_699 = arith.constant 48 : index
        %get3A_700 = tpu.vector_load %arg9[%get3A_698, %get3A_699] {strides = array<i32>} : memref<48x128xf32, #tpu.memory_space<vmem>>, vector<16xf32>,
        %get3A_701 = arith.index_cast %add3A_676 : i32 to index
        %get3A_702 = arith.constant 48 : index
        %get3A_703 = tpu.vector_load %arg10[%get3A_701, %get3A_702] {strides = array<i32>} : memref<48x128xf32, #tpu.memory_space<vmem>>, vector<16xf32>,
        %mul3A_704 = arith.mulf %get3A_700, %get3A_703 : vector<16xf32>
        %get3A_705 = arith.index_cast %add3A_676 : i32 to index
        %get3A_706 = arith.constant 64 : index
        %get3A_707 = tpu.vector_load %arg9[%get3A_705, %get3A_706] {strides = array<i32>} : memref<48x128xf32, #tpu.memory_space<vmem>>, vector<16xf32>,
        %get3A_708 = arith.index_cast %add3A_676 : i32 to index
        %get3A_709 = arith.constant 64 : index
        %get3A_710 = tpu.vector_load %arg10[%get3A_708, %get3A_709] {strides = array<i32>} : memref<48x128xf32, #tpu.memory_space<vmem>>, vector<16xf32>,
        %mul3A_711 = arith.mulf %get3A_707, %get3A_710 : vector<16xf32>
        %get3A_712 = arith.index_cast %add3A_676 : i32 to index
        %get3A_713 = arith.constant 80 : index
        %get3A_714 = tpu.vector_load %arg9[%get3A_712, %get3A_713] {strides = array<i32>} : memref<48x128xf32, #tpu.memory_space<vmem>>, vector<16xf32>,
        %get3A_715 = arith.index_cast %add3A_676 : i32 to index
        %get3A_716 = arith.constant 80 : index
        %get3A_717 = tpu.vector_load %arg10[%get3A_715, %get3A_716] {strides = array<i32>} : memref<48x128xf32, #tpu.memory_space<vmem>>, vector<16xf32>,
        %mul3A_718 = arith.mulf %get3A_714, %get3A_717 : vector<16xf32>
        %get3A_719 = arith.index_cast %add3A_676 : i32 to index
        %get3A_720 = arith.constant 96 : index
        %get3A_721 = tpu.vector_load %arg9[%get3A_719, %get3A_720] {strides = array<i32>} : memref<48x128xf32, #tpu.memory_space<vmem>>, vector<16xf32>,
        %get3A_722 = arith.index_cast %add3A_676 : i32 to index
        %get3A_723 = arith.constant 96 : index
        %get3A_724 = tpu.vector_load %arg10[%get3A_722, %get3A_723] {strides = array<i32>} : memref<48x128xf32, #tpu.memory_space<vmem>>, vector<16xf32>,
        %mul3A_725 = arith.mulf %get3A_721, %get3A_724 : vector<16xf32>
        %get3A_726 = arith.index_cast %add3A_676 : i32 to index
        %get3A_727 = arith.constant 112 : index
        %get3A_728 = tpu.vector_load %arg9[%get3A_726, %get3A_727] {strides = array<i32>} : memref<48x128xf32, #tpu.memory_space<vmem>>, vector<16xf32>,
        %get3A_729 = arith.index_cast %add3A_676 : i32 to index
        %get3A_730 = arith.constant 112 : index
        %get3A_731 = tpu.vector_load %arg10[%get3A_729, %get3A_730] {strides = array<i32>} : memref<48x128xf32, #tpu.memory_space<vmem>>, vector<16xf32>,
        %mul3A_732 = arith.mulf %get3A_728, %get3A_731 : vector<16xf32>
        %add3A_733 = arith.constant 119 : i32
        %add3A_734 = vector.broadcast %add3A_733 : i32 to vector<16xi32>
        %add3A_735 = arith.addi %iota3A, %add3A_734 : vector<16xi32>
        %add3A_736 = arith.addf %mul3A_683, %mul3A_690 : vector<16xf32>
        %add3A_737 = arith.addf %mul3A_697, %mul3A_704 : vector<16xf32>
        %add3A_738 = arith.addf %mul3A_711, %mul3A_718 : vector<16xf32>
        %add3A_739 = arith.addf %mul3A_725, %mul3A_732 : vector<16xf32>
        %add3A_740 = arith.addf %add3A_736, %add3A_737 : vector<16xf32>
        %add3A_741 = arith.addf %add3A_738, %add3A_739 : vector<16xf32>
        %add3A_742 = arith.addf %add3A_740, %add3A_741 : vector<16xf32>
        tpu.vector_store_idx %arg13[%add3A_735], %add3A_742 : memref<272xf32, #tpu.memory_space<vmem>>[vector<16xi32>], vector<16xf32>,
        %add3A_743 = arith.constant 8 : i32
        %add3A_744 = arith.addi %mul3A_199, %add3A_743 : i32
        %get3A_745 = arith.index_cast %add3A_744 : i32 to index
        %get3A_746 = arith.constant 0 : index
        %get3A_747 = tpu.vector_load %arg9[%get3A_745, %get3A_746] {strides = array<i32>} : memref<48x128xf32, #tpu.memory_space<vmem>>, vector<16xf32>,
        %get3A_748 = arith.index_cast %add3A_744 : i32 to index
        %get3A_749 = arith.constant 0 : index
        %get3A_750 = tpu.vector_load %arg10[%get3A_748, %get3A_749] {strides = array<i32>} : memref<48x128xf32, #tpu.memory_space<vmem>>, vector<16xf32>,
        %mul3A_751 = arith.mulf %get3A_747, %get3A_750 : vector<16xf32>
        %get3A_752 = arith.index_cast %add3A_744 : i32 to index
        %get3A_753 = arith.constant 16 : index
        %get3A_754 = tpu.vector_load %arg9[%get3A_752, %get3A_753] {strides = array<i32>} : memref<48x128xf32, #tpu.memory_space<vmem>>, vector<16xf32>,
        %get3A_755 = arith.index_cast %add3A_744 : i32 to index
        %get3A_756 = arith.constant 16 : index
        %get3A_757 = tpu.vector_load %arg10[%get3A_755, %get3A_756] {strides = array<i32>} : memref<48x128xf32, #tpu.memory_space<vmem>>, vector<16xf32>,
        %mul3A_758 = arith.mulf %get3A_754, %get3A_757 : vector<16xf32>
        %get3A_759 = arith.index_cast %add3A_744 : i32 to index
        %get3A_760 = arith.constant 32 : index
        %get3A_761 = tpu.vector_load %arg9[%get3A_759, %get3A_760] {strides = array<i32>} : memref<48x128xf32, #tpu.memory_space<vmem>>, vector<16xf32>,
        %get3A_762 = arith.index_cast %add3A_744 : i32 to index
        %get3A_763 = arith.constant 32 : index
        %get3A_764 = tpu.vector_load %arg10[%get3A_762, %get3A_763] {strides = array<i32>} : memref<48x128xf32, #tpu.memory_space<vmem>>, vector<16xf32>,
        %mul3A_765 = arith.mulf %get3A_761, %get3A_764 : vector<16xf32>
        %get3A_766 = arith.index_cast %add3A_744 : i32 to index
        %get3A_767 = arith.constant 48 : index
        %get3A_768 = tpu.vector_load %arg9[%get3A_766, %get3A_767] {strides = array<i32>} : memref<48x128xf32, #tpu.memory_space<vmem>>, vector<16xf32>,
        %get3A_769 = arith.index_cast %add3A_744 : i32 to index
        %get3A_770 = arith.constant 48 : index
        %get3A_771 = tpu.vector_load %arg10[%get3A_769, %get3A_770] {strides = array<i32>} : memref<48x128xf32, #tpu.memory_space<vmem>>, vector<16xf32>,
        %mul3A_772 = arith.mulf %get3A_768, %get3A_771 : vector<16xf32>
        %get3A_773 = arith.index_cast %add3A_744 : i32 to index
        %get3A_774 = arith.constant 64 : index
        %get3A_775 = tpu.vector_load %arg9[%get3A_773, %get3A_774] {strides = array<i32>} : memref<48x128xf32, #tpu.memory_space<vmem>>, vector<16xf32>,
        %get3A_776 = arith.index_cast %add3A_744 : i32 to index
        %get3A_777 = arith.constant 64 : index
        %get3A_778 = tpu.vector_load %arg10[%get3A_776, %get3A_777] {strides = array<i32>} : memref<48x128xf32, #tpu.memory_space<vmem>>, vector<16xf32>,
        %mul3A_779 = arith.mulf %get3A_775, %get3A_778 : vector<16xf32>
        %get3A_780 = arith.index_cast %add3A_744 : i32 to index
        %get3A_781 = arith.constant 80 : index
        %get3A_782 = tpu.vector_load %arg9[%get3A_780, %get3A_781] {strides = array<i32>} : memref<48x128xf32, #tpu.memory_space<vmem>>, vector<16xf32>,
        %get3A_783 = arith.index_cast %add3A_744 : i32 to index
        %get3A_784 = arith.constant 80 : index
        %get3A_785 = tpu.vector_load %arg10[%get3A_783, %get3A_784] {strides = array<i32>} : memref<48x128xf32, #tpu.memory_space<vmem>>, vector<16xf32>,
        %mul3A_786 = arith.mulf %get3A_782, %get3A_785 : vector<16xf32>
        %get3A_787 = arith.index_cast %add3A_744 : i32 to index
        %get3A_788 = arith.constant 96 : index
        %get3A_789 = tpu.vector_load %arg9[%get3A_787, %get3A_788] {strides = array<i32>} : memref<48x128xf32, #tpu.memory_space<vmem>>, vector<16xf32>,
        %get3A_790 = arith.index_cast %add3A_744 : i32 to index
        %get3A_791 = arith.constant 96 : index
        %get3A_792 = tpu.vector_load %arg10[%get3A_790, %get3A_791] {strides = array<i32>} : memref<48x128xf32, #tpu.memory_space<vmem>>, vector<16xf32>,
        %mul3A_793 = arith.mulf %get3A_789, %get3A_792 : vector<16xf32>
        %get3A_794 = arith.index_cast %add3A_744 : i32 to index
        %get3A_795 = arith.constant 112 : index
        %get3A_796 = tpu.vector_load %arg9[%get3A_794, %get3A_795] {strides = array<i32>} : memref<48x128xf32, #tpu.memory_space<vmem>>, vector<16xf32>,
        %get3A_797 = arith.index_cast %add3A_744 : i32 to index
        %get3A_798 = arith.constant 112 : index
        %get3A_799 = tpu.vector_load %arg10[%get3A_797, %get3A_798] {strides = array<i32>} : memref<48x128xf32, #tpu.memory_space<vmem>>, vector<16xf32>,
        %mul3A_800 = arith.mulf %get3A_796, %get3A_799 : vector<16xf32>
        %add3A_801 = arith.constant 136 : i32
        %add3A_802 = vector.broadcast %add3A_801 : i32 to vector<16xi32>
        %add3A_803 = arith.addi %iota3A, %add3A_802 : vector<16xi32>
        %add3A_804 = arith.addf %mul3A_751, %mul3A_758 : vector<16xf32>
        %add3A_805 = arith.addf %mul3A_765, %mul3A_772 : vector<16xf32>
        %add3A_806 = arith.addf %mul3A_779, %mul3A_786 : vector<16xf32>
        %add3A_807 = arith.addf %mul3A_793, %mul3A_800 : vector<16xf32>
        %add3A_808 = arith.addf %add3A_804, %add3A_805 : vector<16xf32>
        %add3A_809 = arith.addf %add3A_806, %add3A_807 : vector<16xf32>
        %add3A_810 = arith.addf %add3A_808, %add3A_809 : vector<16xf32>
        tpu.vector_store_idx %arg13[%add3A_803], %add3A_810 : memref<272xf32, #tpu.memory_space<vmem>>[vector<16xi32>], vector<16xf32>,
        %add3A_811 = arith.constant 9 : i32
        %add3A_812 = arith.addi %mul3A_199, %add3A_811 : i32
        %get3A_813 = arith.index_cast %add3A_812 : i32 to index
        %get3A_814 = arith.constant 0 : index
        %get3A_815 = tpu.vector_load %arg9[%get3A_813, %get3A_814] {strides = array<i32>} : memref<48x128xf32, #tpu.memory_space<vmem>>, vector<16xf32>,
        %get3A_816 = arith.index_cast %add3A_812 : i32 to index
        %get3A_817 = arith.constant 0 : index
        %get3A_818 = tpu.vector_load %arg10[%get3A_816, %get3A_817] {strides = array<i32>} : memref<48x128xf32, #tpu.memory_space<vmem>>, vector<16xf32>,
        %mul3A_819 = arith.mulf %get3A_815, %get3A_818 : vector<16xf32>
        %get3A_820 = arith.index_cast %add3A_812 : i32 to index
        %get3A_821 = arith.constant 16 : index
        %get3A_822 = tpu.vector_load %arg9[%get3A_820, %get3A_821] {strides = array<i32>} : memref<48x128xf32, #tpu.memory_space<vmem>>, vector<16xf32>,
        %get3A_823 = arith.index_cast %add3A_812 : i32 to index
        %get3A_824 = arith.constant 16 : index
        %get3A_825 = tpu.vector_load %arg10[%get3A_823, %get3A_824] {strides = array<i32>} : memref<48x128xf32, #tpu.memory_space<vmem>>, vector<16xf32>,
        %mul3A_826 = arith.mulf %get3A_822, %get3A_825 : vector<16xf32>
        %get3A_827 = arith.index_cast %add3A_812 : i32 to index
        %get3A_828 = arith.constant 32 : index
        %get3A_829 = tpu.vector_load %arg9[%get3A_827, %get3A_828] {strides = array<i32>} : memref<48x128xf32, #tpu.memory_space<vmem>>, vector<16xf32>,
        %get3A_830 = arith.index_cast %add3A_812 : i32 to index
        %get3A_831 = arith.constant 32 : index
        %get3A_832 = tpu.vector_load %arg10[%get3A_830, %get3A_831] {strides = array<i32>} : memref<48x128xf32, #tpu.memory_space<vmem>>, vector<16xf32>,
        %mul3A_833 = arith.mulf %get3A_829, %get3A_832 : vector<16xf32>
        %get3A_834 = arith.index_cast %add3A_812 : i32 to index
        %get3A_835 = arith.constant 48 : index
        %get3A_836 = tpu.vector_load %arg9[%get3A_834, %get3A_835] {strides = array<i32>} : memref<48x128xf32, #tpu.memory_space<vmem>>, vector<16xf32>,
        %get3A_837 = arith.index_cast %add3A_812 : i32 to index
        %get3A_838 = arith.constant 48 : index
        %get3A_839 = tpu.vector_load %arg10[%get3A_837, %get3A_838] {strides = array<i32>} : memref<48x128xf32, #tpu.memory_space<vmem>>, vector<16xf32>,
        %mul3A_840 = arith.mulf %get3A_836, %get3A_839 : vector<16xf32>
        %get3A_841 = arith.index_cast %add3A_812 : i32 to index
        %get3A_842 = arith.constant 64 : index
        %get3A_843 = tpu.vector_load %arg9[%get3A_841, %get3A_842] {strides = array<i32>} : memref<48x128xf32, #tpu.memory_space<vmem>>, vector<16xf32>,
        %get3A_844 = arith.index_cast %add3A_812 : i32 to index
        %get3A_845 = arith.constant 64 : index
        %get3A_846 = tpu.vector_load %arg10[%get3A_844, %get3A_845] {strides = array<i32>} : memref<48x128xf32, #tpu.memory_space<vmem>>, vector<16xf32>,
        %mul3A_847 = arith.mulf %get3A_843, %get3A_846 : vector<16xf32>
        %get3A_848 = arith.index_cast %add3A_812 : i32 to index
        %get3A_849 = arith.constant 80 : index
        %get3A_850 = tpu.vector_load %arg9[%get3A_848, %get3A_849] {strides = array<i32>} : memref<48x128xf32, #tpu.memory_space<vmem>>, vector<16xf32>,
        %get3A_851 = arith.index_cast %add3A_812 : i32 to index
        %get3A_852 = arith.constant 80 : index
        %get3A_853 = tpu.vector_load %arg10[%get3A_851, %get3A_852] {strides = array<i32>} : memref<48x128xf32, #tpu.memory_space<vmem>>, vector<16xf32>,
        %mul3A_854 = arith.mulf %get3A_850, %get3A_853 : vector<16xf32>
        %get3A_855 = arith.index_cast %add3A_812 : i32 to index
        %get3A_856 = arith.constant 96 : index
        %get3A_857 = tpu.vector_load %arg9[%get3A_855, %get3A_856] {strides = array<i32>} : memref<48x128xf32, #tpu.memory_space<vmem>>, vector<16xf32>,
        %get3A_858 = arith.index_cast %add3A_812 : i32 to index
        %get3A_859 = arith.constant 96 : index
        %get3A_860 = tpu.vector_load %arg10[%get3A_858, %get3A_859] {strides = array<i32>} : memref<48x128xf32, #tpu.memory_space<vmem>>, vector<16xf32>,
        %mul3A_861 = arith.mulf %get3A_857, %get3A_860 : vector<16xf32>
        %get3A_862 = arith.index_cast %add3A_812 : i32 to index
        %get3A_863 = arith.constant 112 : index
        %get3A_864 = tpu.vector_load %arg9[%get3A_862, %get3A_863] {strides = array<i32>} : memref<48x128xf32, #tpu.memory_space<vmem>>, vector<16xf32>,
        %get3A_865 = arith.index_cast %add3A_812 : i32 to index
        %get3A_866 = arith.constant 112 : index
        %get3A_867 = tpu.vector_load %arg10[%get3A_865, %get3A_866] {strides = array<i32>} : memref<48x128xf32, #tpu.memory_space<vmem>>, vector<16xf32>,
        %mul3A_868 = arith.mulf %get3A_864, %get3A_867 : vector<16xf32>
        %add3A_869 = arith.constant 153 : i32
        %add3A_870 = vector.broadcast %add3A_869 : i32 to vector<16xi32>
        %add3A_871 = arith.addi %iota3A, %add3A_870 : vector<16xi32>
        %add3A_872 = arith.addf %mul3A_819, %mul3A_826 : vector<16xf32>
        %add3A_873 = arith.addf %mul3A_833, %mul3A_840 : vector<16xf32>
        %add3A_874 = arith.addf %mul3A_847, %mul3A_854 : vector<16xf32>
        %add3A_875 = arith.addf %mul3A_861, %mul3A_868 : vector<16xf32>
        %add3A_876 = arith.addf %add3A_872, %add3A_873 : vector<16xf32>
        %add3A_877 = arith.addf %add3A_874, %add3A_875 : vector<16xf32>
        %add3A_878 = arith.addf %add3A_876, %add3A_877 : vector<16xf32>
        tpu.vector_store_idx %arg13[%add3A_871], %add3A_878 : memref<272xf32, #tpu.memory_space<vmem>>[vector<16xi32>], vector<16xf32>,
        %add3A_879 = arith.constant 10 : i32
        %add3A_880 = arith.addi %mul3A_199, %add3A_879 : i32
        %get3A_881 = arith.index_cast %add3A_880 : i32 to index
        %get3A_882 = arith.constant 0 : index
        %get3A_883 = tpu.vector_load %arg9[%get3A_881, %get3A_882] {strides = array<i32>} : memref<48x128xf32, #tpu.memory_space<vmem>>, vector<16xf32>,
        %get3A_884 = arith.index_cast %add3A_880 : i32 to index
        %get3A_885 = arith.constant 0 : index
        %get3A_886 = tpu.vector_load %arg10[%get3A_884, %get3A_885] {strides = array<i32>} : memref<48x128xf32, #tpu.memory_space<vmem>>, vector<16xf32>,
        %mul3A_887 = arith.mulf %get3A_883, %get3A_886 : vector<16xf32>
        %get3A_888 = arith.index_cast %add3A_880 : i32 to index
        %get3A_889 = arith.constant 16 : index
        %get3A_890 = tpu.vector_load %arg9[%get3A_888, %get3A_889] {strides = array<i32>} : memref<48x128xf32, #tpu.memory_space<vmem>>, vector<16xf32>,
        %get3A_891 = arith.index_cast %add3A_880 : i32 to index
        %get3A_892 = arith.constant 16 : index
        %get3A_893 = tpu.vector_load %arg10[%get3A_891, %get3A_892] {strides = array<i32>} : memref<48x128xf32, #tpu.memory_space<vmem>>, vector<16xf32>,
        %mul3A_894 = arith.mulf %get3A_890, %get3A_893 : vector<16xf32>
        %get3A_895 = arith.index_cast %add3A_880 : i32 to index
        %get3A_896 = arith.constant 32 : index
        %get3A_897 = tpu.vector_load %arg9[%get3A_895, %get3A_896] {strides = array<i32>} : memref<48x128xf32, #tpu.memory_space<vmem>>, vector<16xf32>,
        %get3A_898 = arith.index_cast %add3A_880 : i32 to index
        %get3A_899 = arith.constant 32 : index
        %get3A_900 = tpu.vector_load %arg10[%get3A_898, %get3A_899] {strides = array<i32>} : memref<48x128xf32, #tpu.memory_space<vmem>>, vector<16xf32>,
        %mul3A_901 = arith.mulf %get3A_897, %get3A_900 : vector<16xf32>
        %get3A_902 = arith.index_cast %add3A_880 : i32 to index
        %get3A_903 = arith.constant 48 : index
        %get3A_904 = tpu.vector_load %arg9[%get3A_902, %get3A_903] {strides = array<i32>} : memref<48x128xf32, #tpu.memory_space<vmem>>, vector<16xf32>,
        %get3A_905 = arith.index_cast %add3A_880 : i32 to index
        %get3A_906 = arith.constant 48 : index
        %get3A_907 = tpu.vector_load %arg10[%get3A_905, %get3A_906] {strides = array<i32>} : memref<48x128xf32, #tpu.memory_space<vmem>>, vector<16xf32>,
        %mul3A_908 = arith.mulf %get3A_904, %get3A_907 : vector<16xf32>
        %get3A_909 = arith.index_cast %add3A_880 : i32 to index
        %get3A_910 = arith.constant 64 : index
        %get3A_911 = tpu.vector_load %arg9[%get3A_909, %get3A_910] {strides = array<i32>} : memref<48x128xf32, #tpu.memory_space<vmem>>, vector<16xf32>,
        %get3A_912 = arith.index_cast %add3A_880 : i32 to index
        %get3A_913 = arith.constant 64 : index
        %get3A_914 = tpu.vector_load %arg10[%get3A_912, %get3A_913] {strides = array<i32>} : memref<48x128xf32, #tpu.memory_space<vmem>>, vector<16xf32>,
        %mul3A_915 = arith.mulf %get3A_911, %get3A_914 : vector<16xf32>
        %get3A_916 = arith.index_cast %add3A_880 : i32 to index
        %get3A_917 = arith.constant 80 : index
        %get3A_918 = tpu.vector_load %arg9[%get3A_916, %get3A_917] {strides = array<i32>} : memref<48x128xf32, #tpu.memory_space<vmem>>, vector<16xf32>,
        %get3A_919 = arith.index_cast %add3A_880 : i32 to index
        %get3A_920 = arith.constant 80 : index
        %get3A_921 = tpu.vector_load %arg10[%get3A_919, %get3A_920] {strides = array<i32>} : memref<48x128xf32, #tpu.memory_space<vmem>>, vector<16xf32>,
        %mul3A_922 = arith.mulf %get3A_918, %get3A_921 : vector<16xf32>
        %get3A_923 = arith.index_cast %add3A_880 : i32 to index
        %get3A_924 = arith.constant 96 : index
        %get3A_925 = tpu.vector_load %arg9[%get3A_923, %get3A_924] {strides = array<i32>} : memref<48x128xf32, #tpu.memory_space<vmem>>, vector<16xf32>,
        %get3A_926 = arith.index_cast %add3A_880 : i32 to index
        %get3A_927 = arith.constant 96 : index
        %get3A_928 = tpu.vector_load %arg10[%get3A_926, %get3A_927] {strides = array<i32>} : memref<48x128xf32, #tpu.memory_space<vmem>>, vector<16xf32>,
        %mul3A_929 = arith.mulf %get3A_925, %get3A_928 : vector<16xf32>
        %get3A_930 = arith.index_cast %add3A_880 : i32 to index
        %get3A_931 = arith.constant 112 : index
        %get3A_932 = tpu.vector_load %arg9[%get3A_930, %get3A_931] {strides = array<i32>} : memref<48x128xf32, #tpu.memory_space<vmem>>, vector<16xf32>,
        %get3A_933 = arith.index_cast %add3A_880 : i32 to index
        %get3A_934 = arith.constant 112 : index
        %get3A_935 = tpu.vector_load %arg10[%get3A_933, %get3A_934] {strides = array<i32>} : memref<48x128xf32, #tpu.memory_space<vmem>>, vector<16xf32>,
        %mul3A_936 = arith.mulf %get3A_932, %get3A_935 : vector<16xf32>
        %add3A_937 = arith.constant 170 : i32
        %add3A_938 = vector.broadcast %add3A_937 : i32 to vector<16xi32>
        %add3A_939 = arith.addi %iota3A, %add3A_938 : vector<16xi32>
        %add3A_940 = arith.addf %mul3A_887, %mul3A_894 : vector<16xf32>
        %add3A_941 = arith.addf %mul3A_901, %mul3A_908 : vector<16xf32>
        %add3A_942 = arith.addf %mul3A_915, %mul3A_922 : vector<16xf32>
        %add3A_943 = arith.addf %mul3A_929, %mul3A_936 : vector<16xf32>
        %add3A_944 = arith.addf %add3A_940, %add3A_941 : vector<16xf32>
        %add3A_945 = arith.addf %add3A_942, %add3A_943 : vector<16xf32>
        %add3A_946 = arith.addf %add3A_944, %add3A_945 : vector<16xf32>
        tpu.vector_store_idx %arg13[%add3A_939], %add3A_946 : memref<272xf32, #tpu.memory_space<vmem>>[vector<16xi32>], vector<16xf32>,
        %add3A_947 = arith.constant 11 : i32
        %add3A_948 = arith.addi %mul3A_199, %add3A_947 : i32
        %get3A_949 = arith.index_cast %add3A_948 : i32 to index
        %get3A_950 = arith.constant 0 : index
        %get3A_951 = tpu.vector_load %arg9[%get3A_949, %get3A_950] {strides = array<i32>} : memref<48x128xf32, #tpu.memory_space<vmem>>, vector<16xf32>,
        %get3A_952 = arith.index_cast %add3A_948 : i32 to index
        %get3A_953 = arith.constant 0 : index
        %get3A_954 = tpu.vector_load %arg10[%get3A_952, %get3A_953] {strides = array<i32>} : memref<48x128xf32, #tpu.memory_space<vmem>>, vector<16xf32>,
        %mul3A_955 = arith.mulf %get3A_951, %get3A_954 : vector<16xf32>
        %get3A_956 = arith.index_cast %add3A_948 : i32 to index
        %get3A_957 = arith.constant 16 : index
        %get3A_958 = tpu.vector_load %arg9[%get3A_956, %get3A_957] {strides = array<i32>} : memref<48x128xf32, #tpu.memory_space<vmem>>, vector<16xf32>,
        %get3A_959 = arith.index_cast %add3A_948 : i32 to index
        %get3A_960 = arith.constant 16 : index
        %get3A_961 = tpu.vector_load %arg10[%get3A_959, %get3A_960] {strides = array<i32>} : memref<48x128xf32, #tpu.memory_space<vmem>>, vector<16xf32>,
        %mul3A_962 = arith.mulf %get3A_958, %get3A_961 : vector<16xf32>
        %get3A_963 = arith.index_cast %add3A_948 : i32 to index
        %get3A_964 = arith.constant 32 : index
        %get3A_965 = tpu.vector_load %arg9[%get3A_963, %get3A_964] {strides = array<i32>} : memref<48x128xf32, #tpu.memory_space<vmem>>, vector<16xf32>,
        %get3A_966 = arith.index_cast %add3A_948 : i32 to index
        %get3A_967 = arith.constant 32 : index
        %get3A_968 = tpu.vector_load %arg10[%get3A_966, %get3A_967] {strides = array<i32>} : memref<48x128xf32, #tpu.memory_space<vmem>>, vector<16xf32>,
        %mul3A_969 = arith.mulf %get3A_965, %get3A_968 : vector<16xf32>
        %get3A_970 = arith.index_cast %add3A_948 : i32 to index
        %get3A_971 = arith.constant 48 : index
        %get3A_972 = tpu.vector_load %arg9[%get3A_970, %get3A_971] {strides = array<i32>} : memref<48x128xf32, #tpu.memory_space<vmem>>, vector<16xf32>,
        %get3A_973 = arith.index_cast %add3A_948 : i32 to index
        %get3A_974 = arith.constant 48 : index
        %get3A_975 = tpu.vector_load %arg10[%get3A_973, %get3A_974] {strides = array<i32>} : memref<48x128xf32, #tpu.memory_space<vmem>>, vector<16xf32>,
        %mul3A_976 = arith.mulf %get3A_972, %get3A_975 : vector<16xf32>
        %get3A_977 = arith.index_cast %add3A_948 : i32 to index
        %get3A_978 = arith.constant 64 : index
        %get3A_979 = tpu.vector_load %arg9[%get3A_977, %get3A_978] {strides = array<i32>} : memref<48x128xf32, #tpu.memory_space<vmem>>, vector<16xf32>,
        %get3A_980 = arith.index_cast %add3A_948 : i32 to index
        %get3A_981 = arith.constant 64 : index
        %get3A_982 = tpu.vector_load %arg10[%get3A_980, %get3A_981] {strides = array<i32>} : memref<48x128xf32, #tpu.memory_space<vmem>>, vector<16xf32>,
        %mul3A_983 = arith.mulf %get3A_979, %get3A_982 : vector<16xf32>
        %get3A_984 = arith.index_cast %add3A_948 : i32 to index
        %get3A_985 = arith.constant 80 : index
        %get3A_986 = tpu.vector_load %arg9[%get3A_984, %get3A_985] {strides = array<i32>} : memref<48x128xf32, #tpu.memory_space<vmem>>, vector<16xf32>,
        %get3A_987 = arith.index_cast %add3A_948 : i32 to index
        %get3A_988 = arith.constant 80 : index
        %get3A_989 = tpu.vector_load %arg10[%get3A_987, %get3A_988] {strides = array<i32>} : memref<48x128xf32, #tpu.memory_space<vmem>>, vector<16xf32>,
        %mul3A_990 = arith.mulf %get3A_986, %get3A_989 : vector<16xf32>
        %get3A_991 = arith.index_cast %add3A_948 : i32 to index
        %get3A_992 = arith.constant 96 : index
        %get3A_993 = tpu.vector_load %arg9[%get3A_991, %get3A_992] {strides = array<i32>} : memref<48x128xf32, #tpu.memory_space<vmem>>, vector<16xf32>,
        %get3A_994 = arith.index_cast %add3A_948 : i32 to index
        %get3A_995 = arith.constant 96 : index
        %get3A_996 = tpu.vector_load %arg10[%get3A_994, %get3A_995] {strides = array<i32>} : memref<48x128xf32, #tpu.memory_space<vmem>>, vector<16xf32>,
        %mul3A_997 = arith.mulf %get3A_993, %get3A_996 : vector<16xf32>
        %get3A_998 = arith.index_cast %add3A_948 : i32 to index
        %get3A_999 = arith.constant 112 : index
        %get3A_1000 = tpu.vector_load %arg9[%get3A_998, %get3A_999] {strides = array<i32>} : memref<48x128xf32, #tpu.memory_space<vmem>>, vector<16xf32>,
        %get3A_1001 = arith.index_cast %add3A_948 : i32 to index
        %get3A_1002 = arith.constant 112 : index
        %get3A_1003 = tpu.vector_load %arg10[%get3A_1001, %get3A_1002] {strides = array<i32>} : memref<48x128xf32, #tpu.memory_space<vmem>>, vector<16xf32>,
        %mul3A_1004 = arith.mulf %get3A_1000, %get3A_1003 : vector<16xf32>
        %add3A_1005 = arith.constant 187 : i32
        %add3A_1006 = vector.broadcast %add3A_1005 : i32 to vector<16xi32>
        %add3A_1007 = arith.addi %iota3A, %add3A_1006 : vector<16xi32>
        %add3A_1008 = arith.addf %mul3A_955, %mul3A_962 : vector<16xf32>
        %add3A_1009 = arith.addf %mul3A_969, %mul3A_976 : vector<16xf32>
        %add3A_1010 = arith.addf %mul3A_983, %mul3A_990 : vector<16xf32>
        %add3A_1011 = arith.addf %mul3A_997, %mul3A_1004 : vector<16xf32>
        %add3A_1012 = arith.addf %add3A_1008, %add3A_1009 : vector<16xf32>
        %add3A_1013 = arith.addf %add3A_1010, %add3A_1011 : vector<16xf32>
        %add3A_1014 = arith.addf %add3A_1012, %add3A_1013 : vector<16xf32>
        tpu.vector_store_idx %arg13[%add3A_1007], %add3A_1014 : memref<272xf32, #tpu.memory_space<vmem>>[vector<16xi32>], vector<16xf32>,
        %add3A_1015 = arith.constant 12 : i32
        %add3A_1016 = arith.addi %mul3A_199, %add3A_1015 : i32
        %get3A_1017 = arith.index_cast %add3A_1016 : i32 to index
        %get3A_1018 = arith.constant 0 : index
        %get3A_1019 = tpu.vector_load %arg9[%get3A_1017, %get3A_1018] {strides = array<i32>} : memref<48x128xf32, #tpu.memory_space<vmem>>, vector<16xf32>,
        %get3A_1020 = arith.index_cast %add3A_1016 : i32 to index
        %get3A_1021 = arith.constant 0 : index
        %get3A_1022 = tpu.vector_load %arg10[%get3A_1020, %get3A_1021] {strides = array<i32>} : memref<48x128xf32, #tpu.memory_space<vmem>>, vector<16xf32>,
        %mul3A_1023 = arith.mulf %get3A_1019, %get3A_1022 : vector<16xf32>
        %get3A_1024 = arith.index_cast %add3A_1016 : i32 to index
        %get3A_1025 = arith.constant 16 : index
        %get3A_1026 = tpu.vector_load %arg9[%get3A_1024, %get3A_1025] {strides = array<i32>} : memref<48x128xf32, #tpu.memory_space<vmem>>, vector<16xf32>,
        %get3A_1027 = arith.index_cast %add3A_1016 : i32 to index
        %get3A_1028 = arith.constant 16 : index
        %get3A_1029 = tpu.vector_load %arg10[%get3A_1027, %get3A_1028] {strides = array<i32>} : memref<48x128xf32, #tpu.memory_space<vmem>>, vector<16xf32>,
        %mul3A_1030 = arith.mulf %get3A_1026, %get3A_1029 : vector<16xf32>
        %get3A_1031 = arith.index_cast %add3A_1016 : i32 to index
        %get3A_1032 = arith.constant 32 : index
        %get3A_1033 = tpu.vector_load %arg9[%get3A_1031, %get3A_1032] {strides = array<i32>} : memref<48x128xf32, #tpu.memory_space<vmem>>, vector<16xf32>,
        %get3A_1034 = arith.index_cast %add3A_1016 : i32 to index
        %get3A_1035 = arith.constant 32 : index
        %get3A_1036 = tpu.vector_load %arg10[%get3A_1034, %get3A_1035] {strides = array<i32>} : memref<48x128xf32, #tpu.memory_space<vmem>>, vector<16xf32>,
        %mul3A_1037 = arith.mulf %get3A_1033, %get3A_1036 : vector<16xf32>
        %get3A_1038 = arith.index_cast %add3A_1016 : i32 to index
        %get3A_1039 = arith.constant 48 : index
        %get3A_1040 = tpu.vector_load %arg9[%get3A_1038, %get3A_1039] {strides = array<i32>} : memref<48x128xf32, #tpu.memory_space<vmem>>, vector<16xf32>,
        %get3A_1041 = arith.index_cast %add3A_1016 : i32 to index
        %get3A_1042 = arith.constant 48 : index
        %get3A_1043 = tpu.vector_load %arg10[%get3A_1041, %get3A_1042] {strides = array<i32>} : memref<48x128xf32, #tpu.memory_space<vmem>>, vector<16xf32>,
        %mul3A_1044 = arith.mulf %get3A_1040, %get3A_1043 : vector<16xf32>
        %get3A_1045 = arith.index_cast %add3A_1016 : i32 to index
        %get3A_1046 = arith.constant 64 : index
        %get3A_1047 = tpu.vector_load %arg9[%get3A_1045, %get3A_1046] {strides = array<i32>} : memref<48x128xf32, #tpu.memory_space<vmem>>, vector<16xf32>,
        %get3A_1048 = arith.index_cast %add3A_1016 : i32 to index
        %get3A_1049 = arith.constant 64 : index
        %get3A_1050 = tpu.vector_load %arg10[%get3A_1048, %get3A_1049] {strides = array<i32>} : memref<48x128xf32, #tpu.memory_space<vmem>>, vector<16xf32>,
        %mul3A_1051 = arith.mulf %get3A_1047, %get3A_1050 : vector<16xf32>
        %get3A_1052 = arith.index_cast %add3A_1016 : i32 to index
        %get3A_1053 = arith.constant 80 : index
        %get3A_1054 = tpu.vector_load %arg9[%get3A_1052, %get3A_1053] {strides = array<i32>} : memref<48x128xf32, #tpu.memory_space<vmem>>, vector<16xf32>,
        %get3A_1055 = arith.index_cast %add3A_1016 : i32 to index
        %get3A_1056 = arith.constant 80 : index
        %get3A_1057 = tpu.vector_load %arg10[%get3A_1055, %get3A_1056] {strides = array<i32>} : memref<48x128xf32, #tpu.memory_space<vmem>>, vector<16xf32>,
        %mul3A_1058 = arith.mulf %get3A_1054, %get3A_1057 : vector<16xf32>
        %get3A_1059 = arith.index_cast %add3A_1016 : i32 to index
        %get3A_1060 = arith.constant 96 : index
        %get3A_1061 = tpu.vector_load %arg9[%get3A_1059, %get3A_1060] {strides = array<i32>} : memref<48x128xf32, #tpu.memory_space<vmem>>, vector<16xf32>,
        %get3A_1062 = arith.index_cast %add3A_1016 : i32 to index
        %get3A_1063 = arith.constant 96 : index
        %get3A_1064 = tpu.vector_load %arg10[%get3A_1062, %get3A_1063] {strides = array<i32>} : memref<48x128xf32, #tpu.memory_space<vmem>>, vector<16xf32>,
        %mul3A_1065 = arith.mulf %get3A_1061, %get3A_1064 : vector<16xf32>
        %get3A_1066 = arith.index_cast %add3A_1016 : i32 to index
        %get3A_1067 = arith.constant 112 : index
        %get3A_1068 = tpu.vector_load %arg9[%get3A_1066, %get3A_1067] {strides = array<i32>} : memref<48x128xf32, #tpu.memory_space<vmem>>, vector<16xf32>,
        %get3A_1069 = arith.index_cast %add3A_1016 : i32 to index
        %get3A_1070 = arith.constant 112 : index
        %get3A_1071 = tpu.vector_load %arg10[%get3A_1069, %get3A_1070] {strides = array<i32>} : memref<48x128xf32, #tpu.memory_space<vmem>>, vector<16xf32>,
        %mul3A_1072 = arith.mulf %get3A_1068, %get3A_1071 : vector<16xf32>
        %add3A_1073 = arith.constant 204 : i32
        %add3A_1074 = vector.broadcast %add3A_1073 : i32 to vector<16xi32>
        %add3A_1075 = arith.addi %iota3A, %add3A_1074 : vector<16xi32>
        %add3A_1076 = arith.addf %mul3A_1023, %mul3A_1030 : vector<16xf32>
        %add3A_1077 = arith.addf %mul3A_1037, %mul3A_1044 : vector<16xf32>
        %add3A_1078 = arith.addf %mul3A_1051, %mul3A_1058 : vector<16xf32>
        %add3A_1079 = arith.addf %mul3A_1065, %mul3A_1072 : vector<16xf32>
        %add3A_1080 = arith.addf %add3A_1076, %add3A_1077 : vector<16xf32>
        %add3A_1081 = arith.addf %add3A_1078, %add3A_1079 : vector<16xf32>
        %add3A_1082 = arith.addf %add3A_1080, %add3A_1081 : vector<16xf32>
        tpu.vector_store_idx %arg13[%add3A_1075], %add3A_1082 : memref<272xf32, #tpu.memory_space<vmem>>[vector<16xi32>], vector<16xf32>,
        %add3A_1083 = arith.constant 13 : i32
        %add3A_1084 = arith.addi %mul3A_199, %add3A_1083 : i32
        %get3A_1085 = arith.index_cast %add3A_1084 : i32 to index
        %get3A_1086 = arith.constant 0 : index
        %get3A_1087 = tpu.vector_load %arg9[%get3A_1085, %get3A_1086] {strides = array<i32>} : memref<48x128xf32, #tpu.memory_space<vmem>>, vector<16xf32>,
        %get3A_1088 = arith.index_cast %add3A_1084 : i32 to index
        %get3A_1089 = arith.constant 0 : index
        %get3A_1090 = tpu.vector_load %arg10[%get3A_1088, %get3A_1089] {strides = array<i32>} : memref<48x128xf32, #tpu.memory_space<vmem>>, vector<16xf32>,
        %mul3A_1091 = arith.mulf %get3A_1087, %get3A_1090 : vector<16xf32>
        %get3A_1092 = arith.index_cast %add3A_1084 : i32 to index
        %get3A_1093 = arith.constant 16 : index
        %get3A_1094 = tpu.vector_load %arg9[%get3A_1092, %get3A_1093] {strides = array<i32>} : memref<48x128xf32, #tpu.memory_space<vmem>>, vector<16xf32>,
        %get3A_1095 = arith.index_cast %add3A_1084 : i32 to index
        %get3A_1096 = arith.constant 16 : index
        %get3A_1097 = tpu.vector_load %arg10[%get3A_1095, %get3A_1096] {strides = array<i32>} : memref<48x128xf32, #tpu.memory_space<vmem>>, vector<16xf32>,
        %mul3A_1098 = arith.mulf %get3A_1094, %get3A_1097 : vector<16xf32>
        %get3A_1099 = arith.index_cast %add3A_1084 : i32 to index
        %get3A_1100 = arith.constant 32 : index
        %get3A_1101 = tpu.vector_load %arg9[%get3A_1099, %get3A_1100] {strides = array<i32>} : memref<48x128xf32, #tpu.memory_space<vmem>>, vector<16xf32>,
        %get3A_1102 = arith.index_cast %add3A_1084 : i32 to index
        %get3A_1103 = arith.constant 32 : index
        %get3A_1104 = tpu.vector_load %arg10[%get3A_1102, %get3A_1103] {strides = array<i32>} : memref<48x128xf32, #tpu.memory_space<vmem>>, vector<16xf32>,
        %mul3A_1105 = arith.mulf %get3A_1101, %get3A_1104 : vector<16xf32>
        %get3A_1106 = arith.index_cast %add3A_1084 : i32 to index
        %get3A_1107 = arith.constant 48 : index
        %get3A_1108 = tpu.vector_load %arg9[%get3A_1106, %get3A_1107] {strides = array<i32>} : memref<48x128xf32, #tpu.memory_space<vmem>>, vector<16xf32>,
        %get3A_1109 = arith.index_cast %add3A_1084 : i32 to index
        %get3A_1110 = arith.constant 48 : index
        %get3A_1111 = tpu.vector_load %arg10[%get3A_1109, %get3A_1110] {strides = array<i32>} : memref<48x128xf32, #tpu.memory_space<vmem>>, vector<16xf32>,
        %mul3A_1112 = arith.mulf %get3A_1108, %get3A_1111 : vector<16xf32>
        %get3A_1113 = arith.index_cast %add3A_1084 : i32 to index
        %get3A_1114 = arith.constant 64 : index
        %get3A_1115 = tpu.vector_load %arg9[%get3A_1113, %get3A_1114] {strides = array<i32>} : memref<48x128xf32, #tpu.memory_space<vmem>>, vector<16xf32>,
        %get3A_1116 = arith.index_cast %add3A_1084 : i32 to index
        %get3A_1117 = arith.constant 64 : index
        %get3A_1118 = tpu.vector_load %arg10[%get3A_1116, %get3A_1117] {strides = array<i32>} : memref<48x128xf32, #tpu.memory_space<vmem>>, vector<16xf32>,
        %mul3A_1119 = arith.mulf %get3A_1115, %get3A_1118 : vector<16xf32>
        %get3A_1120 = arith.index_cast %add3A_1084 : i32 to index
        %get3A_1121 = arith.constant 80 : index
        %get3A_1122 = tpu.vector_load %arg9[%get3A_1120, %get3A_1121] {strides = array<i32>} : memref<48x128xf32, #tpu.memory_space<vmem>>, vector<16xf32>,
        %get3A_1123 = arith.index_cast %add3A_1084 : i32 to index
        %get3A_1124 = arith.constant 80 : index
        %get3A_1125 = tpu.vector_load %arg10[%get3A_1123, %get3A_1124] {strides = array<i32>} : memref<48x128xf32, #tpu.memory_space<vmem>>, vector<16xf32>,
        %mul3A_1126 = arith.mulf %get3A_1122, %get3A_1125 : vector<16xf32>
        %get3A_1127 = arith.index_cast %add3A_1084 : i32 to index
        %get3A_1128 = arith.constant 96 : index
        %get3A_1129 = tpu.vector_load %arg9[%get3A_1127, %get3A_1128] {strides = array<i32>} : memref<48x128xf32, #tpu.memory_space<vmem>>, vector<16xf32>,
        %get3A_1130 = arith.index_cast %add3A_1084 : i32 to index
        %get3A_1131 = arith.constant 96 : index
        %get3A_1132 = tpu.vector_load %arg10[%get3A_1130, %get3A_1131] {strides = array<i32>} : memref<48x128xf32, #tpu.memory_space<vmem>>, vector<16xf32>,
        %mul3A_1133 = arith.mulf %get3A_1129, %get3A_1132 : vector<16xf32>
        %get3A_1134 = arith.index_cast %add3A_1084 : i32 to index
        %get3A_1135 = arith.constant 112 : index
        %get3A_1136 = tpu.vector_load %arg9[%get3A_1134, %get3A_1135] {strides = array<i32>} : memref<48x128xf32, #tpu.memory_space<vmem>>, vector<16xf32>,
        %get3A_1137 = arith.index_cast %add3A_1084 : i32 to index
        %get3A_1138 = arith.constant 112 : index
        %get3A_1139 = tpu.vector_load %arg10[%get3A_1137, %get3A_1138] {strides = array<i32>} : memref<48x128xf32, #tpu.memory_space<vmem>>, vector<16xf32>,
        %mul3A_1140 = arith.mulf %get3A_1136, %get3A_1139 : vector<16xf32>
        %add3A_1141 = arith.constant 221 : i32
        %add3A_1142 = vector.broadcast %add3A_1141 : i32 to vector<16xi32>
        %add3A_1143 = arith.addi %iota3A, %add3A_1142 : vector<16xi32>
        %add3A_1144 = arith.addf %mul3A_1091, %mul3A_1098 : vector<16xf32>
        %add3A_1145 = arith.addf %mul3A_1105, %mul3A_1112 : vector<16xf32>
        %add3A_1146 = arith.addf %mul3A_1119, %mul3A_1126 : vector<16xf32>
        %add3A_1147 = arith.addf %mul3A_1133, %mul3A_1140 : vector<16xf32>
        %add3A_1148 = arith.addf %add3A_1144, %add3A_1145 : vector<16xf32>
        %add3A_1149 = arith.addf %add3A_1146, %add3A_1147 : vector<16xf32>
        %add3A_1150 = arith.addf %add3A_1148, %add3A_1149 : vector<16xf32>
        tpu.vector_store_idx %arg13[%add3A_1143], %add3A_1150 : memref<272xf32, #tpu.memory_space<vmem>>[vector<16xi32>], vector<16xf32>,
        %add3A_1151 = arith.constant 14 : i32
        %add3A_1152 = arith.addi %mul3A_199, %add3A_1151 : i32
        %get3A_1153 = arith.index_cast %add3A_1152 : i32 to index
        %get3A_1154 = arith.constant 0 : index
        %get3A_1155 = tpu.vector_load %arg9[%get3A_1153, %get3A_1154] {strides = array<i32>} : memref<48x128xf32, #tpu.memory_space<vmem>>, vector<16xf32>,
        %get3A_1156 = arith.index_cast %add3A_1152 : i32 to index
        %get3A_1157 = arith.constant 0 : index
        %get3A_1158 = tpu.vector_load %arg10[%get3A_1156, %get3A_1157] {strides = array<i32>} : memref<48x128xf32, #tpu.memory_space<vmem>>, vector<16xf32>,
        %mul3A_1159 = arith.mulf %get3A_1155, %get3A_1158 : vector<16xf32>
        %get3A_1160 = arith.index_cast %add3A_1152 : i32 to index
        %get3A_1161 = arith.constant 16 : index
        %get3A_1162 = tpu.vector_load %arg9[%get3A_1160, %get3A_1161] {strides = array<i32>} : memref<48x128xf32, #tpu.memory_space<vmem>>, vector<16xf32>,
        %get3A_1163 = arith.index_cast %add3A_1152 : i32 to index
        %get3A_1164 = arith.constant 16 : index
        %get3A_1165 = tpu.vector_load %arg10[%get3A_1163, %get3A_1164] {strides = array<i32>} : memref<48x128xf32, #tpu.memory_space<vmem>>, vector<16xf32>,
        %mul3A_1166 = arith.mulf %get3A_1162, %get3A_1165 : vector<16xf32>
        %get3A_1167 = arith.index_cast %add3A_1152 : i32 to index
        %get3A_1168 = arith.constant 32 : index
        %get3A_1169 = tpu.vector_load %arg9[%get3A_1167, %get3A_1168] {strides = array<i32>} : memref<48x128xf32, #tpu.memory_space<vmem>>, vector<16xf32>,
        %get3A_1170 = arith.index_cast %add3A_1152 : i32 to index
        %get3A_1171 = arith.constant 32 : index
        %get3A_1172 = tpu.vector_load %arg10[%get3A_1170, %get3A_1171] {strides = array<i32>} : memref<48x128xf32, #tpu.memory_space<vmem>>, vector<16xf32>,
        %mul3A_1173 = arith.mulf %get3A_1169, %get3A_1172 : vector<16xf32>
        %get3A_1174 = arith.index_cast %add3A_1152 : i32 to index
        %get3A_1175 = arith.constant 48 : index
        %get3A_1176 = tpu.vector_load %arg9[%get3A_1174, %get3A_1175] {strides = array<i32>} : memref<48x128xf32, #tpu.memory_space<vmem>>, vector<16xf32>,
        %get3A_1177 = arith.index_cast %add3A_1152 : i32 to index
        %get3A_1178 = arith.constant 48 : index
        %get3A_1179 = tpu.vector_load %arg10[%get3A_1177, %get3A_1178] {strides = array<i32>} : memref<48x128xf32, #tpu.memory_space<vmem>>, vector<16xf32>,
        %mul3A_1180 = arith.mulf %get3A_1176, %get3A_1179 : vector<16xf32>
        %get3A_1181 = arith.index_cast %add3A_1152 : i32 to index
        %get3A_1182 = arith.constant 64 : index
        %get3A_1183 = tpu.vector_load %arg9[%get3A_1181, %get3A_1182] {strides = array<i32>} : memref<48x128xf32, #tpu.memory_space<vmem>>, vector<16xf32>,
        %get3A_1184 = arith.index_cast %add3A_1152 : i32 to index
        %get3A_1185 = arith.constant 64 : index
        %get3A_1186 = tpu.vector_load %arg10[%get3A_1184, %get3A_1185] {strides = array<i32>} : memref<48x128xf32, #tpu.memory_space<vmem>>, vector<16xf32>,
        %mul3A_1187 = arith.mulf %get3A_1183, %get3A_1186 : vector<16xf32>
        %get3A_1188 = arith.index_cast %add3A_1152 : i32 to index
        %get3A_1189 = arith.constant 80 : index
        %get3A_1190 = tpu.vector_load %arg9[%get3A_1188, %get3A_1189] {strides = array<i32>} : memref<48x128xf32, #tpu.memory_space<vmem>>, vector<16xf32>,
        %get3A_1191 = arith.index_cast %add3A_1152 : i32 to index
        %get3A_1192 = arith.constant 80 : index
        %get3A_1193 = tpu.vector_load %arg10[%get3A_1191, %get3A_1192] {strides = array<i32>} : memref<48x128xf32, #tpu.memory_space<vmem>>, vector<16xf32>,
        %mul3A_1194 = arith.mulf %get3A_1190, %get3A_1193 : vector<16xf32>
        %get3A_1195 = arith.index_cast %add3A_1152 : i32 to index
        %get3A_1196 = arith.constant 96 : index
        %get3A_1197 = tpu.vector_load %arg9[%get3A_1195, %get3A_1196] {strides = array<i32>} : memref<48x128xf32, #tpu.memory_space<vmem>>, vector<16xf32>,
        %get3A_1198 = arith.index_cast %add3A_1152 : i32 to index
        %get3A_1199 = arith.constant 96 : index
        %get3A_1200 = tpu.vector_load %arg10[%get3A_1198, %get3A_1199] {strides = array<i32>} : memref<48x128xf32, #tpu.memory_space<vmem>>, vector<16xf32>,
        %mul3A_1201 = arith.mulf %get3A_1197, %get3A_1200 : vector<16xf32>
        %get3A_1202 = arith.index_cast %add3A_1152 : i32 to index
        %get3A_1203 = arith.constant 112 : index
        %get3A_1204 = tpu.vector_load %arg9[%get3A_1202, %get3A_1203] {strides = array<i32>} : memref<48x128xf32, #tpu.memory_space<vmem>>, vector<16xf32>,
        %get3A_1205 = arith.index_cast %add3A_1152 : i32 to index
        %get3A_1206 = arith.constant 112 : index
        %get3A_1207 = tpu.vector_load %arg10[%get3A_1205, %get3A_1206] {strides = array<i32>} : memref<48x128xf32, #tpu.memory_space<vmem>>, vector<16xf32>,
        %mul3A_1208 = arith.mulf %get3A_1204, %get3A_1207 : vector<16xf32>
        %add3A_1209 = arith.constant 238 : i32
        %add3A_1210 = vector.broadcast %add3A_1209 : i32 to vector<16xi32>
        %add3A_1211 = arith.addi %iota3A, %add3A_1210 : vector<16xi32>
        %add3A_1212 = arith.addf %mul3A_1159, %mul3A_1166 : vector<16xf32>
        %add3A_1213 = arith.addf %mul3A_1173, %mul3A_1180 : vector<16xf32>
        %add3A_1214 = arith.addf %mul3A_1187, %mul3A_1194 : vector<16xf32>
        %add3A_1215 = arith.addf %mul3A_1201, %mul3A_1208 : vector<16xf32>
        %add3A_1216 = arith.addf %add3A_1212, %add3A_1213 : vector<16xf32>
        %add3A_1217 = arith.addf %add3A_1214, %add3A_1215 : vector<16xf32>
        %add3A_1218 = arith.addf %add3A_1216, %add3A_1217 : vector<16xf32>
        tpu.vector_store_idx %arg13[%add3A_1211], %add3A_1218 : memref<272xf32, #tpu.memory_space<vmem>>[vector<16xi32>], vector<16xf32>,
        %add3A_1219 = arith.constant 15 : i32
        %add3A_1220 = arith.addi %mul3A_199, %add3A_1219 : i32
        %get3A_1221 = arith.index_cast %add3A_1220 : i32 to index
        %get3A_1222 = arith.constant 0 : index
        %get3A_1223 = tpu.vector_load %arg9[%get3A_1221, %get3A_1222] {strides = array<i32>} : memref<48x128xf32, #tpu.memory_space<vmem>>, vector<16xf32>,
        %get3A_1224 = arith.index_cast %add3A_1220 : i32 to index
        %get3A_1225 = arith.constant 0 : index
        %get3A_1226 = tpu.vector_load %arg10[%get3A_1224, %get3A_1225] {strides = array<i32>} : memref<48x128xf32, #tpu.memory_space<vmem>>, vector<16xf32>,
        %mul3A_1227 = arith.mulf %get3A_1223, %get3A_1226 : vector<16xf32>
        %get3A_1228 = arith.index_cast %add3A_1220 : i32 to index
        %get3A_1229 = arith.constant 16 : index
        %get3A_1230 = tpu.vector_load %arg9[%get3A_1228, %get3A_1229] {strides = array<i32>} : memref<48x128xf32, #tpu.memory_space<vmem>>, vector<16xf32>,
        %get3A_1231 = arith.index_cast %add3A_1220 : i32 to index
        %get3A_1232 = arith.constant 16 : index
        %get3A_1233 = tpu.vector_load %arg10[%get3A_1231, %get3A_1232] {strides = array<i32>} : memref<48x128xf32, #tpu.memory_space<vmem>>, vector<16xf32>,
        %mul3A_1234 = arith.mulf %get3A_1230, %get3A_1233 : vector<16xf32>
        %get3A_1235 = arith.index_cast %add3A_1220 : i32 to index
        %get3A_1236 = arith.constant 32 : index
        %get3A_1237 = tpu.vector_load %arg9[%get3A_1235, %get3A_1236] {strides = array<i32>} : memref<48x128xf32, #tpu.memory_space<vmem>>, vector<16xf32>,
        %get3A_1238 = arith.index_cast %add3A_1220 : i32 to index
        %get3A_1239 = arith.constant 32 : index
        %get3A_1240 = tpu.vector_load %arg10[%get3A_1238, %get3A_1239] {strides = array<i32>} : memref<48x128xf32, #tpu.memory_space<vmem>>, vector<16xf32>,
        %mul3A_1241 = arith.mulf %get3A_1237, %get3A_1240 : vector<16xf32>
        %get3A_1242 = arith.index_cast %add3A_1220 : i32 to index
        %get3A_1243 = arith.constant 48 : index
        %get3A_1244 = tpu.vector_load %arg9[%get3A_1242, %get3A_1243] {strides = array<i32>} : memref<48x128xf32, #tpu.memory_space<vmem>>, vector<16xf32>,
        %get3A_1245 = arith.index_cast %add3A_1220 : i32 to index
        %get3A_1246 = arith.constant 48 : index
        %get3A_1247 = tpu.vector_load %arg10[%get3A_1245, %get3A_1246] {strides = array<i32>} : memref<48x128xf32, #tpu.memory_space<vmem>>, vector<16xf32>,
        %mul3A_1248 = arith.mulf %get3A_1244, %get3A_1247 : vector<16xf32>
        %get3A_1249 = arith.index_cast %add3A_1220 : i32 to index
        %get3A_1250 = arith.constant 64 : index
        %get3A_1251 = tpu.vector_load %arg9[%get3A_1249, %get3A_1250] {strides = array<i32>} : memref<48x128xf32, #tpu.memory_space<vmem>>, vector<16xf32>,
        %get3A_1252 = arith.index_cast %add3A_1220 : i32 to index
        %get3A_1253 = arith.constant 64 : index
        %get3A_1254 = tpu.vector_load %arg10[%get3A_1252, %get3A_1253] {strides = array<i32>} : memref<48x128xf32, #tpu.memory_space<vmem>>, vector<16xf32>,
        %mul3A_1255 = arith.mulf %get3A_1251, %get3A_1254 : vector<16xf32>
        %get3A_1256 = arith.index_cast %add3A_1220 : i32 to index
        %get3A_1257 = arith.constant 80 : index
        %get3A_1258 = tpu.vector_load %arg9[%get3A_1256, %get3A_1257] {strides = array<i32>} : memref<48x128xf32, #tpu.memory_space<vmem>>, vector<16xf32>,
        %get3A_1259 = arith.index_cast %add3A_1220 : i32 to index
        %get3A_1260 = arith.constant 80 : index
        %get3A_1261 = tpu.vector_load %arg10[%get3A_1259, %get3A_1260] {strides = array<i32>} : memref<48x128xf32, #tpu.memory_space<vmem>>, vector<16xf32>,
        %mul3A_1262 = arith.mulf %get3A_1258, %get3A_1261 : vector<16xf32>
        %get3A_1263 = arith.index_cast %add3A_1220 : i32 to index
        %get3A_1264 = arith.constant 96 : index
        %get3A_1265 = tpu.vector_load %arg9[%get3A_1263, %get3A_1264] {strides = array<i32>} : memref<48x128xf32, #tpu.memory_space<vmem>>, vector<16xf32>,
        %get3A_1266 = arith.index_cast %add3A_1220 : i32 to index
        %get3A_1267 = arith.constant 96 : index
        %get3A_1268 = tpu.vector_load %arg10[%get3A_1266, %get3A_1267] {strides = array<i32>} : memref<48x128xf32, #tpu.memory_space<vmem>>, vector<16xf32>,
        %mul3A_1269 = arith.mulf %get3A_1265, %get3A_1268 : vector<16xf32>
        %get3A_1270 = arith.index_cast %add3A_1220 : i32 to index
        %get3A_1271 = arith.constant 112 : index
        %get3A_1272 = tpu.vector_load %arg9[%get3A_1270, %get3A_1271] {strides = array<i32>} : memref<48x128xf32, #tpu.memory_space<vmem>>, vector<16xf32>,
        %get3A_1273 = arith.index_cast %add3A_1220 : i32 to index
        %get3A_1274 = arith.constant 112 : index
        %get3A_1275 = tpu.vector_load %arg10[%get3A_1273, %get3A_1274] {strides = array<i32>} : memref<48x128xf32, #tpu.memory_space<vmem>>, vector<16xf32>,
        %mul3A_1276 = arith.mulf %get3A_1272, %get3A_1275 : vector<16xf32>
        %add3A_1277 = arith.constant 255 : i32
        %add3A_1278 = vector.broadcast %add3A_1277 : i32 to vector<16xi32>
        %add3A_1279 = arith.addi %iota3A, %add3A_1278 : vector<16xi32>
        %add3A_1280 = arith.addf %mul3A_1227, %mul3A_1234 : vector<16xf32>
        %add3A_1281 = arith.addf %mul3A_1241, %mul3A_1248 : vector<16xf32>
        %add3A_1282 = arith.addf %mul3A_1255, %mul3A_1262 : vector<16xf32>
        %add3A_1283 = arith.addf %mul3A_1269, %mul3A_1276 : vector<16xf32>
        %add3A_1284 = arith.addf %add3A_1280, %add3A_1281 : vector<16xf32>
        %add3A_1285 = arith.addf %add3A_1282, %add3A_1283 : vector<16xf32>
        %add3A_1286 = arith.addf %add3A_1284, %add3A_1285 : vector<16xf32>
        tpu.vector_store_idx %arg13[%add3A_1279], %add3A_1286 : memref<272xf32, #tpu.memory_space<vmem>>[vector<16xi32>], vector<16xf32>,
        %mul3A_1287 = arith.constant 17 : i32
        %mul3A_1288 = vector.broadcast %mul3A_1287 : i32 to vector<16xi32>
        %mul3A_1289 = arith.muli %iota3A, %mul3A_1288 : vector<16xi32>
        %add3A_1290 = arith.constant 0 : i32
        %add3A_1291 = vector.broadcast %add3A_1290 : i32 to vector<16xi32>
        %add3A_1292 = arith.addi %mul3A_1289, %add3A_1291 : vector<16xi32>
        %gather3A = tpu.vector_load_idx %arg13[%add3A_1292] : memref<272xf32, #tpu.memory_space<vmem>>[vector<16xi32>], vector<16xf32>,
        %mul3A_1293 = arith.constant 17 : i32
        %mul3A_1294 = vector.broadcast %mul3A_1293 : i32 to vector<16xi32>
        %mul3A_1295 = arith.muli %iota3A, %mul3A_1294 : vector<16xi32>
        %add3A_1296 = arith.constant 1 : i32
        %add3A_1297 = vector.broadcast %add3A_1296 : i32 to vector<16xi32>
        %add3A_1298 = arith.addi %mul3A_1295, %add3A_1297 : vector<16xi32>
        %gather3A_1299 = tpu.vector_load_idx %arg13[%add3A_1298] : memref<272xf32, #tpu.memory_space<vmem>>[vector<16xi32>], vector<16xf32>,
        %mul3A_1300 = arith.constant 17 : i32
        %mul3A_1301 = vector.broadcast %mul3A_1300 : i32 to vector<16xi32>
        %mul3A_1302 = arith.muli %iota3A, %mul3A_1301 : vector<16xi32>
        %add3A_1303 = arith.constant 2 : i32
        %add3A_1304 = vector.broadcast %add3A_1303 : i32 to vector<16xi32>
        %add3A_1305 = arith.addi %mul3A_1302, %add3A_1304 : vector<16xi32>
        %gather3A_1306 = tpu.vector_load_idx %arg13[%add3A_1305] : memref<272xf32, #tpu.memory_space<vmem>>[vector<16xi32>], vector<16xf32>,
        %mul3A_1307 = arith.constant 17 : i32
        %mul3A_1308 = vector.broadcast %mul3A_1307 : i32 to vector<16xi32>
        %mul3A_1309 = arith.muli %iota3A, %mul3A_1308 : vector<16xi32>
        %add3A_1310 = arith.constant 3 : i32
        %add3A_1311 = vector.broadcast %add3A_1310 : i32 to vector<16xi32>
        %add3A_1312 = arith.addi %mul3A_1309, %add3A_1311 : vector<16xi32>
        %gather3A_1313 = tpu.vector_load_idx %arg13[%add3A_1312] : memref<272xf32, #tpu.memory_space<vmem>>[vector<16xi32>], vector<16xf32>,
        %mul3A_1314 = arith.constant 17 : i32
        %mul3A_1315 = vector.broadcast %mul3A_1314 : i32 to vector<16xi32>
        %mul3A_1316 = arith.muli %iota3A, %mul3A_1315 : vector<16xi32>
        %add3A_1317 = arith.constant 4 : i32
        %add3A_1318 = vector.broadcast %add3A_1317 : i32 to vector<16xi32>
        %add3A_1319 = arith.addi %mul3A_1316, %add3A_1318 : vector<16xi32>
        %gather3A_1320 = tpu.vector_load_idx %arg13[%add3A_1319] : memref<272xf32, #tpu.memory_space<vmem>>[vector<16xi32>], vector<16xf32>,
        %mul3A_1321 = arith.constant 17 : i32
        %mul3A_1322 = vector.broadcast %mul3A_1321 : i32 to vector<16xi32>
        %mul3A_1323 = arith.muli %iota3A, %mul3A_1322 : vector<16xi32>
        %add3A_1324 = arith.constant 5 : i32
        %add3A_1325 = vector.broadcast %add3A_1324 : i32 to vector<16xi32>
        %add3A_1326 = arith.addi %mul3A_1323, %add3A_1325 : vector<16xi32>
        %gather3A_1327 = tpu.vector_load_idx %arg13[%add3A_1326] : memref<272xf32, #tpu.memory_space<vmem>>[vector<16xi32>], vector<16xf32>,
        %mul3A_1328 = arith.constant 17 : i32
        %mul3A_1329 = vector.broadcast %mul3A_1328 : i32 to vector<16xi32>
        %mul3A_1330 = arith.muli %iota3A, %mul3A_1329 : vector<16xi32>
        %add3A_1331 = arith.constant 6 : i32
        %add3A_1332 = vector.broadcast %add3A_1331 : i32 to vector<16xi32>
        %add3A_1333 = arith.addi %mul3A_1330, %add3A_1332 : vector<16xi32>
        %gather3A_1334 = tpu.vector_load_idx %arg13[%add3A_1333] : memref<272xf32, #tpu.memory_space<vmem>>[vector<16xi32>], vector<16xf32>,
        %mul3A_1335 = arith.constant 17 : i32
        %mul3A_1336 = vector.broadcast %mul3A_1335 : i32 to vector<16xi32>
        %mul3A_1337 = arith.muli %iota3A, %mul3A_1336 : vector<16xi32>
        %add3A_1338 = arith.constant 7 : i32
        %add3A_1339 = vector.broadcast %add3A_1338 : i32 to vector<16xi32>
        %add3A_1340 = arith.addi %mul3A_1337, %add3A_1339 : vector<16xi32>
        %gather3A_1341 = tpu.vector_load_idx %arg13[%add3A_1340] : memref<272xf32, #tpu.memory_space<vmem>>[vector<16xi32>], vector<16xf32>,
        %mul3A_1342 = arith.constant 17 : i32
        %mul3A_1343 = vector.broadcast %mul3A_1342 : i32 to vector<16xi32>
        %mul3A_1344 = arith.muli %iota3A, %mul3A_1343 : vector<16xi32>
        %add3A_1345 = arith.constant 8 : i32
        %add3A_1346 = vector.broadcast %add3A_1345 : i32 to vector<16xi32>
        %add3A_1347 = arith.addi %mul3A_1344, %add3A_1346 : vector<16xi32>
        %gather3A_1348 = tpu.vector_load_idx %arg13[%add3A_1347] : memref<272xf32, #tpu.memory_space<vmem>>[vector<16xi32>], vector<16xf32>,
        %mul3A_1349 = arith.constant 17 : i32
        %mul3A_1350 = vector.broadcast %mul3A_1349 : i32 to vector<16xi32>
        %mul3A_1351 = arith.muli %iota3A, %mul3A_1350 : vector<16xi32>
        %add3A_1352 = arith.constant 9 : i32
        %add3A_1353 = vector.broadcast %add3A_1352 : i32 to vector<16xi32>
        %add3A_1354 = arith.addi %mul3A_1351, %add3A_1353 : vector<16xi32>
        %gather3A_1355 = tpu.vector_load_idx %arg13[%add3A_1354] : memref<272xf32, #tpu.memory_space<vmem>>[vector<16xi32>], vector<16xf32>,
        %mul3A_1356 = arith.constant 17 : i32
        %mul3A_1357 = vector.broadcast %mul3A_1356 : i32 to vector<16xi32>
        %mul3A_1358 = arith.muli %iota3A, %mul3A_1357 : vector<16xi32>
        %add3A_1359 = arith.constant 10 : i32
        %add3A_1360 = vector.broadcast %add3A_1359 : i32 to vector<16xi32>
        %add3A_1361 = arith.addi %mul3A_1358, %add3A_1360 : vector<16xi32>
        %gather3A_1362 = tpu.vector_load_idx %arg13[%add3A_1361] : memref<272xf32, #tpu.memory_space<vmem>>[vector<16xi32>], vector<16xf32>,
        %mul3A_1363 = arith.constant 17 : i32
        %mul3A_1364 = vector.broadcast %mul3A_1363 : i32 to vector<16xi32>
        %mul3A_1365 = arith.muli %iota3A, %mul3A_1364 : vector<16xi32>
        %add3A_1366 = arith.constant 11 : i32
        %add3A_1367 = vector.broadcast %add3A_1366 : i32 to vector<16xi32>
        %add3A_1368 = arith.addi %mul3A_1365, %add3A_1367 : vector<16xi32>
        %gather3A_1369 = tpu.vector_load_idx %arg13[%add3A_1368] : memref<272xf32, #tpu.memory_space<vmem>>[vector<16xi32>], vector<16xf32>,
        %mul3A_1370 = arith.constant 17 : i32
        %mul3A_1371 = vector.broadcast %mul3A_1370 : i32 to vector<16xi32>
        %mul3A_1372 = arith.muli %iota3A, %mul3A_1371 : vector<16xi32>
        %add3A_1373 = arith.constant 12 : i32
        %add3A_1374 = vector.broadcast %add3A_1373 : i32 to vector<16xi32>
        %add3A_1375 = arith.addi %mul3A_1372, %add3A_1374 : vector<16xi32>
        %gather3A_1376 = tpu.vector_load_idx %arg13[%add3A_1375] : memref<272xf32, #tpu.memory_space<vmem>>[vector<16xi32>], vector<16xf32>,
        %mul3A_1377 = arith.constant 17 : i32
        %mul3A_1378 = vector.broadcast %mul3A_1377 : i32 to vector<16xi32>
        %mul3A_1379 = arith.muli %iota3A, %mul3A_1378 : vector<16xi32>
        %add3A_1380 = arith.constant 13 : i32
        %add3A_1381 = vector.broadcast %add3A_1380 : i32 to vector<16xi32>
        %add3A_1382 = arith.addi %mul3A_1379, %add3A_1381 : vector<16xi32>
        %gather3A_1383 = tpu.vector_load_idx %arg13[%add3A_1382] : memref<272xf32, #tpu.memory_space<vmem>>[vector<16xi32>], vector<16xf32>,
        %mul3A_1384 = arith.constant 17 : i32
        %mul3A_1385 = vector.broadcast %mul3A_1384 : i32 to vector<16xi32>
        %mul3A_1386 = arith.muli %iota3A, %mul3A_1385 : vector<16xi32>
        %add3A_1387 = arith.constant 14 : i32
        %add3A_1388 = vector.broadcast %add3A_1387 : i32 to vector<16xi32>
        %add3A_1389 = arith.addi %mul3A_1386, %add3A_1388 : vector<16xi32>
        %gather3A_1390 = tpu.vector_load_idx %arg13[%add3A_1389] : memref<272xf32, #tpu.memory_space<vmem>>[vector<16xi32>], vector<16xf32>,
        %mul3A_1391 = arith.constant 17 : i32
        %mul3A_1392 = vector.broadcast %mul3A_1391 : i32 to vector<16xi32>
        %mul3A_1393 = arith.muli %iota3A, %mul3A_1392 : vector<16xi32>
        %add3A_1394 = arith.constant 15 : i32
        %add3A_1395 = vector.broadcast %add3A_1394 : i32 to vector<16xi32>
        %add3A_1396 = arith.addi %mul3A_1393, %add3A_1395 : vector<16xi32>
        %gather3A_1397 = tpu.vector_load_idx %arg13[%add3A_1396] : memref<272xf32, #tpu.memory_space<vmem>>[vector<16xi32>], vector<16xf32>,
        %add3A_1398 = arith.addf %gather3A, %gather3A_1299 : vector<16xf32>
        %add3A_1399 = arith.addf %gather3A_1306, %gather3A_1313 : vector<16xf32>
        %add3A_1400 = arith.addf %gather3A_1320, %gather3A_1327 : vector<16xf32>
        %add3A_1401 = arith.addf %gather3A_1334, %gather3A_1341 : vector<16xf32>
        %add3A_1402 = arith.addf %gather3A_1348, %gather3A_1355 : vector<16xf32>
        %add3A_1403 = arith.addf %gather3A_1362, %gather3A_1369 : vector<16xf32>
        %add3A_1404 = arith.addf %gather3A_1376, %gather3A_1383 : vector<16xf32>
        %add3A_1405 = arith.addf %gather3A_1390, %gather3A_1397 : vector<16xf32>
        %add3A_1406 = arith.addf %add3A_1398, %add3A_1399 : vector<16xf32>
        %add3A_1407 = arith.addf %add3A_1400, %add3A_1401 : vector<16xf32>
        %add3A_1408 = arith.addf %add3A_1402, %add3A_1403 : vector<16xf32>
        %add3A_1409 = arith.addf %add3A_1404, %add3A_1405 : vector<16xf32>
        %add3A_1410 = arith.addf %add3A_1406, %add3A_1407 : vector<16xf32>
        %add3A_1411 = arith.addf %add3A_1408, %add3A_1409 : vector<16xf32>
        %add3A_1412 = arith.addf %add3A_1410, %add3A_1411 : vector<16xf32>
        %swap3A = arith.index_cast %mul3A_199 : i32 to index
        %swap3A_1413 = tpu.vector_load %arg14[%swap3A] {strides = array<i32>} : memref<48xf32, #tpu.memory_space<vmem>>, vector<16xf32>,
        tpu.vector_store %arg14[%swap3A], %add3A_1412 {strides = array<i32>} : memref<48xf32, #tpu.memory_space<vmem>>, vector<16xf32>,
      }
      %scan3A_128 = arith.constant 3 : i32
      %mul3A_129 = arith.constant 48 : i32
      %mul3A_130 = arith.muli %add3A_51, %mul3A_129 : i32
      %add3A_131 = arith.addi %mul3A_2, %mul3A_130 : i32
      %dma_start3A_132 = tpu.memref_slice %arg5[%add3A_131] : memref<322560xf32, #tpu.memory_space<hbm>> -> memref<48xf32, #tpu.memory_space<hbm>>
      %dma_start3A_133 = tpu.memref_slice %arg5[%add3A_131] : memref<322560xf32, #tpu.memory_space<hbm>> -> memref<48xf32, #tpu.memory_space<hbm>>
      tpu.enqueue_dma source(%arg14 : memref<48xf32, #tpu.memory_space<vmem>>) target(%dma_start3A_133 : memref<48xf32, #tpu.memory_space<hbm>>) target_semaphore(%arg18 : memref<!tpu.dma_semaphore, #tpu.memory_space<semaphore_mem>>)
      %add3A_134 = arith.constant 1 : i32
      %add3A_135 = arith.addi %add3A_51, %add3A_134 : i32
      %mul3A_136 = arith.constant 48 : i32
      %mul3A_137 = arith.muli %add3A_135, %mul3A_136 : i32
      %dma_wait3A_138 = arith.constant 0 : i32
      %dma_wait3A_139 = arith.constant 0 : i32
      %dma_wait3A_140 = tpu.memref_slice %arg11[%dma_wait3A_138, %dma_wait3A_139] : memref<48x128xf32, #tpu.memory_space<vmem>> -> memref<24x128xf32, #tpu.memory_space<vmem>>
      %dma_wait3A_141 = tpu.memref_slice %arg7[%mul3A_137] : memref<10080xi32, #tpu.memory_space<vmem>> -> memref<24xi32, #tpu.memory_space<vmem>>
      %dma_wait3A_142 = arith.constant 0 : i32
      %dma_wait3A_143 = arith.constant 0 : i32
      %dma_wait3A_144 = tpu.memref_slice %arg6[%dma_wait3A_142, %dma_wait3A_143] : memref<10240x128xf32, #tpu.memory_space<vmem_shared>> -> memref<10240x128xf32, #tpu.memory_space<vmem_shared>>
      tpu.wait_indirect_dma semaphore(%arg17 : memref<!tpu.dma_semaphore, #tpu.memory_space<semaphore_mem>>) src(%dma_wait3A_144 : memref<10240x128xf32, #tpu.memory_space<vmem_shared>>) dst(%dma_wait3A_140 : memref<24x128xf32, #tpu.memory_space<vmem>>)
      %dma_wait3A_145 = arith.constant 0 : i32
      %dma_wait3A_146 = arith.constant 0 : i32
      %dma_wait3A_147 = tpu.memref_slice %arg12[%dma_wait3A_145, %dma_wait3A_146] : memref<48x128xf32, #tpu.memory_space<vmem>> -> memref<24x128xf32, #tpu.memory_space<vmem>>
      %dma_wait3A_148 = tpu.memref_slice %arg8[%mul3A_137] : memref<10080xi32, #tpu.memory_space<vmem>> -> memref<24xi32, #tpu.memory_space<vmem>>
      %dma_wait3A_149 = arith.constant 0 : i32
      %dma_wait3A_150 = arith.constant 0 : i32
      %dma_wait3A_151 = tpu.memref_slice %arg6[%dma_wait3A_149, %dma_wait3A_150] : memref<10240x128xf32, #tpu.memory_space<vmem_shared>> -> memref<10240x128xf32, #tpu.memory_space<vmem_shared>>
      tpu.wait_indirect_dma semaphore(%arg17 : memref<!tpu.dma_semaphore, #tpu.memory_space<semaphore_mem>>) src(%dma_wait3A_151 : memref<10240x128xf32, #tpu.memory_space<vmem_shared>>) dst(%dma_wait3A_147 : memref<24x128xf32, #tpu.memory_space<vmem>>)
      %add3A_152 = arith.constant 24 : i32
      %add3A_153 = arith.addi %mul3A_137, %add3A_152 : i32
      %dma_wait3A_154 = arith.constant 24 : i32
      %dma_wait3A_155 = arith.constant 0 : i32
      %dma_wait3A_156 = tpu.memref_slice %arg11[%dma_wait3A_154, %dma_wait3A_155] : memref<48x128xf32, #tpu.memory_space<vmem>> -> memref<24x128xf32, #tpu.memory_space<vmem>>
      %dma_wait3A_157 = tpu.memref_slice %arg7[%add3A_153] : memref<10080xi32, #tpu.memory_space<vmem>> -> memref<24xi32, #tpu.memory_space<vmem>>
      %dma_wait3A_158 = arith.constant 0 : i32
      %dma_wait3A_159 = arith.constant 0 : i32
      %dma_wait3A_160 = tpu.memref_slice %arg6[%dma_wait3A_158, %dma_wait3A_159] : memref<10240x128xf32, #tpu.memory_space<vmem_shared>> -> memref<10240x128xf32, #tpu.memory_space<vmem_shared>>
      tpu.wait_indirect_dma semaphore(%arg17 : memref<!tpu.dma_semaphore, #tpu.memory_space<semaphore_mem>>) src(%dma_wait3A_160 : memref<10240x128xf32, #tpu.memory_space<vmem_shared>>) dst(%dma_wait3A_156 : memref<24x128xf32, #tpu.memory_space<vmem>>)
      %add3A_161 = arith.constant 24 : i32
      %add3A_162 = arith.addi %mul3A_137, %add3A_161 : i32
      %dma_wait3A_163 = arith.constant 24 : i32
      %dma_wait3A_164 = arith.constant 0 : i32
      %dma_wait3A_165 = tpu.memref_slice %arg12[%dma_wait3A_163, %dma_wait3A_164] : memref<48x128xf32, #tpu.memory_space<vmem>> -> memref<24x128xf32, #tpu.memory_space<vmem>>
      %dma_wait3A_166 = tpu.memref_slice %arg8[%add3A_162] : memref<10080xi32, #tpu.memory_space<vmem>> -> memref<24xi32, #tpu.memory_space<vmem>>
      %dma_wait3A_167 = arith.constant 0 : i32
      %dma_wait3A_168 = arith.constant 0 : i32
      %dma_wait3A_169 = tpu.memref_slice %arg6[%dma_wait3A_167, %dma_wait3A_168] : memref<10240x128xf32, #tpu.memory_space<vmem_shared>> -> memref<10240x128xf32, #tpu.memory_space<vmem_shared>>
      tpu.wait_indirect_dma semaphore(%arg17 : memref<!tpu.dma_semaphore, #tpu.memory_space<semaphore_mem>>) src(%dma_wait3A_169 : memref<10240x128xf32, #tpu.memory_space<vmem_shared>>) dst(%dma_wait3A_165 : memref<24x128xf32, #tpu.memory_space<vmem>>)
      %add3A_170 = arith.constant 2 : i32
      %add3A_171 = arith.addi %add3A_51, %add3A_170 : i32
      %lt3A = arith.constant 210 : i32
      %lt3A_172 = arith.cmpi slt, %add3A_171, %lt3A : i32
      %convert_element_type3A_173 = arith.extui %lt3A_172 : i1 to i32
      %cond3A_174 = arith.constant 0 : i32
      %cond3A_175 = arith.cmpi ne, %convert_element_type3A_173, %cond3A_174 : i32
      scf.if %cond3A_175 {
        %add3A_193 = arith.constant 2 : i32
        %add3A_194 = arith.addi %add3A_51, %add3A_193 : i32
        %mul3A_195 = arith.constant 48 : i32
        %mul3A_196 = arith.muli %add3A_194, %mul3A_195 : i32
        %dma_start3A_197 = arith.constant 0 : i32
        %dma_start3A_198 = arith.constant 0 : i32
        %dma_start3A_199 = tpu.memref_slice %arg9[%dma_start3A_197, %dma_start3A_198] : memref<48x128xf32, #tpu.memory_space<vmem>> -> memref<24x128xf32, #tpu.memory_space<vmem>>
        %dma_start3A_200 = tpu.memref_slice %arg7[%mul3A_196] : memref<10080xi32, #tpu.memory_space<vmem>> -> memref<24xi32, #tpu.memory_space<vmem>>
        %dma_start3A_201 = arith.constant 0 : i32
        %dma_start3A_202 = arith.constant 0 : i32
        %dma_start3A_203 = tpu.memref_slice %arg6[%dma_start3A_201, %dma_start3A_202] : memref<10240x128xf32, #tpu.memory_space<vmem_shared>> -> memref<10240x128xf32, #tpu.memory_space<vmem_shared>>
        tpu.enqueue_indirect_dma source(%dma_start3A_203 : memref<10240x128xf32, #tpu.memory_space<vmem_shared>>) target(%dma_start3A_199 : memref<24x128xf32, #tpu.memory_space<vmem>>) offsets(%dma_start3A_200 : memref<24xi32, #tpu.memory_space<vmem>>) semaphore(%arg16 : memref<!tpu.dma_semaphore, #tpu.memory_space<semaphore_mem>>)
        %dma_start3A_204 = arith.constant 0 : i32
        %dma_start3A_205 = arith.constant 0 : i32
        %dma_start3A_206 = tpu.memref_slice %arg10[%dma_start3A_204, %dma_start3A_205] : memref<48x128xf32, #tpu.memory_space<vmem>> -> memref<24x128xf32, #tpu.memory_space<vmem>>
        %dma_start3A_207 = tpu.memref_slice %arg8[%mul3A_196] : memref<10080xi32, #tpu.memory_space<vmem>> -> memref<24xi32, #tpu.memory_space<vmem>>
        %dma_start3A_208 = arith.constant 0 : i32
        %dma_start3A_209 = arith.constant 0 : i32
        %dma_start3A_210 = tpu.memref_slice %arg6[%dma_start3A_208, %dma_start3A_209] : memref<10240x128xf32, #tpu.memory_space<vmem_shared>> -> memref<10240x128xf32, #tpu.memory_space<vmem_shared>>
        tpu.enqueue_indirect_dma source(%dma_start3A_210 : memref<10240x128xf32, #tpu.memory_space<vmem_shared>>) target(%dma_start3A_206 : memref<24x128xf32, #tpu.memory_space<vmem>>) offsets(%dma_start3A_207 : memref<24xi32, #tpu.memory_space<vmem>>) semaphore(%arg16 : memref<!tpu.dma_semaphore, #tpu.memory_space<semaphore_mem>>)
        %add3A_211 = arith.constant 24 : i32
        %add3A_212 = arith.addi %mul3A_196, %add3A_211 : i32
        %dma_start3A_213 = arith.constant 24 : i32
        %dma_start3A_214 = arith.constant 0 : i32
        %dma_start3A_215 = tpu.memref_slice %arg9[%dma_start3A_213, %dma_start3A_214] : memref<48x128xf32, #tpu.memory_space<vmem>> -> memref<24x128xf32, #tpu.memory_space<vmem>>
        %dma_start3A_216 = tpu.memref_slice %arg7[%add3A_212] : memref<10080xi32, #tpu.memory_space<vmem>> -> memref<24xi32, #tpu.memory_space<vmem>>
        %dma_start3A_217 = arith.constant 0 : i32
        %dma_start3A_218 = arith.constant 0 : i32
        %dma_start3A_219 = tpu.memref_slice %arg6[%dma_start3A_217, %dma_start3A_218] : memref<10240x128xf32, #tpu.memory_space<vmem_shared>> -> memref<10240x128xf32, #tpu.memory_space<vmem_shared>>
        tpu.enqueue_indirect_dma source(%dma_start3A_219 : memref<10240x128xf32, #tpu.memory_space<vmem_shared>>) target(%dma_start3A_215 : memref<24x128xf32, #tpu.memory_space<vmem>>) offsets(%dma_start3A_216 : memref<24xi32, #tpu.memory_space<vmem>>) semaphore(%arg16 : memref<!tpu.dma_semaphore, #tpu.memory_space<semaphore_mem>>)
        %add3A_220 = arith.constant 24 : i32
        %add3A_221 = arith.addi %mul3A_196, %add3A_220 : i32
        %dma_start3A_222 = arith.constant 24 : i32
        %dma_start3A_223 = arith.constant 0 : i32
        %dma_start3A_224 = tpu.memref_slice %arg10[%dma_start3A_222, %dma_start3A_223] : memref<48x128xf32, #tpu.memory_space<vmem>> -> memref<24x128xf32, #tpu.memory_space<vmem>>
        %dma_start3A_225 = tpu.memref_slice %arg8[%add3A_221] : memref<10080xi32, #tpu.memory_space<vmem>> -> memref<24xi32, #tpu.memory_space<vmem>>
        %dma_start3A_226 = arith.constant 0 : i32
        %dma_start3A_227 = arith.constant 0 : i32
        %dma_start3A_228 = tpu.memref_slice %arg6[%dma_start3A_226, %dma_start3A_227] : memref<10240x128xf32, #tpu.memory_space<vmem_shared>> -> memref<10240x128xf32, #tpu.memory_space<vmem_shared>>
        tpu.enqueue_indirect_dma source(%dma_start3A_228 : memref<10240x128xf32, #tpu.memory_space<vmem_shared>>) target(%dma_start3A_224 : memref<24x128xf32, #tpu.memory_space<vmem>>) offsets(%dma_start3A_225 : memref<24xi32, #tpu.memory_space<vmem>>) semaphore(%arg16 : memref<!tpu.dma_semaphore, #tpu.memory_space<semaphore_mem>>)
      } else {
      }
      %ge3A_176 = arith.constant 2 : i32
      %ge3A_177 = arith.cmpi sge, %add3A_51, %ge3A_176 : i32
      %convert_element_type3A_178 = arith.extui %ge3A_177 : i1 to i32
      %cond3A_179 = arith.constant 0 : i32
      %cond3A_180 = arith.cmpi ne, %convert_element_type3A_178, %cond3A_179 : i32
      scf.if %cond3A_180 {
        %sub3A = arith.constant 1 : i32
        %sub3A_193 = arith.subi %add3A_51, %sub3A : i32
        %mul3A_194 = arith.constant 48 : i32
        %mul3A_195 = arith.muli %sub3A_193, %mul3A_194 : i32
        %add3A_196 = arith.addi %mul3A_2, %mul3A_195 : i32
        %dma_wait3A_197 = tpu.memref_slice %arg5[%add3A_196] : memref<322560xf32, #tpu.memory_space<hbm>> -> memref<48xf32, #tpu.memory_space<hbm>>
        %dma_wait3A_198 = tpu.memref_slice %arg5[%add3A_196] : memref<322560xf32, #tpu.memory_space<hbm>> -> memref<48xf32, #tpu.memory_space<hbm>>
        tpu.wait_dma2 semaphore(%arg19 : memref<!tpu.dma_semaphore, #tpu.memory_space<semaphore_mem>>) src(%arg15 : memref<48xf32, #tpu.memory_space<vmem>>) dst(%dma_wait3A_198 : memref<48xf32, #tpu.memory_space<hbm>>)
      } else {
      }
      %scan3A_181 = arith.constant 0 : i32
      %scan3A_182 = arith.constant 3 : i32
      %scan3A_183 = arith.addi %scan3A_181, %scan3A_182 : i32
      %scan3A_184 = arith.constant 1 : i32
      scf.for %scan3A_193 = %scan3A_181 to %scan3A_183 step %scan3A_184  : i32 {
        %mul3A_194 = arith.constant 1 : i32
        %mul3A_195 = arith.muli %scan3A_193, %mul3A_194 : i32
        %add3A_196 = arith.constant 0 : i32
        %add3A_197 = arith.addi %add3A_196, %mul3A_195 : i32
        %mul3A_198 = arith.constant 16 : i32
        %mul3A_199 = arith.muli %add3A_197, %mul3A_198 : i32
        %add3A_200 = arith.constant 0 : i32
        %add3A_201 = arith.addi %mul3A_199, %add3A_200 : i32
        %get3A = arith.index_cast %add3A_201 : i32 to index
        %get3A_202 = arith.constant 0 : index
        %get3A_203 = tpu.vector_load %arg11[%get3A, %get3A_202] {strides = array<i32>} : memref<48x128xf32, #tpu.memory_space<vmem>>, vector<16xf32>,
        %get3A_204 = arith.index_cast %add3A_201 : i32 to index
        %get3A_205 = arith.constant 0 : index
        %get3A_206 = tpu.vector_load %arg12[%get3A_204, %get3A_205] {strides = array<i32>} : memref<48x128xf32, #tpu.memory_space<vmem>>, vector<16xf32>,
        %mul3A_207 = arith.mulf %get3A_203, %get3A_206 : vector<16xf32>
        %get3A_208 = arith.index_cast %add3A_201 : i32 to index
        %get3A_209 = arith.constant 16 : index
        %get3A_210 = tpu.vector_load %arg11[%get3A_208, %get3A_209] {strides = array<i32>} : memref<48x128xf32, #tpu.memory_space<vmem>>, vector<16xf32>,
        %get3A_211 = arith.index_cast %add3A_201 : i32 to index
        %get3A_212 = arith.constant 16 : index
        %get3A_213 = tpu.vector_load %arg12[%get3A_211, %get3A_212] {strides = array<i32>} : memref<48x128xf32, #tpu.memory_space<vmem>>, vector<16xf32>,
        %mul3A_214 = arith.mulf %get3A_210, %get3A_213 : vector<16xf32>
        %get3A_215 = arith.index_cast %add3A_201 : i32 to index
        %get3A_216 = arith.constant 32 : index
        %get3A_217 = tpu.vector_load %arg11[%get3A_215, %get3A_216] {strides = array<i32>} : memref<48x128xf32, #tpu.memory_space<vmem>>, vector<16xf32>,
        %get3A_218 = arith.index_cast %add3A_201 : i32 to index
        %get3A_219 = arith.constant 32 : index
        %get3A_220 = tpu.vector_load %arg12[%get3A_218, %get3A_219] {strides = array<i32>} : memref<48x128xf32, #tpu.memory_space<vmem>>, vector<16xf32>,
        %mul3A_221 = arith.mulf %get3A_217, %get3A_220 : vector<16xf32>
        %get3A_222 = arith.index_cast %add3A_201 : i32 to index
        %get3A_223 = arith.constant 48 : index
        %get3A_224 = tpu.vector_load %arg11[%get3A_222, %get3A_223] {strides = array<i32>} : memref<48x128xf32, #tpu.memory_space<vmem>>, vector<16xf32>,
        %get3A_225 = arith.index_cast %add3A_201 : i32 to index
        %get3A_226 = arith.constant 48 : index
        %get3A_227 = tpu.vector_load %arg12[%get3A_225, %get3A_226] {strides = array<i32>} : memref<48x128xf32, #tpu.memory_space<vmem>>, vector<16xf32>,
        %mul3A_228 = arith.mulf %get3A_224, %get3A_227 : vector<16xf32>
        %get3A_229 = arith.index_cast %add3A_201 : i32 to index
        %get3A_230 = arith.constant 64 : index
        %get3A_231 = tpu.vector_load %arg11[%get3A_229, %get3A_230] {strides = array<i32>} : memref<48x128xf32, #tpu.memory_space<vmem>>, vector<16xf32>,
        %get3A_232 = arith.index_cast %add3A_201 : i32 to index
        %get3A_233 = arith.constant 64 : index
        %get3A_234 = tpu.vector_load %arg12[%get3A_232, %get3A_233] {strides = array<i32>} : memref<48x128xf32, #tpu.memory_space<vmem>>, vector<16xf32>,
        %mul3A_235 = arith.mulf %get3A_231, %get3A_234 : vector<16xf32>
        %get3A_236 = arith.index_cast %add3A_201 : i32 to index
        %get3A_237 = arith.constant 80 : index
        %get3A_238 = tpu.vector_load %arg11[%get3A_236, %get3A_237] {strides = array<i32>} : memref<48x128xf32, #tpu.memory_space<vmem>>, vector<16xf32>,
        %get3A_239 = arith.index_cast %add3A_201 : i32 to index
        %get3A_240 = arith.constant 80 : index
        %get3A_241 = tpu.vector_load %arg12[%get3A_239, %get3A_240] {strides = array<i32>} : memref<48x128xf32, #tpu.memory_space<vmem>>, vector<16xf32>,
        %mul3A_242 = arith.mulf %get3A_238, %get3A_241 : vector<16xf32>
        %get3A_243 = arith.index_cast %add3A_201 : i32 to index
        %get3A_244 = arith.constant 96 : index
        %get3A_245 = tpu.vector_load %arg11[%get3A_243, %get3A_244] {strides = array<i32>} : memref<48x128xf32, #tpu.memory_space<vmem>>, vector<16xf32>,
        %get3A_246 = arith.index_cast %add3A_201 : i32 to index
        %get3A_247 = arith.constant 96 : index
        %get3A_248 = tpu.vector_load %arg12[%get3A_246, %get3A_247] {strides = array<i32>} : memref<48x128xf32, #tpu.memory_space<vmem>>, vector<16xf32>,
        %mul3A_249 = arith.mulf %get3A_245, %get3A_248 : vector<16xf32>
        %get3A_250 = arith.index_cast %add3A_201 : i32 to index
        %get3A_251 = arith.constant 112 : index
        %get3A_252 = tpu.vector_load %arg11[%get3A_250, %get3A_251] {strides = array<i32>} : memref<48x128xf32, #tpu.memory_space<vmem>>, vector<16xf32>,
        %get3A_253 = arith.index_cast %add3A_201 : i32 to index
        %get3A_254 = arith.constant 112 : index
        %get3A_255 = tpu.vector_load %arg12[%get3A_253, %get3A_254] {strides = array<i32>} : memref<48x128xf32, #tpu.memory_space<vmem>>, vector<16xf32>,
        %mul3A_256 = arith.mulf %get3A_252, %get3A_255 : vector<16xf32>
        %add3A_257 = arith.constant 0 : i32
        %add3A_258 = vector.broadcast %add3A_257 : i32 to vector<16xi32>
        %add3A_259 = arith.addi %iota3A, %add3A_258 : vector<16xi32>
        %add3A_260 = arith.addf %mul3A_207, %mul3A_214 : vector<16xf32>
        %add3A_261 = arith.addf %mul3A_221, %mul3A_228 : vector<16xf32>
        %add3A_262 = arith.addf %mul3A_235, %mul3A_242 : vector<16xf32>
        %add3A_263 = arith.addf %mul3A_249, %mul3A_256 : vector<16xf32>
        %add3A_264 = arith.addf %add3A_260, %add3A_261 : vector<16xf32>
        %add3A_265 = arith.addf %add3A_262, %add3A_263 : vector<16xf32>
        %add3A_266 = arith.addf %add3A_264, %add3A_265 : vector<16xf32>
        tpu.vector_store_idx %arg13[%add3A_259], %add3A_266 : memref<272xf32, #tpu.memory_space<vmem>>[vector<16xi32>], vector<16xf32>,
        %add3A_267 = arith.constant 1 : i32
        %add3A_268 = arith.addi %mul3A_199, %add3A_267 : i32
        %get3A_269 = arith.index_cast %add3A_268 : i32 to index
        %get3A_270 = arith.constant 0 : index
        %get3A_271 = tpu.vector_load %arg11[%get3A_269, %get3A_270] {strides = array<i32>} : memref<48x128xf32, #tpu.memory_space<vmem>>, vector<16xf32>,
        %get3A_272 = arith.index_cast %add3A_268 : i32 to index
        %get3A_273 = arith.constant 0 : index
        %get3A_274 = tpu.vector_load %arg12[%get3A_272, %get3A_273] {strides = array<i32>} : memref<48x128xf32, #tpu.memory_space<vmem>>, vector<16xf32>,
        %mul3A_275 = arith.mulf %get3A_271, %get3A_274 : vector<16xf32>
        %get3A_276 = arith.index_cast %add3A_268 : i32 to index
        %get3A_277 = arith.constant 16 : index
        %get3A_278 = tpu.vector_load %arg11[%get3A_276, %get3A_277] {strides = array<i32>} : memref<48x128xf32, #tpu.memory_space<vmem>>, vector<16xf32>,
        %get3A_279 = arith.index_cast %add3A_268 : i32 to index
        %get3A_280 = arith.constant 16 : index
        %get3A_281 = tpu.vector_load %arg12[%get3A_279, %get3A_280] {strides = array<i32>} : memref<48x128xf32, #tpu.memory_space<vmem>>, vector<16xf32>,
        %mul3A_282 = arith.mulf %get3A_278, %get3A_281 : vector<16xf32>
        %get3A_283 = arith.index_cast %add3A_268 : i32 to index
        %get3A_284 = arith.constant 32 : index
        %get3A_285 = tpu.vector_load %arg11[%get3A_283, %get3A_284] {strides = array<i32>} : memref<48x128xf32, #tpu.memory_space<vmem>>, vector<16xf32>,
        %get3A_286 = arith.index_cast %add3A_268 : i32 to index
        %get3A_287 = arith.constant 32 : index
        %get3A_288 = tpu.vector_load %arg12[%get3A_286, %get3A_287] {strides = array<i32>} : memref<48x128xf32, #tpu.memory_space<vmem>>, vector<16xf32>,
        %mul3A_289 = arith.mulf %get3A_285, %get3A_288 : vector<16xf32>
        %get3A_290 = arith.index_cast %add3A_268 : i32 to index
        %get3A_291 = arith.constant 48 : index
        %get3A_292 = tpu.vector_load %arg11[%get3A_290, %get3A_291] {strides = array<i32>} : memref<48x128xf32, #tpu.memory_space<vmem>>, vector<16xf32>,
        %get3A_293 = arith.index_cast %add3A_268 : i32 to index
        %get3A_294 = arith.constant 48 : index
        %get3A_295 = tpu.vector_load %arg12[%get3A_293, %get3A_294] {strides = array<i32>} : memref<48x128xf32, #tpu.memory_space<vmem>>, vector<16xf32>,
        %mul3A_296 = arith.mulf %get3A_292, %get3A_295 : vector<16xf32>
        %get3A_297 = arith.index_cast %add3A_268 : i32 to index
        %get3A_298 = arith.constant 64 : index
        %get3A_299 = tpu.vector_load %arg11[%get3A_297, %get3A_298] {strides = array<i32>} : memref<48x128xf32, #tpu.memory_space<vmem>>, vector<16xf32>,
        %get3A_300 = arith.index_cast %add3A_268 : i32 to index
        %get3A_301 = arith.constant 64 : index
        %get3A_302 = tpu.vector_load %arg12[%get3A_300, %get3A_301] {strides = array<i32>} : memref<48x128xf32, #tpu.memory_space<vmem>>, vector<16xf32>,
        %mul3A_303 = arith.mulf %get3A_299, %get3A_302 : vector<16xf32>
        %get3A_304 = arith.index_cast %add3A_268 : i32 to index
        %get3A_305 = arith.constant 80 : index
        %get3A_306 = tpu.vector_load %arg11[%get3A_304, %get3A_305] {strides = array<i32>} : memref<48x128xf32, #tpu.memory_space<vmem>>, vector<16xf32>,
        %get3A_307 = arith.index_cast %add3A_268 : i32 to index
        %get3A_308 = arith.constant 80 : index
        %get3A_309 = tpu.vector_load %arg12[%get3A_307, %get3A_308] {strides = array<i32>} : memref<48x128xf32, #tpu.memory_space<vmem>>, vector<16xf32>,
        %mul3A_310 = arith.mulf %get3A_306, %get3A_309 : vector<16xf32>
        %get3A_311 = arith.index_cast %add3A_268 : i32 to index
        %get3A_312 = arith.constant 96 : index
        %get3A_313 = tpu.vector_load %arg11[%get3A_311, %get3A_312] {strides = array<i32>} : memref<48x128xf32, #tpu.memory_space<vmem>>, vector<16xf32>,
        %get3A_314 = arith.index_cast %add3A_268 : i32 to index
        %get3A_315 = arith.constant 96 : index
        %get3A_316 = tpu.vector_load %arg12[%get3A_314, %get3A_315] {strides = array<i32>} : memref<48x128xf32, #tpu.memory_space<vmem>>, vector<16xf32>,
        %mul3A_317 = arith.mulf %get3A_313, %get3A_316 : vector<16xf32>
        %get3A_318 = arith.index_cast %add3A_268 : i32 to index
        %get3A_319 = arith.constant 112 : index
        %get3A_320 = tpu.vector_load %arg11[%get3A_318, %get3A_319] {strides = array<i32>} : memref<48x128xf32, #tpu.memory_space<vmem>>, vector<16xf32>,
        %get3A_321 = arith.index_cast %add3A_268 : i32 to index
        %get3A_322 = arith.constant 112 : index
        %get3A_323 = tpu.vector_load %arg12[%get3A_321, %get3A_322] {strides = array<i32>} : memref<48x128xf32, #tpu.memory_space<vmem>>, vector<16xf32>,
        %mul3A_324 = arith.mulf %get3A_320, %get3A_323 : vector<16xf32>
        %add3A_325 = arith.constant 17 : i32
        %add3A_326 = vector.broadcast %add3A_325 : i32 to vector<16xi32>
        %add3A_327 = arith.addi %iota3A, %add3A_326 : vector<16xi32>
        %add3A_328 = arith.addf %mul3A_275, %mul3A_282 : vector<16xf32>
        %add3A_329 = arith.addf %mul3A_289, %mul3A_296 : vector<16xf32>
        %add3A_330 = arith.addf %mul3A_303, %mul3A_310 : vector<16xf32>
        %add3A_331 = arith.addf %mul3A_317, %mul3A_324 : vector<16xf32>
        %add3A_332 = arith.addf %add3A_328, %add3A_329 : vector<16xf32>
        %add3A_333 = arith.addf %add3A_330, %add3A_331 : vector<16xf32>
        %add3A_334 = arith.addf %add3A_332, %add3A_333 : vector<16xf32>
        tpu.vector_store_idx %arg13[%add3A_327], %add3A_334 : memref<272xf32, #tpu.memory_space<vmem>>[vector<16xi32>], vector<16xf32>,
        %add3A_335 = arith.constant 2 : i32
        %add3A_336 = arith.addi %mul3A_199, %add3A_335 : i32
        %get3A_337 = arith.index_cast %add3A_336 : i32 to index
        %get3A_338 = arith.constant 0 : index
        %get3A_339 = tpu.vector_load %arg11[%get3A_337, %get3A_338] {strides = array<i32>} : memref<48x128xf32, #tpu.memory_space<vmem>>, vector<16xf32>,
        %get3A_340 = arith.index_cast %add3A_336 : i32 to index
        %get3A_341 = arith.constant 0 : index
        %get3A_342 = tpu.vector_load %arg12[%get3A_340, %get3A_341] {strides = array<i32>} : memref<48x128xf32, #tpu.memory_space<vmem>>, vector<16xf32>,
        %mul3A_343 = arith.mulf %get3A_339, %get3A_342 : vector<16xf32>
        %get3A_344 = arith.index_cast %add3A_336 : i32 to index
        %get3A_345 = arith.constant 16 : index
        %get3A_346 = tpu.vector_load %arg11[%get3A_344, %get3A_345] {strides = array<i32>} : memref<48x128xf32, #tpu.memory_space<vmem>>, vector<16xf32>,
        %get3A_347 = arith.index_cast %add3A_336 : i32 to index
        %get3A_348 = arith.constant 16 : index
        %get3A_349 = tpu.vector_load %arg12[%get3A_347, %get3A_348] {strides = array<i32>} : memref<48x128xf32, #tpu.memory_space<vmem>>, vector<16xf32>,
        %mul3A_350 = arith.mulf %get3A_346, %get3A_349 : vector<16xf32>
        %get3A_351 = arith.index_cast %add3A_336 : i32 to index
        %get3A_352 = arith.constant 32 : index
        %get3A_353 = tpu.vector_load %arg11[%get3A_351, %get3A_352] {strides = array<i32>} : memref<48x128xf32, #tpu.memory_space<vmem>>, vector<16xf32>,
        %get3A_354 = arith.index_cast %add3A_336 : i32 to index
        %get3A_355 = arith.constant 32 : index
        %get3A_356 = tpu.vector_load %arg12[%get3A_354, %get3A_355] {strides = array<i32>} : memref<48x128xf32, #tpu.memory_space<vmem>>, vector<16xf32>,
        %mul3A_357 = arith.mulf %get3A_353, %get3A_356 : vector<16xf32>
        %get3A_358 = arith.index_cast %add3A_336 : i32 to index
        %get3A_359 = arith.constant 48 : index
        %get3A_360 = tpu.vector_load %arg11[%get3A_358, %get3A_359] {strides = array<i32>} : memref<48x128xf32, #tpu.memory_space<vmem>>, vector<16xf32>,
        %get3A_361 = arith.index_cast %add3A_336 : i32 to index
        %get3A_362 = arith.constant 48 : index
        %get3A_363 = tpu.vector_load %arg12[%get3A_361, %get3A_362] {strides = array<i32>} : memref<48x128xf32, #tpu.memory_space<vmem>>, vector<16xf32>,
        %mul3A_364 = arith.mulf %get3A_360, %get3A_363 : vector<16xf32>
        %get3A_365 = arith.index_cast %add3A_336 : i32 to index
        %get3A_366 = arith.constant 64 : index
        %get3A_367 = tpu.vector_load %arg11[%get3A_365, %get3A_366] {strides = array<i32>} : memref<48x128xf32, #tpu.memory_space<vmem>>, vector<16xf32>,
        %get3A_368 = arith.index_cast %add3A_336 : i32 to index
        %get3A_369 = arith.constant 64 : index
        %get3A_370 = tpu.vector_load %arg12[%get3A_368, %get3A_369] {strides = array<i32>} : memref<48x128xf32, #tpu.memory_space<vmem>>, vector<16xf32>,
        %mul3A_371 = arith.mulf %get3A_367, %get3A_370 : vector<16xf32>
        %get3A_372 = arith.index_cast %add3A_336 : i32 to index
        %get3A_373 = arith.constant 80 : index
        %get3A_374 = tpu.vector_load %arg11[%get3A_372, %get3A_373] {strides = array<i32>} : memref<48x128xf32, #tpu.memory_space<vmem>>, vector<16xf32>,
        %get3A_375 = arith.index_cast %add3A_336 : i32 to index
        %get3A_376 = arith.constant 80 : index
        %get3A_377 = tpu.vector_load %arg12[%get3A_375, %get3A_376] {strides = array<i32>} : memref<48x128xf32, #tpu.memory_space<vmem>>, vector<16xf32>,
        %mul3A_378 = arith.mulf %get3A_374, %get3A_377 : vector<16xf32>
        %get3A_379 = arith.index_cast %add3A_336 : i32 to index
        %get3A_380 = arith.constant 96 : index
        %get3A_381 = tpu.vector_load %arg11[%get3A_379, %get3A_380] {strides = array<i32>} : memref<48x128xf32, #tpu.memory_space<vmem>>, vector<16xf32>,
        %get3A_382 = arith.index_cast %add3A_336 : i32 to index
        %get3A_383 = arith.constant 96 : index
        %get3A_384 = tpu.vector_load %arg12[%get3A_382, %get3A_383] {strides = array<i32>} : memref<48x128xf32, #tpu.memory_space<vmem>>, vector<16xf32>,
        %mul3A_385 = arith.mulf %get3A_381, %get3A_384 : vector<16xf32>
        %get3A_386 = arith.index_cast %add3A_336 : i32 to index
        %get3A_387 = arith.constant 112 : index
        %get3A_388 = tpu.vector_load %arg11[%get3A_386, %get3A_387] {strides = array<i32>} : memref<48x128xf32, #tpu.memory_space<vmem>>, vector<16xf32>,
        %get3A_389 = arith.index_cast %add3A_336 : i32 to index
        %get3A_390 = arith.constant 112 : index
        %get3A_391 = tpu.vector_load %arg12[%get3A_389, %get3A_390] {strides = array<i32>} : memref<48x128xf32, #tpu.memory_space<vmem>>, vector<16xf32>,
        %mul3A_392 = arith.mulf %get3A_388, %get3A_391 : vector<16xf32>
        %add3A_393 = arith.constant 34 : i32
        %add3A_394 = vector.broadcast %add3A_393 : i32 to vector<16xi32>
        %add3A_395 = arith.addi %iota3A, %add3A_394 : vector<16xi32>
        %add3A_396 = arith.addf %mul3A_343, %mul3A_350 : vector<16xf32>
        %add3A_397 = arith.addf %mul3A_357, %mul3A_364 : vector<16xf32>
        %add3A_398 = arith.addf %mul3A_371, %mul3A_378 : vector<16xf32>
        %add3A_399 = arith.addf %mul3A_385, %mul3A_392 : vector<16xf32>
        %add3A_400 = arith.addf %add3A_396, %add3A_397 : vector<16xf32>
        %add3A_401 = arith.addf %add3A_398, %add3A_399 : vector<16xf32>
        %add3A_402 = arith.addf %add3A_400, %add3A_401 : vector<16xf32>
        tpu.vector_store_idx %arg13[%add3A_395], %add3A_402 : memref<272xf32, #tpu.memory_space<vmem>>[vector<16xi32>], vector<16xf32>,
        %add3A_403 = arith.constant 3 : i32
        %add3A_404 = arith.addi %mul3A_199, %add3A_403 : i32
        %get3A_405 = arith.index_cast %add3A_404 : i32 to index
        %get3A_406 = arith.constant 0 : index
        %get3A_407 = tpu.vector_load %arg11[%get3A_405, %get3A_406] {strides = array<i32>} : memref<48x128xf32, #tpu.memory_space<vmem>>, vector<16xf32>,
        %get3A_408 = arith.index_cast %add3A_404 : i32 to index
        %get3A_409 = arith.constant 0 : index
        %get3A_410 = tpu.vector_load %arg12[%get3A_408, %get3A_409] {strides = array<i32>} : memref<48x128xf32, #tpu.memory_space<vmem>>, vector<16xf32>,
        %mul3A_411 = arith.mulf %get3A_407, %get3A_410 : vector<16xf32>
        %get3A_412 = arith.index_cast %add3A_404 : i32 to index
        %get3A_413 = arith.constant 16 : index
        %get3A_414 = tpu.vector_load %arg11[%get3A_412, %get3A_413] {strides = array<i32>} : memref<48x128xf32, #tpu.memory_space<vmem>>, vector<16xf32>,
        %get3A_415 = arith.index_cast %add3A_404 : i32 to index
        %get3A_416 = arith.constant 16 : index
        %get3A_417 = tpu.vector_load %arg12[%get3A_415, %get3A_416] {strides = array<i32>} : memref<48x128xf32, #tpu.memory_space<vmem>>, vector<16xf32>,
        %mul3A_418 = arith.mulf %get3A_414, %get3A_417 : vector<16xf32>
        %get3A_419 = arith.index_cast %add3A_404 : i32 to index
        %get3A_420 = arith.constant 32 : index
        %get3A_421 = tpu.vector_load %arg11[%get3A_419, %get3A_420] {strides = array<i32>} : memref<48x128xf32, #tpu.memory_space<vmem>>, vector<16xf32>,
        %get3A_422 = arith.index_cast %add3A_404 : i32 to index
        %get3A_423 = arith.constant 32 : index
        %get3A_424 = tpu.vector_load %arg12[%get3A_422, %get3A_423] {strides = array<i32>} : memref<48x128xf32, #tpu.memory_space<vmem>>, vector<16xf32>,
        %mul3A_425 = arith.mulf %get3A_421, %get3A_424 : vector<16xf32>
        %get3A_426 = arith.index_cast %add3A_404 : i32 to index
        %get3A_427 = arith.constant 48 : index
        %get3A_428 = tpu.vector_load %arg11[%get3A_426, %get3A_427] {strides = array<i32>} : memref<48x128xf32, #tpu.memory_space<vmem>>, vector<16xf32>,
        %get3A_429 = arith.index_cast %add3A_404 : i32 to index
        %get3A_430 = arith.constant 48 : index
        %get3A_431 = tpu.vector_load %arg12[%get3A_429, %get3A_430] {strides = array<i32>} : memref<48x128xf32, #tpu.memory_space<vmem>>, vector<16xf32>,
        %mul3A_432 = arith.mulf %get3A_428, %get3A_431 : vector<16xf32>
        %get3A_433 = arith.index_cast %add3A_404 : i32 to index
        %get3A_434 = arith.constant 64 : index
        %get3A_435 = tpu.vector_load %arg11[%get3A_433, %get3A_434] {strides = array<i32>} : memref<48x128xf32, #tpu.memory_space<vmem>>, vector<16xf32>,
        %get3A_436 = arith.index_cast %add3A_404 : i32 to index
        %get3A_437 = arith.constant 64 : index
        %get3A_438 = tpu.vector_load %arg12[%get3A_436, %get3A_437] {strides = array<i32>} : memref<48x128xf32, #tpu.memory_space<vmem>>, vector<16xf32>,
        %mul3A_439 = arith.mulf %get3A_435, %get3A_438 : vector<16xf32>
        %get3A_440 = arith.index_cast %add3A_404 : i32 to index
        %get3A_441 = arith.constant 80 : index
        %get3A_442 = tpu.vector_load %arg11[%get3A_440, %get3A_441] {strides = array<i32>} : memref<48x128xf32, #tpu.memory_space<vmem>>, vector<16xf32>,
        %get3A_443 = arith.index_cast %add3A_404 : i32 to index
        %get3A_444 = arith.constant 80 : index
        %get3A_445 = tpu.vector_load %arg12[%get3A_443, %get3A_444] {strides = array<i32>} : memref<48x128xf32, #tpu.memory_space<vmem>>, vector<16xf32>,
        %mul3A_446 = arith.mulf %get3A_442, %get3A_445 : vector<16xf32>
        %get3A_447 = arith.index_cast %add3A_404 : i32 to index
        %get3A_448 = arith.constant 96 : index
        %get3A_449 = tpu.vector_load %arg11[%get3A_447, %get3A_448] {strides = array<i32>} : memref<48x128xf32, #tpu.memory_space<vmem>>, vector<16xf32>,
        %get3A_450 = arith.index_cast %add3A_404 : i32 to index
        %get3A_451 = arith.constant 96 : index
        %get3A_452 = tpu.vector_load %arg12[%get3A_450, %get3A_451] {strides = array<i32>} : memref<48x128xf32, #tpu.memory_space<vmem>>, vector<16xf32>,
        %mul3A_453 = arith.mulf %get3A_449, %get3A_452 : vector<16xf32>
        %get3A_454 = arith.index_cast %add3A_404 : i32 to index
        %get3A_455 = arith.constant 112 : index
        %get3A_456 = tpu.vector_load %arg11[%get3A_454, %get3A_455] {strides = array<i32>} : memref<48x128xf32, #tpu.memory_space<vmem>>, vector<16xf32>,
        %get3A_457 = arith.index_cast %add3A_404 : i32 to index
        %get3A_458 = arith.constant 112 : index
        %get3A_459 = tpu.vector_load %arg12[%get3A_457, %get3A_458] {strides = array<i32>} : memref<48x128xf32, #tpu.memory_space<vmem>>, vector<16xf32>,
        %mul3A_460 = arith.mulf %get3A_456, %get3A_459 : vector<16xf32>
        %add3A_461 = arith.constant 51 : i32
        %add3A_462 = vector.broadcast %add3A_461 : i32 to vector<16xi32>
        %add3A_463 = arith.addi %iota3A, %add3A_462 : vector<16xi32>
        %add3A_464 = arith.addf %mul3A_411, %mul3A_418 : vector<16xf32>
        %add3A_465 = arith.addf %mul3A_425, %mul3A_432 : vector<16xf32>
        %add3A_466 = arith.addf %mul3A_439, %mul3A_446 : vector<16xf32>
        %add3A_467 = arith.addf %mul3A_453, %mul3A_460 : vector<16xf32>
        %add3A_468 = arith.addf %add3A_464, %add3A_465 : vector<16xf32>
        %add3A_469 = arith.addf %add3A_466, %add3A_467 : vector<16xf32>
        %add3A_470 = arith.addf %add3A_468, %add3A_469 : vector<16xf32>
        tpu.vector_store_idx %arg13[%add3A_463], %add3A_470 : memref<272xf32, #tpu.memory_space<vmem>>[vector<16xi32>], vector<16xf32>,
        %add3A_471 = arith.constant 4 : i32
        %add3A_472 = arith.addi %mul3A_199, %add3A_471 : i32
        %get3A_473 = arith.index_cast %add3A_472 : i32 to index
        %get3A_474 = arith.constant 0 : index
        %get3A_475 = tpu.vector_load %arg11[%get3A_473, %get3A_474] {strides = array<i32>} : memref<48x128xf32, #tpu.memory_space<vmem>>, vector<16xf32>,
        %get3A_476 = arith.index_cast %add3A_472 : i32 to index
        %get3A_477 = arith.constant 0 : index
        %get3A_478 = tpu.vector_load %arg12[%get3A_476, %get3A_477] {strides = array<i32>} : memref<48x128xf32, #tpu.memory_space<vmem>>, vector<16xf32>,
        %mul3A_479 = arith.mulf %get3A_475, %get3A_478 : vector<16xf32>
        %get3A_480 = arith.index_cast %add3A_472 : i32 to index
        %get3A_481 = arith.constant 16 : index
        %get3A_482 = tpu.vector_load %arg11[%get3A_480, %get3A_481] {strides = array<i32>} : memref<48x128xf32, #tpu.memory_space<vmem>>, vector<16xf32>,
        %get3A_483 = arith.index_cast %add3A_472 : i32 to index
        %get3A_484 = arith.constant 16 : index
        %get3A_485 = tpu.vector_load %arg12[%get3A_483, %get3A_484] {strides = array<i32>} : memref<48x128xf32, #tpu.memory_space<vmem>>, vector<16xf32>,
        %mul3A_486 = arith.mulf %get3A_482, %get3A_485 : vector<16xf32>
        %get3A_487 = arith.index_cast %add3A_472 : i32 to index
        %get3A_488 = arith.constant 32 : index
        %get3A_489 = tpu.vector_load %arg11[%get3A_487, %get3A_488] {strides = array<i32>} : memref<48x128xf32, #tpu.memory_space<vmem>>, vector<16xf32>,
        %get3A_490 = arith.index_cast %add3A_472 : i32 to index
        %get3A_491 = arith.constant 32 : index
        %get3A_492 = tpu.vector_load %arg12[%get3A_490, %get3A_491] {strides = array<i32>} : memref<48x128xf32, #tpu.memory_space<vmem>>, vector<16xf32>,
        %mul3A_493 = arith.mulf %get3A_489, %get3A_492 : vector<16xf32>
        %get3A_494 = arith.index_cast %add3A_472 : i32 to index
        %get3A_495 = arith.constant 48 : index
        %get3A_496 = tpu.vector_load %arg11[%get3A_494, %get3A_495] {strides = array<i32>} : memref<48x128xf32, #tpu.memory_space<vmem>>, vector<16xf32>,
        %get3A_497 = arith.index_cast %add3A_472 : i32 to index
        %get3A_498 = arith.constant 48 : index
        %get3A_499 = tpu.vector_load %arg12[%get3A_497, %get3A_498] {strides = array<i32>} : memref<48x128xf32, #tpu.memory_space<vmem>>, vector<16xf32>,
        %mul3A_500 = arith.mulf %get3A_496, %get3A_499 : vector<16xf32>
        %get3A_501 = arith.index_cast %add3A_472 : i32 to index
        %get3A_502 = arith.constant 64 : index
        %get3A_503 = tpu.vector_load %arg11[%get3A_501, %get3A_502] {strides = array<i32>} : memref<48x128xf32, #tpu.memory_space<vmem>>, vector<16xf32>,
        %get3A_504 = arith.index_cast %add3A_472 : i32 to index
        %get3A_505 = arith.constant 64 : index
        %get3A_506 = tpu.vector_load %arg12[%get3A_504, %get3A_505] {strides = array<i32>} : memref<48x128xf32, #tpu.memory_space<vmem>>, vector<16xf32>,
        %mul3A_507 = arith.mulf %get3A_503, %get3A_506 : vector<16xf32>
        %get3A_508 = arith.index_cast %add3A_472 : i32 to index
        %get3A_509 = arith.constant 80 : index
        %get3A_510 = tpu.vector_load %arg11[%get3A_508, %get3A_509] {strides = array<i32>} : memref<48x128xf32, #tpu.memory_space<vmem>>, vector<16xf32>,
        %get3A_511 = arith.index_cast %add3A_472 : i32 to index
        %get3A_512 = arith.constant 80 : index
        %get3A_513 = tpu.vector_load %arg12[%get3A_511, %get3A_512] {strides = array<i32>} : memref<48x128xf32, #tpu.memory_space<vmem>>, vector<16xf32>,
        %mul3A_514 = arith.mulf %get3A_510, %get3A_513 : vector<16xf32>
        %get3A_515 = arith.index_cast %add3A_472 : i32 to index
        %get3A_516 = arith.constant 96 : index
        %get3A_517 = tpu.vector_load %arg11[%get3A_515, %get3A_516] {strides = array<i32>} : memref<48x128xf32, #tpu.memory_space<vmem>>, vector<16xf32>,
        %get3A_518 = arith.index_cast %add3A_472 : i32 to index
        %get3A_519 = arith.constant 96 : index
        %get3A_520 = tpu.vector_load %arg12[%get3A_518, %get3A_519] {strides = array<i32>} : memref<48x128xf32, #tpu.memory_space<vmem>>, vector<16xf32>,
        %mul3A_521 = arith.mulf %get3A_517, %get3A_520 : vector<16xf32>
        %get3A_522 = arith.index_cast %add3A_472 : i32 to index
        %get3A_523 = arith.constant 112 : index
        %get3A_524 = tpu.vector_load %arg11[%get3A_522, %get3A_523] {strides = array<i32>} : memref<48x128xf32, #tpu.memory_space<vmem>>, vector<16xf32>,
        %get3A_525 = arith.index_cast %add3A_472 : i32 to index
        %get3A_526 = arith.constant 112 : index
        %get3A_527 = tpu.vector_load %arg12[%get3A_525, %get3A_526] {strides = array<i32>} : memref<48x128xf32, #tpu.memory_space<vmem>>, vector<16xf32>,
        %mul3A_528 = arith.mulf %get3A_524, %get3A_527 : vector<16xf32>
        %add3A_529 = arith.constant 68 : i32
        %add3A_530 = vector.broadcast %add3A_529 : i32 to vector<16xi32>
        %add3A_531 = arith.addi %iota3A, %add3A_530 : vector<16xi32>
        %add3A_532 = arith.addf %mul3A_479, %mul3A_486 : vector<16xf32>
        %add3A_533 = arith.addf %mul3A_493, %mul3A_500 : vector<16xf32>
        %add3A_534 = arith.addf %mul3A_507, %mul3A_514 : vector<16xf32>
        %add3A_535 = arith.addf %mul3A_521, %mul3A_528 : vector<16xf32>
        %add3A_536 = arith.addf %add3A_532, %add3A_533 : vector<16xf32>
        %add3A_537 = arith.addf %add3A_534, %add3A_535 : vector<16xf32>
        %add3A_538 = arith.addf %add3A_536, %add3A_537 : vector<16xf32>
        tpu.vector_store_idx %arg13[%add3A_531], %add3A_538 : memref<272xf32, #tpu.memory_space<vmem>>[vector<16xi32>], vector<16xf32>,
        %add3A_539 = arith.constant 5 : i32
        %add3A_540 = arith.addi %mul3A_199, %add3A_539 : i32
        %get3A_541 = arith.index_cast %add3A_540 : i32 to index
        %get3A_542 = arith.constant 0 : index
        %get3A_543 = tpu.vector_load %arg11[%get3A_541, %get3A_542] {strides = array<i32>} : memref<48x128xf32, #tpu.memory_space<vmem>>, vector<16xf32>,
        %get3A_544 = arith.index_cast %add3A_540 : i32 to index
        %get3A_545 = arith.constant 0 : index
        %get3A_546 = tpu.vector_load %arg12[%get3A_544, %get3A_545] {strides = array<i32>} : memref<48x128xf32, #tpu.memory_space<vmem>>, vector<16xf32>,
        %mul3A_547 = arith.mulf %get3A_543, %get3A_546 : vector<16xf32>
        %get3A_548 = arith.index_cast %add3A_540 : i32 to index
        %get3A_549 = arith.constant 16 : index
        %get3A_550 = tpu.vector_load %arg11[%get3A_548, %get3A_549] {strides = array<i32>} : memref<48x128xf32, #tpu.memory_space<vmem>>, vector<16xf32>,
        %get3A_551 = arith.index_cast %add3A_540 : i32 to index
        %get3A_552 = arith.constant 16 : index
        %get3A_553 = tpu.vector_load %arg12[%get3A_551, %get3A_552] {strides = array<i32>} : memref<48x128xf32, #tpu.memory_space<vmem>>, vector<16xf32>,
        %mul3A_554 = arith.mulf %get3A_550, %get3A_553 : vector<16xf32>
        %get3A_555 = arith.index_cast %add3A_540 : i32 to index
        %get3A_556 = arith.constant 32 : index
        %get3A_557 = tpu.vector_load %arg11[%get3A_555, %get3A_556] {strides = array<i32>} : memref<48x128xf32, #tpu.memory_space<vmem>>, vector<16xf32>,
        %get3A_558 = arith.index_cast %add3A_540 : i32 to index
        %get3A_559 = arith.constant 32 : index
        %get3A_560 = tpu.vector_load %arg12[%get3A_558, %get3A_559] {strides = array<i32>} : memref<48x128xf32, #tpu.memory_space<vmem>>, vector<16xf32>,
        %mul3A_561 = arith.mulf %get3A_557, %get3A_560 : vector<16xf32>
        %get3A_562 = arith.index_cast %add3A_540 : i32 to index
        %get3A_563 = arith.constant 48 : index
        %get3A_564 = tpu.vector_load %arg11[%get3A_562, %get3A_563] {strides = array<i32>} : memref<48x128xf32, #tpu.memory_space<vmem>>, vector<16xf32>,
        %get3A_565 = arith.index_cast %add3A_540 : i32 to index
        %get3A_566 = arith.constant 48 : index
        %get3A_567 = tpu.vector_load %arg12[%get3A_565, %get3A_566] {strides = array<i32>} : memref<48x128xf32, #tpu.memory_space<vmem>>, vector<16xf32>,
        %mul3A_568 = arith.mulf %get3A_564, %get3A_567 : vector<16xf32>
        %get3A_569 = arith.index_cast %add3A_540 : i32 to index
        %get3A_570 = arith.constant 64 : index
        %get3A_571 = tpu.vector_load %arg11[%get3A_569, %get3A_570] {strides = array<i32>} : memref<48x128xf32, #tpu.memory_space<vmem>>, vector<16xf32>,
        %get3A_572 = arith.index_cast %add3A_540 : i32 to index
        %get3A_573 = arith.constant 64 : index
        %get3A_574 = tpu.vector_load %arg12[%get3A_572, %get3A_573] {strides = array<i32>} : memref<48x128xf32, #tpu.memory_space<vmem>>, vector<16xf32>,
        %mul3A_575 = arith.mulf %get3A_571, %get3A_574 : vector<16xf32>
        %get3A_576 = arith.index_cast %add3A_540 : i32 to index
        %get3A_577 = arith.constant 80 : index
        %get3A_578 = tpu.vector_load %arg11[%get3A_576, %get3A_577] {strides = array<i32>} : memref<48x128xf32, #tpu.memory_space<vmem>>, vector<16xf32>,
        %get3A_579 = arith.index_cast %add3A_540 : i32 to index
        %get3A_580 = arith.constant 80 : index
        %get3A_581 = tpu.vector_load %arg12[%get3A_579, %get3A_580] {strides = array<i32>} : memref<48x128xf32, #tpu.memory_space<vmem>>, vector<16xf32>,
        %mul3A_582 = arith.mulf %get3A_578, %get3A_581 : vector<16xf32>
        %get3A_583 = arith.index_cast %add3A_540 : i32 to index
        %get3A_584 = arith.constant 96 : index
        %get3A_585 = tpu.vector_load %arg11[%get3A_583, %get3A_584] {strides = array<i32>} : memref<48x128xf32, #tpu.memory_space<vmem>>, vector<16xf32>,
        %get3A_586 = arith.index_cast %add3A_540 : i32 to index
        %get3A_587 = arith.constant 96 : index
        %get3A_588 = tpu.vector_load %arg12[%get3A_586, %get3A_587] {strides = array<i32>} : memref<48x128xf32, #tpu.memory_space<vmem>>, vector<16xf32>,
        %mul3A_589 = arith.mulf %get3A_585, %get3A_588 : vector<16xf32>
        %get3A_590 = arith.index_cast %add3A_540 : i32 to index
        %get3A_591 = arith.constant 112 : index
        %get3A_592 = tpu.vector_load %arg11[%get3A_590, %get3A_591] {strides = array<i32>} : memref<48x128xf32, #tpu.memory_space<vmem>>, vector<16xf32>,
        %get3A_593 = arith.index_cast %add3A_540 : i32 to index
        %get3A_594 = arith.constant 112 : index
        %get3A_595 = tpu.vector_load %arg12[%get3A_593, %get3A_594] {strides = array<i32>} : memref<48x128xf32, #tpu.memory_space<vmem>>, vector<16xf32>,
        %mul3A_596 = arith.mulf %get3A_592, %get3A_595 : vector<16xf32>
        %add3A_597 = arith.constant 85 : i32
        %add3A_598 = vector.broadcast %add3A_597 : i32 to vector<16xi32>
        %add3A_599 = arith.addi %iota3A, %add3A_598 : vector<16xi32>
        %add3A_600 = arith.addf %mul3A_547, %mul3A_554 : vector<16xf32>
        %add3A_601 = arith.addf %mul3A_561, %mul3A_568 : vector<16xf32>
        %add3A_602 = arith.addf %mul3A_575, %mul3A_582 : vector<16xf32>
        %add3A_603 = arith.addf %mul3A_589, %mul3A_596 : vector<16xf32>
        %add3A_604 = arith.addf %add3A_600, %add3A_601 : vector<16xf32>
        %add3A_605 = arith.addf %add3A_602, %add3A_603 : vector<16xf32>
        %add3A_606 = arith.addf %add3A_604, %add3A_605 : vector<16xf32>
        tpu.vector_store_idx %arg13[%add3A_599], %add3A_606 : memref<272xf32, #tpu.memory_space<vmem>>[vector<16xi32>], vector<16xf32>,
        %add3A_607 = arith.constant 6 : i32
        %add3A_608 = arith.addi %mul3A_199, %add3A_607 : i32
        %get3A_609 = arith.index_cast %add3A_608 : i32 to index
        %get3A_610 = arith.constant 0 : index
        %get3A_611 = tpu.vector_load %arg11[%get3A_609, %get3A_610] {strides = array<i32>} : memref<48x128xf32, #tpu.memory_space<vmem>>, vector<16xf32>,
        %get3A_612 = arith.index_cast %add3A_608 : i32 to index
        %get3A_613 = arith.constant 0 : index
        %get3A_614 = tpu.vector_load %arg12[%get3A_612, %get3A_613] {strides = array<i32>} : memref<48x128xf32, #tpu.memory_space<vmem>>, vector<16xf32>,
        %mul3A_615 = arith.mulf %get3A_611, %get3A_614 : vector<16xf32>
        %get3A_616 = arith.index_cast %add3A_608 : i32 to index
        %get3A_617 = arith.constant 16 : index
        %get3A_618 = tpu.vector_load %arg11[%get3A_616, %get3A_617] {strides = array<i32>} : memref<48x128xf32, #tpu.memory_space<vmem>>, vector<16xf32>,
        %get3A_619 = arith.index_cast %add3A_608 : i32 to index
        %get3A_620 = arith.constant 16 : index
        %get3A_621 = tpu.vector_load %arg12[%get3A_619, %get3A_620] {strides = array<i32>} : memref<48x128xf32, #tpu.memory_space<vmem>>, vector<16xf32>,
        %mul3A_622 = arith.mulf %get3A_618, %get3A_621 : vector<16xf32>
        %get3A_623 = arith.index_cast %add3A_608 : i32 to index
        %get3A_624 = arith.constant 32 : index
        %get3A_625 = tpu.vector_load %arg11[%get3A_623, %get3A_624] {strides = array<i32>} : memref<48x128xf32, #tpu.memory_space<vmem>>, vector<16xf32>,
        %get3A_626 = arith.index_cast %add3A_608 : i32 to index
        %get3A_627 = arith.constant 32 : index
        %get3A_628 = tpu.vector_load %arg12[%get3A_626, %get3A_627] {strides = array<i32>} : memref<48x128xf32, #tpu.memory_space<vmem>>, vector<16xf32>,
        %mul3A_629 = arith.mulf %get3A_625, %get3A_628 : vector<16xf32>
        %get3A_630 = arith.index_cast %add3A_608 : i32 to index
        %get3A_631 = arith.constant 48 : index
        %get3A_632 = tpu.vector_load %arg11[%get3A_630, %get3A_631] {strides = array<i32>} : memref<48x128xf32, #tpu.memory_space<vmem>>, vector<16xf32>,
        %get3A_633 = arith.index_cast %add3A_608 : i32 to index
        %get3A_634 = arith.constant 48 : index
        %get3A_635 = tpu.vector_load %arg12[%get3A_633, %get3A_634] {strides = array<i32>} : memref<48x128xf32, #tpu.memory_space<vmem>>, vector<16xf32>,
        %mul3A_636 = arith.mulf %get3A_632, %get3A_635 : vector<16xf32>
        %get3A_637 = arith.index_cast %add3A_608 : i32 to index
        %get3A_638 = arith.constant 64 : index
        %get3A_639 = tpu.vector_load %arg11[%get3A_637, %get3A_638] {strides = array<i32>} : memref<48x128xf32, #tpu.memory_space<vmem>>, vector<16xf32>,
        %get3A_640 = arith.index_cast %add3A_608 : i32 to index
        %get3A_641 = arith.constant 64 : index
        %get3A_642 = tpu.vector_load %arg12[%get3A_640, %get3A_641] {strides = array<i32>} : memref<48x128xf32, #tpu.memory_space<vmem>>, vector<16xf32>,
        %mul3A_643 = arith.mulf %get3A_639, %get3A_642 : vector<16xf32>
        %get3A_644 = arith.index_cast %add3A_608 : i32 to index
        %get3A_645 = arith.constant 80 : index
        %get3A_646 = tpu.vector_load %arg11[%get3A_644, %get3A_645] {strides = array<i32>} : memref<48x128xf32, #tpu.memory_space<vmem>>, vector<16xf32>,
        %get3A_647 = arith.index_cast %add3A_608 : i32 to index
        %get3A_648 = arith.constant 80 : index
        %get3A_649 = tpu.vector_load %arg12[%get3A_647, %get3A_648] {strides = array<i32>} : memref<48x128xf32, #tpu.memory_space<vmem>>, vector<16xf32>,
        %mul3A_650 = arith.mulf %get3A_646, %get3A_649 : vector<16xf32>
        %get3A_651 = arith.index_cast %add3A_608 : i32 to index
        %get3A_652 = arith.constant 96 : index
        %get3A_653 = tpu.vector_load %arg11[%get3A_651, %get3A_652] {strides = array<i32>} : memref<48x128xf32, #tpu.memory_space<vmem>>, vector<16xf32>,
        %get3A_654 = arith.index_cast %add3A_608 : i32 to index
        %get3A_655 = arith.constant 96 : index
        %get3A_656 = tpu.vector_load %arg12[%get3A_654, %get3A_655] {strides = array<i32>} : memref<48x128xf32, #tpu.memory_space<vmem>>, vector<16xf32>,
        %mul3A_657 = arith.mulf %get3A_653, %get3A_656 : vector<16xf32>
        %get3A_658 = arith.index_cast %add3A_608 : i32 to index
        %get3A_659 = arith.constant 112 : index
        %get3A_660 = tpu.vector_load %arg11[%get3A_658, %get3A_659] {strides = array<i32>} : memref<48x128xf32, #tpu.memory_space<vmem>>, vector<16xf32>,
        %get3A_661 = arith.index_cast %add3A_608 : i32 to index
        %get3A_662 = arith.constant 112 : index
        %get3A_663 = tpu.vector_load %arg12[%get3A_661, %get3A_662] {strides = array<i32>} : memref<48x128xf32, #tpu.memory_space<vmem>>, vector<16xf32>,
        %mul3A_664 = arith.mulf %get3A_660, %get3A_663 : vector<16xf32>
        %add3A_665 = arith.constant 102 : i32
        %add3A_666 = vector.broadcast %add3A_665 : i32 to vector<16xi32>
        %add3A_667 = arith.addi %iota3A, %add3A_666 : vector<16xi32>
        %add3A_668 = arith.addf %mul3A_615, %mul3A_622 : vector<16xf32>
        %add3A_669 = arith.addf %mul3A_629, %mul3A_636 : vector<16xf32>
        %add3A_670 = arith.addf %mul3A_643, %mul3A_650 : vector<16xf32>
        %add3A_671 = arith.addf %mul3A_657, %mul3A_664 : vector<16xf32>
        %add3A_672 = arith.addf %add3A_668, %add3A_669 : vector<16xf32>
        %add3A_673 = arith.addf %add3A_670, %add3A_671 : vector<16xf32>
        %add3A_674 = arith.addf %add3A_672, %add3A_673 : vector<16xf32>
        tpu.vector_store_idx %arg13[%add3A_667], %add3A_674 : memref<272xf32, #tpu.memory_space<vmem>>[vector<16xi32>], vector<16xf32>,
        %add3A_675 = arith.constant 7 : i32
        %add3A_676 = arith.addi %mul3A_199, %add3A_675 : i32
        %get3A_677 = arith.index_cast %add3A_676 : i32 to index
        %get3A_678 = arith.constant 0 : index
        %get3A_679 = tpu.vector_load %arg11[%get3A_677, %get3A_678] {strides = array<i32>} : memref<48x128xf32, #tpu.memory_space<vmem>>, vector<16xf32>,
        %get3A_680 = arith.index_cast %add3A_676 : i32 to index
        %get3A_681 = arith.constant 0 : index
        %get3A_682 = tpu.vector_load %arg12[%get3A_680, %get3A_681] {strides = array<i32>} : memref<48x128xf32, #tpu.memory_space<vmem>>, vector<16xf32>,
        %mul3A_683 = arith.mulf %get3A_679, %get3A_682 : vector<16xf32>
        %get3A_684 = arith.index_cast %add3A_676 : i32 to index
        %get3A_685 = arith.constant 16 : index
        %get3A_686 = tpu.vector_load %arg11[%get3A_684, %get3A_685] {strides = array<i32>} : memref<48x128xf32, #tpu.memory_space<vmem>>, vector<16xf32>,
        %get3A_687 = arith.index_cast %add3A_676 : i32 to index
        %get3A_688 = arith.constant 16 : index
        %get3A_689 = tpu.vector_load %arg12[%get3A_687, %get3A_688] {strides = array<i32>} : memref<48x128xf32, #tpu.memory_space<vmem>>, vector<16xf32>,
        %mul3A_690 = arith.mulf %get3A_686, %get3A_689 : vector<16xf32>
        %get3A_691 = arith.index_cast %add3A_676 : i32 to index
        %get3A_692 = arith.constant 32 : index
        %get3A_693 = tpu.vector_load %arg11[%get3A_691, %get3A_692] {strides = array<i32>} : memref<48x128xf32, #tpu.memory_space<vmem>>, vector<16xf32>,
        %get3A_694 = arith.index_cast %add3A_676 : i32 to index
        %get3A_695 = arith.constant 32 : index
        %get3A_696 = tpu.vector_load %arg12[%get3A_694, %get3A_695] {strides = array<i32>} : memref<48x128xf32, #tpu.memory_space<vmem>>, vector<16xf32>,
        %mul3A_697 = arith.mulf %get3A_693, %get3A_696 : vector<16xf32>
        %get3A_698 = arith.index_cast %add3A_676 : i32 to index
        %get3A_699 = arith.constant 48 : index
        %get3A_700 = tpu.vector_load %arg11[%get3A_698, %get3A_699] {strides = array<i32>} : memref<48x128xf32, #tpu.memory_space<vmem>>, vector<16xf32>,
        %get3A_701 = arith.index_cast %add3A_676 : i32 to index
        %get3A_702 = arith.constant 48 : index
        %get3A_703 = tpu.vector_load %arg12[%get3A_701, %get3A_702] {strides = array<i32>} : memref<48x128xf32, #tpu.memory_space<vmem>>, vector<16xf32>,
        %mul3A_704 = arith.mulf %get3A_700, %get3A_703 : vector<16xf32>
        %get3A_705 = arith.index_cast %add3A_676 : i32 to index
        %get3A_706 = arith.constant 64 : index
        %get3A_707 = tpu.vector_load %arg11[%get3A_705, %get3A_706] {strides = array<i32>} : memref<48x128xf32, #tpu.memory_space<vmem>>, vector<16xf32>,
        %get3A_708 = arith.index_cast %add3A_676 : i32 to index
        %get3A_709 = arith.constant 64 : index
        %get3A_710 = tpu.vector_load %arg12[%get3A_708, %get3A_709] {strides = array<i32>} : memref<48x128xf32, #tpu.memory_space<vmem>>, vector<16xf32>,
        %mul3A_711 = arith.mulf %get3A_707, %get3A_710 : vector<16xf32>
        %get3A_712 = arith.index_cast %add3A_676 : i32 to index
        %get3A_713 = arith.constant 80 : index
        %get3A_714 = tpu.vector_load %arg11[%get3A_712, %get3A_713] {strides = array<i32>} : memref<48x128xf32, #tpu.memory_space<vmem>>, vector<16xf32>,
        %get3A_715 = arith.index_cast %add3A_676 : i32 to index
        %get3A_716 = arith.constant 80 : index
        %get3A_717 = tpu.vector_load %arg12[%get3A_715, %get3A_716] {strides = array<i32>} : memref<48x128xf32, #tpu.memory_space<vmem>>, vector<16xf32>,
        %mul3A_718 = arith.mulf %get3A_714, %get3A_717 : vector<16xf32>
        %get3A_719 = arith.index_cast %add3A_676 : i32 to index
        %get3A_720 = arith.constant 96 : index
        %get3A_721 = tpu.vector_load %arg11[%get3A_719, %get3A_720] {strides = array<i32>} : memref<48x128xf32, #tpu.memory_space<vmem>>, vector<16xf32>,
        %get3A_722 = arith.index_cast %add3A_676 : i32 to index
        %get3A_723 = arith.constant 96 : index
        %get3A_724 = tpu.vector_load %arg12[%get3A_722, %get3A_723] {strides = array<i32>} : memref<48x128xf32, #tpu.memory_space<vmem>>, vector<16xf32>,
        %mul3A_725 = arith.mulf %get3A_721, %get3A_724 : vector<16xf32>
        %get3A_726 = arith.index_cast %add3A_676 : i32 to index
        %get3A_727 = arith.constant 112 : index
        %get3A_728 = tpu.vector_load %arg11[%get3A_726, %get3A_727] {strides = array<i32>} : memref<48x128xf32, #tpu.memory_space<vmem>>, vector<16xf32>,
        %get3A_729 = arith.index_cast %add3A_676 : i32 to index
        %get3A_730 = arith.constant 112 : index
        %get3A_731 = tpu.vector_load %arg12[%get3A_729, %get3A_730] {strides = array<i32>} : memref<48x128xf32, #tpu.memory_space<vmem>>, vector<16xf32>,
        %mul3A_732 = arith.mulf %get3A_728, %get3A_731 : vector<16xf32>
        %add3A_733 = arith.constant 119 : i32
        %add3A_734 = vector.broadcast %add3A_733 : i32 to vector<16xi32>
        %add3A_735 = arith.addi %iota3A, %add3A_734 : vector<16xi32>
        %add3A_736 = arith.addf %mul3A_683, %mul3A_690 : vector<16xf32>
        %add3A_737 = arith.addf %mul3A_697, %mul3A_704 : vector<16xf32>
        %add3A_738 = arith.addf %mul3A_711, %mul3A_718 : vector<16xf32>
        %add3A_739 = arith.addf %mul3A_725, %mul3A_732 : vector<16xf32>
        %add3A_740 = arith.addf %add3A_736, %add3A_737 : vector<16xf32>
        %add3A_741 = arith.addf %add3A_738, %add3A_739 : vector<16xf32>
        %add3A_742 = arith.addf %add3A_740, %add3A_741 : vector<16xf32>
        tpu.vector_store_idx %arg13[%add3A_735], %add3A_742 : memref<272xf32, #tpu.memory_space<vmem>>[vector<16xi32>], vector<16xf32>,
        %add3A_743 = arith.constant 8 : i32
        %add3A_744 = arith.addi %mul3A_199, %add3A_743 : i32
        %get3A_745 = arith.index_cast %add3A_744 : i32 to index
        %get3A_746 = arith.constant 0 : index
        %get3A_747 = tpu.vector_load %arg11[%get3A_745, %get3A_746] {strides = array<i32>} : memref<48x128xf32, #tpu.memory_space<vmem>>, vector<16xf32>,
        %get3A_748 = arith.index_cast %add3A_744 : i32 to index
        %get3A_749 = arith.constant 0 : index
        %get3A_750 = tpu.vector_load %arg12[%get3A_748, %get3A_749] {strides = array<i32>} : memref<48x128xf32, #tpu.memory_space<vmem>>, vector<16xf32>,
        %mul3A_751 = arith.mulf %get3A_747, %get3A_750 : vector<16xf32>
        %get3A_752 = arith.index_cast %add3A_744 : i32 to index
        %get3A_753 = arith.constant 16 : index
        %get3A_754 = tpu.vector_load %arg11[%get3A_752, %get3A_753] {strides = array<i32>} : memref<48x128xf32, #tpu.memory_space<vmem>>, vector<16xf32>,
        %get3A_755 = arith.index_cast %add3A_744 : i32 to index
        %get3A_756 = arith.constant 16 : index
        %get3A_757 = tpu.vector_load %arg12[%get3A_755, %get3A_756] {strides = array<i32>} : memref<48x128xf32, #tpu.memory_space<vmem>>, vector<16xf32>,
        %mul3A_758 = arith.mulf %get3A_754, %get3A_757 : vector<16xf32>
        %get3A_759 = arith.index_cast %add3A_744 : i32 to index
        %get3A_760 = arith.constant 32 : index
        %get3A_761 = tpu.vector_load %arg11[%get3A_759, %get3A_760] {strides = array<i32>} : memref<48x128xf32, #tpu.memory_space<vmem>>, vector<16xf32>,
        %get3A_762 = arith.index_cast %add3A_744 : i32 to index
        %get3A_763 = arith.constant 32 : index
        %get3A_764 = tpu.vector_load %arg12[%get3A_762, %get3A_763] {strides = array<i32>} : memref<48x128xf32, #tpu.memory_space<vmem>>, vector<16xf32>,
        %mul3A_765 = arith.mulf %get3A_761, %get3A_764 : vector<16xf32>
        %get3A_766 = arith.index_cast %add3A_744 : i32 to index
        %get3A_767 = arith.constant 48 : index
        %get3A_768 = tpu.vector_load %arg11[%get3A_766, %get3A_767] {strides = array<i32>} : memref<48x128xf32, #tpu.memory_space<vmem>>, vector<16xf32>,
        %get3A_769 = arith.index_cast %add3A_744 : i32 to index
        %get3A_770 = arith.constant 48 : index
        %get3A_771 = tpu.vector_load %arg12[%get3A_769, %get3A_770] {strides = array<i32>} : memref<48x128xf32, #tpu.memory_space<vmem>>, vector<16xf32>,
        %mul3A_772 = arith.mulf %get3A_768, %get3A_771 : vector<16xf32>
        %get3A_773 = arith.index_cast %add3A_744 : i32 to index
        %get3A_774 = arith.constant 64 : index
        %get3A_775 = tpu.vector_load %arg11[%get3A_773, %get3A_774] {strides = array<i32>} : memref<48x128xf32, #tpu.memory_space<vmem>>, vector<16xf32>,
        %get3A_776 = arith.index_cast %add3A_744 : i32 to index
        %get3A_777 = arith.constant 64 : index
        %get3A_778 = tpu.vector_load %arg12[%get3A_776, %get3A_777] {strides = array<i32>} : memref<48x128xf32, #tpu.memory_space<vmem>>, vector<16xf32>,
        %mul3A_779 = arith.mulf %get3A_775, %get3A_778 : vector<16xf32>
        %get3A_780 = arith.index_cast %add3A_744 : i32 to index
        %get3A_781 = arith.constant 80 : index
        %get3A_782 = tpu.vector_load %arg11[%get3A_780, %get3A_781] {strides = array<i32>} : memref<48x128xf32, #tpu.memory_space<vmem>>, vector<16xf32>,
        %get3A_783 = arith.index_cast %add3A_744 : i32 to index
        %get3A_784 = arith.constant 80 : index
        %get3A_785 = tpu.vector_load %arg12[%get3A_783, %get3A_784] {strides = array<i32>} : memref<48x128xf32, #tpu.memory_space<vmem>>, vector<16xf32>,
        %mul3A_786 = arith.mulf %get3A_782, %get3A_785 : vector<16xf32>
        %get3A_787 = arith.index_cast %add3A_744 : i32 to index
        %get3A_788 = arith.constant 96 : index
        %get3A_789 = tpu.vector_load %arg11[%get3A_787, %get3A_788] {strides = array<i32>} : memref<48x128xf32, #tpu.memory_space<vmem>>, vector<16xf32>,
        %get3A_790 = arith.index_cast %add3A_744 : i32 to index
        %get3A_791 = arith.constant 96 : index
        %get3A_792 = tpu.vector_load %arg12[%get3A_790, %get3A_791] {strides = array<i32>} : memref<48x128xf32, #tpu.memory_space<vmem>>, vector<16xf32>,
        %mul3A_793 = arith.mulf %get3A_789, %get3A_792 : vector<16xf32>
        %get3A_794 = arith.index_cast %add3A_744 : i32 to index
        %get3A_795 = arith.constant 112 : index
        %get3A_796 = tpu.vector_load %arg11[%get3A_794, %get3A_795] {strides = array<i32>} : memref<48x128xf32, #tpu.memory_space<vmem>>, vector<16xf32>,
        %get3A_797 = arith.index_cast %add3A_744 : i32 to index
        %get3A_798 = arith.constant 112 : index
        %get3A_799 = tpu.vector_load %arg12[%get3A_797, %get3A_798] {strides = array<i32>} : memref<48x128xf32, #tpu.memory_space<vmem>>, vector<16xf32>,
        %mul3A_800 = arith.mulf %get3A_796, %get3A_799 : vector<16xf32>
        %add3A_801 = arith.constant 136 : i32
        %add3A_802 = vector.broadcast %add3A_801 : i32 to vector<16xi32>
        %add3A_803 = arith.addi %iota3A, %add3A_802 : vector<16xi32>
        %add3A_804 = arith.addf %mul3A_751, %mul3A_758 : vector<16xf32>
        %add3A_805 = arith.addf %mul3A_765, %mul3A_772 : vector<16xf32>
        %add3A_806 = arith.addf %mul3A_779, %mul3A_786 : vector<16xf32>
        %add3A_807 = arith.addf %mul3A_793, %mul3A_800 : vector<16xf32>
        %add3A_808 = arith.addf %add3A_804, %add3A_805 : vector<16xf32>
        %add3A_809 = arith.addf %add3A_806, %add3A_807 : vector<16xf32>
        %add3A_810 = arith.addf %add3A_808, %add3A_809 : vector<16xf32>
        tpu.vector_store_idx %arg13[%add3A_803], %add3A_810 : memref<272xf32, #tpu.memory_space<vmem>>[vector<16xi32>], vector<16xf32>,
        %add3A_811 = arith.constant 9 : i32
        %add3A_812 = arith.addi %mul3A_199, %add3A_811 : i32
        %get3A_813 = arith.index_cast %add3A_812 : i32 to index
        %get3A_814 = arith.constant 0 : index
        %get3A_815 = tpu.vector_load %arg11[%get3A_813, %get3A_814] {strides = array<i32>} : memref<48x128xf32, #tpu.memory_space<vmem>>, vector<16xf32>,
        %get3A_816 = arith.index_cast %add3A_812 : i32 to index
        %get3A_817 = arith.constant 0 : index
        %get3A_818 = tpu.vector_load %arg12[%get3A_816, %get3A_817] {strides = array<i32>} : memref<48x128xf32, #tpu.memory_space<vmem>>, vector<16xf32>,
        %mul3A_819 = arith.mulf %get3A_815, %get3A_818 : vector<16xf32>
        %get3A_820 = arith.index_cast %add3A_812 : i32 to index
        %get3A_821 = arith.constant 16 : index
        %get3A_822 = tpu.vector_load %arg11[%get3A_820, %get3A_821] {strides = array<i32>} : memref<48x128xf32, #tpu.memory_space<vmem>>, vector<16xf32>,
        %get3A_823 = arith.index_cast %add3A_812 : i32 to index
        %get3A_824 = arith.constant 16 : index
        %get3A_825 = tpu.vector_load %arg12[%get3A_823, %get3A_824] {strides = array<i32>} : memref<48x128xf32, #tpu.memory_space<vmem>>, vector<16xf32>,
        %mul3A_826 = arith.mulf %get3A_822, %get3A_825 : vector<16xf32>
        %get3A_827 = arith.index_cast %add3A_812 : i32 to index
        %get3A_828 = arith.constant 32 : index
        %get3A_829 = tpu.vector_load %arg11[%get3A_827, %get3A_828] {strides = array<i32>} : memref<48x128xf32, #tpu.memory_space<vmem>>, vector<16xf32>,
        %get3A_830 = arith.index_cast %add3A_812 : i32 to index
        %get3A_831 = arith.constant 32 : index
        %get3A_832 = tpu.vector_load %arg12[%get3A_830, %get3A_831] {strides = array<i32>} : memref<48x128xf32, #tpu.memory_space<vmem>>, vector<16xf32>,
        %mul3A_833 = arith.mulf %get3A_829, %get3A_832 : vector<16xf32>
        %get3A_834 = arith.index_cast %add3A_812 : i32 to index
        %get3A_835 = arith.constant 48 : index
        %get3A_836 = tpu.vector_load %arg11[%get3A_834, %get3A_835] {strides = array<i32>} : memref<48x128xf32, #tpu.memory_space<vmem>>, vector<16xf32>,
        %get3A_837 = arith.index_cast %add3A_812 : i32 to index
        %get3A_838 = arith.constant 48 : index
        %get3A_839 = tpu.vector_load %arg12[%get3A_837, %get3A_838] {strides = array<i32>} : memref<48x128xf32, #tpu.memory_space<vmem>>, vector<16xf32>,
        %mul3A_840 = arith.mulf %get3A_836, %get3A_839 : vector<16xf32>
        %get3A_841 = arith.index_cast %add3A_812 : i32 to index
        %get3A_842 = arith.constant 64 : index
        %get3A_843 = tpu.vector_load %arg11[%get3A_841, %get3A_842] {strides = array<i32>} : memref<48x128xf32, #tpu.memory_space<vmem>>, vector<16xf32>,
        %get3A_844 = arith.index_cast %add3A_812 : i32 to index
        %get3A_845 = arith.constant 64 : index
        %get3A_846 = tpu.vector_load %arg12[%get3A_844, %get3A_845] {strides = array<i32>} : memref<48x128xf32, #tpu.memory_space<vmem>>, vector<16xf32>,
        %mul3A_847 = arith.mulf %get3A_843, %get3A_846 : vector<16xf32>
        %get3A_848 = arith.index_cast %add3A_812 : i32 to index
        %get3A_849 = arith.constant 80 : index
        %get3A_850 = tpu.vector_load %arg11[%get3A_848, %get3A_849] {strides = array<i32>} : memref<48x128xf32, #tpu.memory_space<vmem>>, vector<16xf32>,
        %get3A_851 = arith.index_cast %add3A_812 : i32 to index
        %get3A_852 = arith.constant 80 : index
        %get3A_853 = tpu.vector_load %arg12[%get3A_851, %get3A_852] {strides = array<i32>} : memref<48x128xf32, #tpu.memory_space<vmem>>, vector<16xf32>,
        %mul3A_854 = arith.mulf %get3A_850, %get3A_853 : vector<16xf32>
        %get3A_855 = arith.index_cast %add3A_812 : i32 to index
        %get3A_856 = arith.constant 96 : index
        %get3A_857 = tpu.vector_load %arg11[%get3A_855, %get3A_856] {strides = array<i32>} : memref<48x128xf32, #tpu.memory_space<vmem>>, vector<16xf32>,
        %get3A_858 = arith.index_cast %add3A_812 : i32 to index
        %get3A_859 = arith.constant 96 : index
        %get3A_860 = tpu.vector_load %arg12[%get3A_858, %get3A_859] {strides = array<i32>} : memref<48x128xf32, #tpu.memory_space<vmem>>, vector<16xf32>,
        %mul3A_861 = arith.mulf %get3A_857, %get3A_860 : vector<16xf32>
        %get3A_862 = arith.index_cast %add3A_812 : i32 to index
        %get3A_863 = arith.constant 112 : index
        %get3A_864 = tpu.vector_load %arg11[%get3A_862, %get3A_863] {strides = array<i32>} : memref<48x128xf32, #tpu.memory_space<vmem>>, vector<16xf32>,
        %get3A_865 = arith.index_cast %add3A_812 : i32 to index
        %get3A_866 = arith.constant 112 : index
        %get3A_867 = tpu.vector_load %arg12[%get3A_865, %get3A_866] {strides = array<i32>} : memref<48x128xf32, #tpu.memory_space<vmem>>, vector<16xf32>,
        %mul3A_868 = arith.mulf %get3A_864, %get3A_867 : vector<16xf32>
        %add3A_869 = arith.constant 153 : i32
        %add3A_870 = vector.broadcast %add3A_869 : i32 to vector<16xi32>
        %add3A_871 = arith.addi %iota3A, %add3A_870 : vector<16xi32>
        %add3A_872 = arith.addf %mul3A_819, %mul3A_826 : vector<16xf32>
        %add3A_873 = arith.addf %mul3A_833, %mul3A_840 : vector<16xf32>
        %add3A_874 = arith.addf %mul3A_847, %mul3A_854 : vector<16xf32>
        %add3A_875 = arith.addf %mul3A_861, %mul3A_868 : vector<16xf32>
        %add3A_876 = arith.addf %add3A_872, %add3A_873 : vector<16xf32>
        %add3A_877 = arith.addf %add3A_874, %add3A_875 : vector<16xf32>
        %add3A_878 = arith.addf %add3A_876, %add3A_877 : vector<16xf32>
        tpu.vector_store_idx %arg13[%add3A_871], %add3A_878 : memref<272xf32, #tpu.memory_space<vmem>>[vector<16xi32>], vector<16xf32>,
        %add3A_879 = arith.constant 10 : i32
        %add3A_880 = arith.addi %mul3A_199, %add3A_879 : i32
        %get3A_881 = arith.index_cast %add3A_880 : i32 to index
        %get3A_882 = arith.constant 0 : index
        %get3A_883 = tpu.vector_load %arg11[%get3A_881, %get3A_882] {strides = array<i32>} : memref<48x128xf32, #tpu.memory_space<vmem>>, vector<16xf32>,
        %get3A_884 = arith.index_cast %add3A_880 : i32 to index
        %get3A_885 = arith.constant 0 : index
        %get3A_886 = tpu.vector_load %arg12[%get3A_884, %get3A_885] {strides = array<i32>} : memref<48x128xf32, #tpu.memory_space<vmem>>, vector<16xf32>,
        %mul3A_887 = arith.mulf %get3A_883, %get3A_886 : vector<16xf32>
        %get3A_888 = arith.index_cast %add3A_880 : i32 to index
        %get3A_889 = arith.constant 16 : index
        %get3A_890 = tpu.vector_load %arg11[%get3A_888, %get3A_889] {strides = array<i32>} : memref<48x128xf32, #tpu.memory_space<vmem>>, vector<16xf32>,
        %get3A_891 = arith.index_cast %add3A_880 : i32 to index
        %get3A_892 = arith.constant 16 : index
        %get3A_893 = tpu.vector_load %arg12[%get3A_891, %get3A_892] {strides = array<i32>} : memref<48x128xf32, #tpu.memory_space<vmem>>, vector<16xf32>,
        %mul3A_894 = arith.mulf %get3A_890, %get3A_893 : vector<16xf32>
        %get3A_895 = arith.index_cast %add3A_880 : i32 to index
        %get3A_896 = arith.constant 32 : index
        %get3A_897 = tpu.vector_load %arg11[%get3A_895, %get3A_896] {strides = array<i32>} : memref<48x128xf32, #tpu.memory_space<vmem>>, vector<16xf32>,
        %get3A_898 = arith.index_cast %add3A_880 : i32 to index
        %get3A_899 = arith.constant 32 : index
        %get3A_900 = tpu.vector_load %arg12[%get3A_898, %get3A_899] {strides = array<i32>} : memref<48x128xf32, #tpu.memory_space<vmem>>, vector<16xf32>,
        %mul3A_901 = arith.mulf %get3A_897, %get3A_900 : vector<16xf32>
        %get3A_902 = arith.index_cast %add3A_880 : i32 to index
        %get3A_903 = arith.constant 48 : index
        %get3A_904 = tpu.vector_load %arg11[%get3A_902, %get3A_903] {strides = array<i32>} : memref<48x128xf32, #tpu.memory_space<vmem>>, vector<16xf32>,
        %get3A_905 = arith.index_cast %add3A_880 : i32 to index
        %get3A_906 = arith.constant 48 : index
        %get3A_907 = tpu.vector_load %arg12[%get3A_905, %get3A_906] {strides = array<i32>} : memref<48x128xf32, #tpu.memory_space<vmem>>, vector<16xf32>,
        %mul3A_908 = arith.mulf %get3A_904, %get3A_907 : vector<16xf32>
        %get3A_909 = arith.index_cast %add3A_880 : i32 to index
        %get3A_910 = arith.constant 64 : index
        %get3A_911 = tpu.vector_load %arg11[%get3A_909, %get3A_910] {strides = array<i32>} : memref<48x128xf32, #tpu.memory_space<vmem>>, vector<16xf32>,
        %get3A_912 = arith.index_cast %add3A_880 : i32 to index
        %get3A_913 = arith.constant 64 : index
        %get3A_914 = tpu.vector_load %arg12[%get3A_912, %get3A_913] {strides = array<i32>} : memref<48x128xf32, #tpu.memory_space<vmem>>, vector<16xf32>,
        %mul3A_915 = arith.mulf %get3A_911, %get3A_914 : vector<16xf32>
        %get3A_916 = arith.index_cast %add3A_880 : i32 to index
        %get3A_917 = arith.constant 80 : index
        %get3A_918 = tpu.vector_load %arg11[%get3A_916, %get3A_917] {strides = array<i32>} : memref<48x128xf32, #tpu.memory_space<vmem>>, vector<16xf32>,
        %get3A_919 = arith.index_cast %add3A_880 : i32 to index
        %get3A_920 = arith.constant 80 : index
        %get3A_921 = tpu.vector_load %arg12[%get3A_919, %get3A_920] {strides = array<i32>} : memref<48x128xf32, #tpu.memory_space<vmem>>, vector<16xf32>,
        %mul3A_922 = arith.mulf %get3A_918, %get3A_921 : vector<16xf32>
        %get3A_923 = arith.index_cast %add3A_880 : i32 to index
        %get3A_924 = arith.constant 96 : index
        %get3A_925 = tpu.vector_load %arg11[%get3A_923, %get3A_924] {strides = array<i32>} : memref<48x128xf32, #tpu.memory_space<vmem>>, vector<16xf32>,
        %get3A_926 = arith.index_cast %add3A_880 : i32 to index
        %get3A_927 = arith.constant 96 : index
        %get3A_928 = tpu.vector_load %arg12[%get3A_926, %get3A_927] {strides = array<i32>} : memref<48x128xf32, #tpu.memory_space<vmem>>, vector<16xf32>,
        %mul3A_929 = arith.mulf %get3A_925, %get3A_928 : vector<16xf32>
        %get3A_930 = arith.index_cast %add3A_880 : i32 to index
        %get3A_931 = arith.constant 112 : index
        %get3A_932 = tpu.vector_load %arg11[%get3A_930, %get3A_931] {strides = array<i32>} : memref<48x128xf32, #tpu.memory_space<vmem>>, vector<16xf32>,
        %get3A_933 = arith.index_cast %add3A_880 : i32 to index
        %get3A_934 = arith.constant 112 : index
        %get3A_935 = tpu.vector_load %arg12[%get3A_933, %get3A_934] {strides = array<i32>} : memref<48x128xf32, #tpu.memory_space<vmem>>, vector<16xf32>,
        %mul3A_936 = arith.mulf %get3A_932, %get3A_935 : vector<16xf32>
        %add3A_937 = arith.constant 170 : i32
        %add3A_938 = vector.broadcast %add3A_937 : i32 to vector<16xi32>
        %add3A_939 = arith.addi %iota3A, %add3A_938 : vector<16xi32>
        %add3A_940 = arith.addf %mul3A_887, %mul3A_894 : vector<16xf32>
        %add3A_941 = arith.addf %mul3A_901, %mul3A_908 : vector<16xf32>
        %add3A_942 = arith.addf %mul3A_915, %mul3A_922 : vector<16xf32>
        %add3A_943 = arith.addf %mul3A_929, %mul3A_936 : vector<16xf32>
        %add3A_944 = arith.addf %add3A_940, %add3A_941 : vector<16xf32>
        %add3A_945 = arith.addf %add3A_942, %add3A_943 : vector<16xf32>
        %add3A_946 = arith.addf %add3A_944, %add3A_945 : vector<16xf32>
        tpu.vector_store_idx %arg13[%add3A_939], %add3A_946 : memref<272xf32, #tpu.memory_space<vmem>>[vector<16xi32>], vector<16xf32>,
        %add3A_947 = arith.constant 11 : i32
        %add3A_948 = arith.addi %mul3A_199, %add3A_947 : i32
        %get3A_949 = arith.index_cast %add3A_948 : i32 to index
        %get3A_950 = arith.constant 0 : index
        %get3A_951 = tpu.vector_load %arg11[%get3A_949, %get3A_950] {strides = array<i32>} : memref<48x128xf32, #tpu.memory_space<vmem>>, vector<16xf32>,
        %get3A_952 = arith.index_cast %add3A_948 : i32 to index
        %get3A_953 = arith.constant 0 : index
        %get3A_954 = tpu.vector_load %arg12[%get3A_952, %get3A_953] {strides = array<i32>} : memref<48x128xf32, #tpu.memory_space<vmem>>, vector<16xf32>,
        %mul3A_955 = arith.mulf %get3A_951, %get3A_954 : vector<16xf32>
        %get3A_956 = arith.index_cast %add3A_948 : i32 to index
        %get3A_957 = arith.constant 16 : index
        %get3A_958 = tpu.vector_load %arg11[%get3A_956, %get3A_957] {strides = array<i32>} : memref<48x128xf32, #tpu.memory_space<vmem>>, vector<16xf32>,
        %get3A_959 = arith.index_cast %add3A_948 : i32 to index
        %get3A_960 = arith.constant 16 : index
        %get3A_961 = tpu.vector_load %arg12[%get3A_959, %get3A_960] {strides = array<i32>} : memref<48x128xf32, #tpu.memory_space<vmem>>, vector<16xf32>,
        %mul3A_962 = arith.mulf %get3A_958, %get3A_961 : vector<16xf32>
        %get3A_963 = arith.index_cast %add3A_948 : i32 to index
        %get3A_964 = arith.constant 32 : index
        %get3A_965 = tpu.vector_load %arg11[%get3A_963, %get3A_964] {strides = array<i32>} : memref<48x128xf32, #tpu.memory_space<vmem>>, vector<16xf32>,
        %get3A_966 = arith.index_cast %add3A_948 : i32 to index
        %get3A_967 = arith.constant 32 : index
        %get3A_968 = tpu.vector_load %arg12[%get3A_966, %get3A_967] {strides = array<i32>} : memref<48x128xf32, #tpu.memory_space<vmem>>, vector<16xf32>,
        %mul3A_969 = arith.mulf %get3A_965, %get3A_968 : vector<16xf32>
        %get3A_970 = arith.index_cast %add3A_948 : i32 to index
        %get3A_971 = arith.constant 48 : index
        %get3A_972 = tpu.vector_load %arg11[%get3A_970, %get3A_971] {strides = array<i32>} : memref<48x128xf32, #tpu.memory_space<vmem>>, vector<16xf32>,
        %get3A_973 = arith.index_cast %add3A_948 : i32 to index
        %get3A_974 = arith.constant 48 : index
        %get3A_975 = tpu.vector_load %arg12[%get3A_973, %get3A_974] {strides = array<i32>} : memref<48x128xf32, #tpu.memory_space<vmem>>, vector<16xf32>,
        %mul3A_976 = arith.mulf %get3A_972, %get3A_975 : vector<16xf32>
        %get3A_977 = arith.index_cast %add3A_948 : i32 to index
        %get3A_978 = arith.constant 64 : index
        %get3A_979 = tpu.vector_load %arg11[%get3A_977, %get3A_978] {strides = array<i32>} : memref<48x128xf32, #tpu.memory_space<vmem>>, vector<16xf32>,
        %get3A_980 = arith.index_cast %add3A_948 : i32 to index
        %get3A_981 = arith.constant 64 : index
        %get3A_982 = tpu.vector_load %arg12[%get3A_980, %get3A_981] {strides = array<i32>} : memref<48x128xf32, #tpu.memory_space<vmem>>, vector<16xf32>,
        %mul3A_983 = arith.mulf %get3A_979, %get3A_982 : vector<16xf32>
        %get3A_984 = arith.index_cast %add3A_948 : i32 to index
        %get3A_985 = arith.constant 80 : index
        %get3A_986 = tpu.vector_load %arg11[%get3A_984, %get3A_985] {strides = array<i32>} : memref<48x128xf32, #tpu.memory_space<vmem>>, vector<16xf32>,
        %get3A_987 = arith.index_cast %add3A_948 : i32 to index
        %get3A_988 = arith.constant 80 : index
        %get3A_989 = tpu.vector_load %arg12[%get3A_987, %get3A_988] {strides = array<i32>} : memref<48x128xf32, #tpu.memory_space<vmem>>, vector<16xf32>,
        %mul3A_990 = arith.mulf %get3A_986, %get3A_989 : vector<16xf32>
        %get3A_991 = arith.index_cast %add3A_948 : i32 to index
        %get3A_992 = arith.constant 96 : index
        %get3A_993 = tpu.vector_load %arg11[%get3A_991, %get3A_992] {strides = array<i32>} : memref<48x128xf32, #tpu.memory_space<vmem>>, vector<16xf32>,
        %get3A_994 = arith.index_cast %add3A_948 : i32 to index
        %get3A_995 = arith.constant 96 : index
        %get3A_996 = tpu.vector_load %arg12[%get3A_994, %get3A_995] {strides = array<i32>} : memref<48x128xf32, #tpu.memory_space<vmem>>, vector<16xf32>,
        %mul3A_997 = arith.mulf %get3A_993, %get3A_996 : vector<16xf32>
        %get3A_998 = arith.index_cast %add3A_948 : i32 to index
        %get3A_999 = arith.constant 112 : index
        %get3A_1000 = tpu.vector_load %arg11[%get3A_998, %get3A_999] {strides = array<i32>} : memref<48x128xf32, #tpu.memory_space<vmem>>, vector<16xf32>,
        %get3A_1001 = arith.index_cast %add3A_948 : i32 to index
        %get3A_1002 = arith.constant 112 : index
        %get3A_1003 = tpu.vector_load %arg12[%get3A_1001, %get3A_1002] {strides = array<i32>} : memref<48x128xf32, #tpu.memory_space<vmem>>, vector<16xf32>,
        %mul3A_1004 = arith.mulf %get3A_1000, %get3A_1003 : vector<16xf32>
        %add3A_1005 = arith.constant 187 : i32
        %add3A_1006 = vector.broadcast %add3A_1005 : i32 to vector<16xi32>
        %add3A_1007 = arith.addi %iota3A, %add3A_1006 : vector<16xi32>
        %add3A_1008 = arith.addf %mul3A_955, %mul3A_962 : vector<16xf32>
        %add3A_1009 = arith.addf %mul3A_969, %mul3A_976 : vector<16xf32>
        %add3A_1010 = arith.addf %mul3A_983, %mul3A_990 : vector<16xf32>
        %add3A_1011 = arith.addf %mul3A_997, %mul3A_1004 : vector<16xf32>
        %add3A_1012 = arith.addf %add3A_1008, %add3A_1009 : vector<16xf32>
        %add3A_1013 = arith.addf %add3A_1010, %add3A_1011 : vector<16xf32>
        %add3A_1014 = arith.addf %add3A_1012, %add3A_1013 : vector<16xf32>
        tpu.vector_store_idx %arg13[%add3A_1007], %add3A_1014 : memref<272xf32, #tpu.memory_space<vmem>>[vector<16xi32>], vector<16xf32>,
        %add3A_1015 = arith.constant 12 : i32
        %add3A_1016 = arith.addi %mul3A_199, %add3A_1015 : i32
        %get3A_1017 = arith.index_cast %add3A_1016 : i32 to index
        %get3A_1018 = arith.constant 0 : index
        %get3A_1019 = tpu.vector_load %arg11[%get3A_1017, %get3A_1018] {strides = array<i32>} : memref<48x128xf32, #tpu.memory_space<vmem>>, vector<16xf32>,
        %get3A_1020 = arith.index_cast %add3A_1016 : i32 to index
        %get3A_1021 = arith.constant 0 : index
        %get3A_1022 = tpu.vector_load %arg12[%get3A_1020, %get3A_1021] {strides = array<i32>} : memref<48x128xf32, #tpu.memory_space<vmem>>, vector<16xf32>,
        %mul3A_1023 = arith.mulf %get3A_1019, %get3A_1022 : vector<16xf32>
        %get3A_1024 = arith.index_cast %add3A_1016 : i32 to index
        %get3A_1025 = arith.constant 16 : index
        %get3A_1026 = tpu.vector_load %arg11[%get3A_1024, %get3A_1025] {strides = array<i32>} : memref<48x128xf32, #tpu.memory_space<vmem>>, vector<16xf32>,
        %get3A_1027 = arith.index_cast %add3A_1016 : i32 to index
        %get3A_1028 = arith.constant 16 : index
        %get3A_1029 = tpu.vector_load %arg12[%get3A_1027, %get3A_1028] {strides = array<i32>} : memref<48x128xf32, #tpu.memory_space<vmem>>, vector<16xf32>,
        %mul3A_1030 = arith.mulf %get3A_1026, %get3A_1029 : vector<16xf32>
        %get3A_1031 = arith.index_cast %add3A_1016 : i32 to index
        %get3A_1032 = arith.constant 32 : index
        %get3A_1033 = tpu.vector_load %arg11[%get3A_1031, %get3A_1032] {strides = array<i32>} : memref<48x128xf32, #tpu.memory_space<vmem>>, vector<16xf32>,
        %get3A_1034 = arith.index_cast %add3A_1016 : i32 to index
        %get3A_1035 = arith.constant 32 : index
        %get3A_1036 = tpu.vector_load %arg12[%get3A_1034, %get3A_1035] {strides = array<i32>} : memref<48x128xf32, #tpu.memory_space<vmem>>, vector<16xf32>,
        %mul3A_1037 = arith.mulf %get3A_1033, %get3A_1036 : vector<16xf32>
        %get3A_1038 = arith.index_cast %add3A_1016 : i32 to index
        %get3A_1039 = arith.constant 48 : index
        %get3A_1040 = tpu.vector_load %arg11[%get3A_1038, %get3A_1039] {strides = array<i32>} : memref<48x128xf32, #tpu.memory_space<vmem>>, vector<16xf32>,
        %get3A_1041 = arith.index_cast %add3A_1016 : i32 to index
        %get3A_1042 = arith.constant 48 : index
        %get3A_1043 = tpu.vector_load %arg12[%get3A_1041, %get3A_1042] {strides = array<i32>} : memref<48x128xf32, #tpu.memory_space<vmem>>, vector<16xf32>,
        %mul3A_1044 = arith.mulf %get3A_1040, %get3A_1043 : vector<16xf32>
        %get3A_1045 = arith.index_cast %add3A_1016 : i32 to index
        %get3A_1046 = arith.constant 64 : index
        %get3A_1047 = tpu.vector_load %arg11[%get3A_1045, %get3A_1046] {strides = array<i32>} : memref<48x128xf32, #tpu.memory_space<vmem>>, vector<16xf32>,
        %get3A_1048 = arith.index_cast %add3A_1016 : i32 to index
        %get3A_1049 = arith.constant 64 : index
        %get3A_1050 = tpu.vector_load %arg12[%get3A_1048, %get3A_1049] {strides = array<i32>} : memref<48x128xf32, #tpu.memory_space<vmem>>, vector<16xf32>,
        %mul3A_1051 = arith.mulf %get3A_1047, %get3A_1050 : vector<16xf32>
        %get3A_1052 = arith.index_cast %add3A_1016 : i32 to index
        %get3A_1053 = arith.constant 80 : index
        %get3A_1054 = tpu.vector_load %arg11[%get3A_1052, %get3A_1053] {strides = array<i32>} : memref<48x128xf32, #tpu.memory_space<vmem>>, vector<16xf32>,
        %get3A_1055 = arith.index_cast %add3A_1016 : i32 to index
        %get3A_1056 = arith.constant 80 : index
        %get3A_1057 = tpu.vector_load %arg12[%get3A_1055, %get3A_1056] {strides = array<i32>} : memref<48x128xf32, #tpu.memory_space<vmem>>, vector<16xf32>,
        %mul3A_1058 = arith.mulf %get3A_1054, %get3A_1057 : vector<16xf32>
        %get3A_1059 = arith.index_cast %add3A_1016 : i32 to index
        %get3A_1060 = arith.constant 96 : index
        %get3A_1061 = tpu.vector_load %arg11[%get3A_1059, %get3A_1060] {strides = array<i32>} : memref<48x128xf32, #tpu.memory_space<vmem>>, vector<16xf32>,
        %get3A_1062 = arith.index_cast %add3A_1016 : i32 to index
        %get3A_1063 = arith.constant 96 : index
        %get3A_1064 = tpu.vector_load %arg12[%get3A_1062, %get3A_1063] {strides = array<i32>} : memref<48x128xf32, #tpu.memory_space<vmem>>, vector<16xf32>,
        %mul3A_1065 = arith.mulf %get3A_1061, %get3A_1064 : vector<16xf32>
        %get3A_1066 = arith.index_cast %add3A_1016 : i32 to index
        %get3A_1067 = arith.constant 112 : index
        %get3A_1068 = tpu.vector_load %arg11[%get3A_1066, %get3A_1067] {strides = array<i32>} : memref<48x128xf32, #tpu.memory_space<vmem>>, vector<16xf32>,
        %get3A_1069 = arith.index_cast %add3A_1016 : i32 to index
        %get3A_1070 = arith.constant 112 : index
        %get3A_1071 = tpu.vector_load %arg12[%get3A_1069, %get3A_1070] {strides = array<i32>} : memref<48x128xf32, #tpu.memory_space<vmem>>, vector<16xf32>,
        %mul3A_1072 = arith.mulf %get3A_1068, %get3A_1071 : vector<16xf32>
        %add3A_1073 = arith.constant 204 : i32
        %add3A_1074 = vector.broadcast %add3A_1073 : i32 to vector<16xi32>
        %add3A_1075 = arith.addi %iota3A, %add3A_1074 : vector<16xi32>
        %add3A_1076 = arith.addf %mul3A_1023, %mul3A_1030 : vector<16xf32>
        %add3A_1077 = arith.addf %mul3A_1037, %mul3A_1044 : vector<16xf32>
        %add3A_1078 = arith.addf %mul3A_1051, %mul3A_1058 : vector<16xf32>
        %add3A_1079 = arith.addf %mul3A_1065, %mul3A_1072 : vector<16xf32>
        %add3A_1080 = arith.addf %add3A_1076, %add3A_1077 : vector<16xf32>
        %add3A_1081 = arith.addf %add3A_1078, %add3A_1079 : vector<16xf32>
        %add3A_1082 = arith.addf %add3A_1080, %add3A_1081 : vector<16xf32>
        tpu.vector_store_idx %arg13[%add3A_1075], %add3A_1082 : memref<272xf32, #tpu.memory_space<vmem>>[vector<16xi32>], vector<16xf32>,
        %add3A_1083 = arith.constant 13 : i32
        %add3A_1084 = arith.addi %mul3A_199, %add3A_1083 : i32
        %get3A_1085 = arith.index_cast %add3A_1084 : i32 to index
        %get3A_1086 = arith.constant 0 : index
        %get3A_1087 = tpu.vector_load %arg11[%get3A_1085, %get3A_1086] {strides = array<i32>} : memref<48x128xf32, #tpu.memory_space<vmem>>, vector<16xf32>,
        %get3A_1088 = arith.index_cast %add3A_1084 : i32 to index
        %get3A_1089 = arith.constant 0 : index
        %get3A_1090 = tpu.vector_load %arg12[%get3A_1088, %get3A_1089] {strides = array<i32>} : memref<48x128xf32, #tpu.memory_space<vmem>>, vector<16xf32>,
        %mul3A_1091 = arith.mulf %get3A_1087, %get3A_1090 : vector<16xf32>
        %get3A_1092 = arith.index_cast %add3A_1084 : i32 to index
        %get3A_1093 = arith.constant 16 : index
        %get3A_1094 = tpu.vector_load %arg11[%get3A_1092, %get3A_1093] {strides = array<i32>} : memref<48x128xf32, #tpu.memory_space<vmem>>, vector<16xf32>,
        %get3A_1095 = arith.index_cast %add3A_1084 : i32 to index
        %get3A_1096 = arith.constant 16 : index
        %get3A_1097 = tpu.vector_load %arg12[%get3A_1095, %get3A_1096] {strides = array<i32>} : memref<48x128xf32, #tpu.memory_space<vmem>>, vector<16xf32>,
        %mul3A_1098 = arith.mulf %get3A_1094, %get3A_1097 : vector<16xf32>
        %get3A_1099 = arith.index_cast %add3A_1084 : i32 to index
        %get3A_1100 = arith.constant 32 : index
        %get3A_1101 = tpu.vector_load %arg11[%get3A_1099, %get3A_1100] {strides = array<i32>} : memref<48x128xf32, #tpu.memory_space<vmem>>, vector<16xf32>,
        %get3A_1102 = arith.index_cast %add3A_1084 : i32 to index
        %get3A_1103 = arith.constant 32 : index
        %get3A_1104 = tpu.vector_load %arg12[%get3A_1102, %get3A_1103] {strides = array<i32>} : memref<48x128xf32, #tpu.memory_space<vmem>>, vector<16xf32>,
        %mul3A_1105 = arith.mulf %get3A_1101, %get3A_1104 : vector<16xf32>
        %get3A_1106 = arith.index_cast %add3A_1084 : i32 to index
        %get3A_1107 = arith.constant 48 : index
        %get3A_1108 = tpu.vector_load %arg11[%get3A_1106, %get3A_1107] {strides = array<i32>} : memref<48x128xf32, #tpu.memory_space<vmem>>, vector<16xf32>,
        %get3A_1109 = arith.index_cast %add3A_1084 : i32 to index
        %get3A_1110 = arith.constant 48 : index
        %get3A_1111 = tpu.vector_load %arg12[%get3A_1109, %get3A_1110] {strides = array<i32>} : memref<48x128xf32, #tpu.memory_space<vmem>>, vector<16xf32>,
        %mul3A_1112 = arith.mulf %get3A_1108, %get3A_1111 : vector<16xf32>
        %get3A_1113 = arith.index_cast %add3A_1084 : i32 to index
        %get3A_1114 = arith.constant 64 : index
        %get3A_1115 = tpu.vector_load %arg11[%get3A_1113, %get3A_1114] {strides = array<i32>} : memref<48x128xf32, #tpu.memory_space<vmem>>, vector<16xf32>,
        %get3A_1116 = arith.index_cast %add3A_1084 : i32 to index
        %get3A_1117 = arith.constant 64 : index
        %get3A_1118 = tpu.vector_load %arg12[%get3A_1116, %get3A_1117] {strides = array<i32>} : memref<48x128xf32, #tpu.memory_space<vmem>>, vector<16xf32>,
        %mul3A_1119 = arith.mulf %get3A_1115, %get3A_1118 : vector<16xf32>
        %get3A_1120 = arith.index_cast %add3A_1084 : i32 to index
        %get3A_1121 = arith.constant 80 : index
        %get3A_1122 = tpu.vector_load %arg11[%get3A_1120, %get3A_1121] {strides = array<i32>} : memref<48x128xf32, #tpu.memory_space<vmem>>, vector<16xf32>,
        %get3A_1123 = arith.index_cast %add3A_1084 : i32 to index
        %get3A_1124 = arith.constant 80 : index
        %get3A_1125 = tpu.vector_load %arg12[%get3A_1123, %get3A_1124] {strides = array<i32>} : memref<48x128xf32, #tpu.memory_space<vmem>>, vector<16xf32>,
        %mul3A_1126 = arith.mulf %get3A_1122, %get3A_1125 : vector<16xf32>
        %get3A_1127 = arith.index_cast %add3A_1084 : i32 to index
        %get3A_1128 = arith.constant 96 : index
        %get3A_1129 = tpu.vector_load %arg11[%get3A_1127, %get3A_1128] {strides = array<i32>} : memref<48x128xf32, #tpu.memory_space<vmem>>, vector<16xf32>,
        %get3A_1130 = arith.index_cast %add3A_1084 : i32 to index
        %get3A_1131 = arith.constant 96 : index
        %get3A_1132 = tpu.vector_load %arg12[%get3A_1130, %get3A_1131] {strides = array<i32>} : memref<48x128xf32, #tpu.memory_space<vmem>>, vector<16xf32>,
        %mul3A_1133 = arith.mulf %get3A_1129, %get3A_1132 : vector<16xf32>
        %get3A_1134 = arith.index_cast %add3A_1084 : i32 to index
        %get3A_1135 = arith.constant 112 : index
        %get3A_1136 = tpu.vector_load %arg11[%get3A_1134, %get3A_1135] {strides = array<i32>} : memref<48x128xf32, #tpu.memory_space<vmem>>, vector<16xf32>,
        %get3A_1137 = arith.index_cast %add3A_1084 : i32 to index
        %get3A_1138 = arith.constant 112 : index
        %get3A_1139 = tpu.vector_load %arg12[%get3A_1137, %get3A_1138] {strides = array<i32>} : memref<48x128xf32, #tpu.memory_space<vmem>>, vector<16xf32>,
        %mul3A_1140 = arith.mulf %get3A_1136, %get3A_1139 : vector<16xf32>
        %add3A_1141 = arith.constant 221 : i32
        %add3A_1142 = vector.broadcast %add3A_1141 : i32 to vector<16xi32>
        %add3A_1143 = arith.addi %iota3A, %add3A_1142 : vector<16xi32>
        %add3A_1144 = arith.addf %mul3A_1091, %mul3A_1098 : vector<16xf32>
        %add3A_1145 = arith.addf %mul3A_1105, %mul3A_1112 : vector<16xf32>
        %add3A_1146 = arith.addf %mul3A_1119, %mul3A_1126 : vector<16xf32>
        %add3A_1147 = arith.addf %mul3A_1133, %mul3A_1140 : vector<16xf32>
        %add3A_1148 = arith.addf %add3A_1144, %add3A_1145 : vector<16xf32>
        %add3A_1149 = arith.addf %add3A_1146, %add3A_1147 : vector<16xf32>
        %add3A_1150 = arith.addf %add3A_1148, %add3A_1149 : vector<16xf32>
        tpu.vector_store_idx %arg13[%add3A_1143], %add3A_1150 : memref<272xf32, #tpu.memory_space<vmem>>[vector<16xi32>], vector<16xf32>,
        %add3A_1151 = arith.constant 14 : i32
        %add3A_1152 = arith.addi %mul3A_199, %add3A_1151 : i32
        %get3A_1153 = arith.index_cast %add3A_1152 : i32 to index
        %get3A_1154 = arith.constant 0 : index
        %get3A_1155 = tpu.vector_load %arg11[%get3A_1153, %get3A_1154] {strides = array<i32>} : memref<48x128xf32, #tpu.memory_space<vmem>>, vector<16xf32>,
        %get3A_1156 = arith.index_cast %add3A_1152 : i32 to index
        %get3A_1157 = arith.constant 0 : index
        %get3A_1158 = tpu.vector_load %arg12[%get3A_1156, %get3A_1157] {strides = array<i32>} : memref<48x128xf32, #tpu.memory_space<vmem>>, vector<16xf32>,
        %mul3A_1159 = arith.mulf %get3A_1155, %get3A_1158 : vector<16xf32>
        %get3A_1160 = arith.index_cast %add3A_1152 : i32 to index
        %get3A_1161 = arith.constant 16 : index
        %get3A_1162 = tpu.vector_load %arg11[%get3A_1160, %get3A_1161] {strides = array<i32>} : memref<48x128xf32, #tpu.memory_space<vmem>>, vector<16xf32>,
        %get3A_1163 = arith.index_cast %add3A_1152 : i32 to index
        %get3A_1164 = arith.constant 16 : index
        %get3A_1165 = tpu.vector_load %arg12[%get3A_1163, %get3A_1164] {strides = array<i32>} : memref<48x128xf32, #tpu.memory_space<vmem>>, vector<16xf32>,
        %mul3A_1166 = arith.mulf %get3A_1162, %get3A_1165 : vector<16xf32>
        %get3A_1167 = arith.index_cast %add3A_1152 : i32 to index
        %get3A_1168 = arith.constant 32 : index
        %get3A_1169 = tpu.vector_load %arg11[%get3A_1167, %get3A_1168] {strides = array<i32>} : memref<48x128xf32, #tpu.memory_space<vmem>>, vector<16xf32>,
        %get3A_1170 = arith.index_cast %add3A_1152 : i32 to index
        %get3A_1171 = arith.constant 32 : index
        %get3A_1172 = tpu.vector_load %arg12[%get3A_1170, %get3A_1171] {strides = array<i32>} : memref<48x128xf32, #tpu.memory_space<vmem>>, vector<16xf32>,
        %mul3A_1173 = arith.mulf %get3A_1169, %get3A_1172 : vector<16xf32>
        %get3A_1174 = arith.index_cast %add3A_1152 : i32 to index
        %get3A_1175 = arith.constant 48 : index
        %get3A_1176 = tpu.vector_load %arg11[%get3A_1174, %get3A_1175] {strides = array<i32>} : memref<48x128xf32, #tpu.memory_space<vmem>>, vector<16xf32>,
        %get3A_1177 = arith.index_cast %add3A_1152 : i32 to index
        %get3A_1178 = arith.constant 48 : index
        %get3A_1179 = tpu.vector_load %arg12[%get3A_1177, %get3A_1178] {strides = array<i32>} : memref<48x128xf32, #tpu.memory_space<vmem>>, vector<16xf32>,
        %mul3A_1180 = arith.mulf %get3A_1176, %get3A_1179 : vector<16xf32>
        %get3A_1181 = arith.index_cast %add3A_1152 : i32 to index
        %get3A_1182 = arith.constant 64 : index
        %get3A_1183 = tpu.vector_load %arg11[%get3A_1181, %get3A_1182] {strides = array<i32>} : memref<48x128xf32, #tpu.memory_space<vmem>>, vector<16xf32>,
        %get3A_1184 = arith.index_cast %add3A_1152 : i32 to index
        %get3A_1185 = arith.constant 64 : index
        %get3A_1186 = tpu.vector_load %arg12[%get3A_1184, %get3A_1185] {strides = array<i32>} : memref<48x128xf32, #tpu.memory_space<vmem>>, vector<16xf32>,
        %mul3A_1187 = arith.mulf %get3A_1183, %get3A_1186 : vector<16xf32>
        %get3A_1188 = arith.index_cast %add3A_1152 : i32 to index
        %get3A_1189 = arith.constant 80 : index
        %get3A_1190 = tpu.vector_load %arg11[%get3A_1188, %get3A_1189] {strides = array<i32>} : memref<48x128xf32, #tpu.memory_space<vmem>>, vector<16xf32>,
        %get3A_1191 = arith.index_cast %add3A_1152 : i32 to index
        %get3A_1192 = arith.constant 80 : index
        %get3A_1193 = tpu.vector_load %arg12[%get3A_1191, %get3A_1192] {strides = array<i32>} : memref<48x128xf32, #tpu.memory_space<vmem>>, vector<16xf32>,
        %mul3A_1194 = arith.mulf %get3A_1190, %get3A_1193 : vector<16xf32>
        %get3A_1195 = arith.index_cast %add3A_1152 : i32 to index
        %get3A_1196 = arith.constant 96 : index
        %get3A_1197 = tpu.vector_load %arg11[%get3A_1195, %get3A_1196] {strides = array<i32>} : memref<48x128xf32, #tpu.memory_space<vmem>>, vector<16xf32>,
        %get3A_1198 = arith.index_cast %add3A_1152 : i32 to index
        %get3A_1199 = arith.constant 96 : index
        %get3A_1200 = tpu.vector_load %arg12[%get3A_1198, %get3A_1199] {strides = array<i32>} : memref<48x128xf32, #tpu.memory_space<vmem>>, vector<16xf32>,
        %mul3A_1201 = arith.mulf %get3A_1197, %get3A_1200 : vector<16xf32>
        %get3A_1202 = arith.index_cast %add3A_1152 : i32 to index
        %get3A_1203 = arith.constant 112 : index
        %get3A_1204 = tpu.vector_load %arg11[%get3A_1202, %get3A_1203] {strides = array<i32>} : memref<48x128xf32, #tpu.memory_space<vmem>>, vector<16xf32>,
        %get3A_1205 = arith.index_cast %add3A_1152 : i32 to index
        %get3A_1206 = arith.constant 112 : index
        %get3A_1207 = tpu.vector_load %arg12[%get3A_1205, %get3A_1206] {strides = array<i32>} : memref<48x128xf32, #tpu.memory_space<vmem>>, vector<16xf32>,
        %mul3A_1208 = arith.mulf %get3A_1204, %get3A_1207 : vector<16xf32>
        %add3A_1209 = arith.constant 238 : i32
        %add3A_1210 = vector.broadcast %add3A_1209 : i32 to vector<16xi32>
        %add3A_1211 = arith.addi %iota3A, %add3A_1210 : vector<16xi32>
        %add3A_1212 = arith.addf %mul3A_1159, %mul3A_1166 : vector<16xf32>
        %add3A_1213 = arith.addf %mul3A_1173, %mul3A_1180 : vector<16xf32>
        %add3A_1214 = arith.addf %mul3A_1187, %mul3A_1194 : vector<16xf32>
        %add3A_1215 = arith.addf %mul3A_1201, %mul3A_1208 : vector<16xf32>
        %add3A_1216 = arith.addf %add3A_1212, %add3A_1213 : vector<16xf32>
        %add3A_1217 = arith.addf %add3A_1214, %add3A_1215 : vector<16xf32>
        %add3A_1218 = arith.addf %add3A_1216, %add3A_1217 : vector<16xf32>
        tpu.vector_store_idx %arg13[%add3A_1211], %add3A_1218 : memref<272xf32, #tpu.memory_space<vmem>>[vector<16xi32>], vector<16xf32>,
        %add3A_1219 = arith.constant 15 : i32
        %add3A_1220 = arith.addi %mul3A_199, %add3A_1219 : i32
        %get3A_1221 = arith.index_cast %add3A_1220 : i32 to index
        %get3A_1222 = arith.constant 0 : index
        %get3A_1223 = tpu.vector_load %arg11[%get3A_1221, %get3A_1222] {strides = array<i32>} : memref<48x128xf32, #tpu.memory_space<vmem>>, vector<16xf32>,
        %get3A_1224 = arith.index_cast %add3A_1220 : i32 to index
        %get3A_1225 = arith.constant 0 : index
        %get3A_1226 = tpu.vector_load %arg12[%get3A_1224, %get3A_1225] {strides = array<i32>} : memref<48x128xf32, #tpu.memory_space<vmem>>, vector<16xf32>,
        %mul3A_1227 = arith.mulf %get3A_1223, %get3A_1226 : vector<16xf32>
        %get3A_1228 = arith.index_cast %add3A_1220 : i32 to index
        %get3A_1229 = arith.constant 16 : index
        %get3A_1230 = tpu.vector_load %arg11[%get3A_1228, %get3A_1229] {strides = array<i32>} : memref<48x128xf32, #tpu.memory_space<vmem>>, vector<16xf32>,
        %get3A_1231 = arith.index_cast %add3A_1220 : i32 to index
        %get3A_1232 = arith.constant 16 : index
        %get3A_1233 = tpu.vector_load %arg12[%get3A_1231, %get3A_1232] {strides = array<i32>} : memref<48x128xf32, #tpu.memory_space<vmem>>, vector<16xf32>,
        %mul3A_1234 = arith.mulf %get3A_1230, %get3A_1233 : vector<16xf32>
        %get3A_1235 = arith.index_cast %add3A_1220 : i32 to index
        %get3A_1236 = arith.constant 32 : index
        %get3A_1237 = tpu.vector_load %arg11[%get3A_1235, %get3A_1236] {strides = array<i32>} : memref<48x128xf32, #tpu.memory_space<vmem>>, vector<16xf32>,
        %get3A_1238 = arith.index_cast %add3A_1220 : i32 to index
        %get3A_1239 = arith.constant 32 : index
        %get3A_1240 = tpu.vector_load %arg12[%get3A_1238, %get3A_1239] {strides = array<i32>} : memref<48x128xf32, #tpu.memory_space<vmem>>, vector<16xf32>,
        %mul3A_1241 = arith.mulf %get3A_1237, %get3A_1240 : vector<16xf32>
        %get3A_1242 = arith.index_cast %add3A_1220 : i32 to index
        %get3A_1243 = arith.constant 48 : index
        %get3A_1244 = tpu.vector_load %arg11[%get3A_1242, %get3A_1243] {strides = array<i32>} : memref<48x128xf32, #tpu.memory_space<vmem>>, vector<16xf32>,
        %get3A_1245 = arith.index_cast %add3A_1220 : i32 to index
        %get3A_1246 = arith.constant 48 : index
        %get3A_1247 = tpu.vector_load %arg12[%get3A_1245, %get3A_1246] {strides = array<i32>} : memref<48x128xf32, #tpu.memory_space<vmem>>, vector<16xf32>,
        %mul3A_1248 = arith.mulf %get3A_1244, %get3A_1247 : vector<16xf32>
        %get3A_1249 = arith.index_cast %add3A_1220 : i32 to index
        %get3A_1250 = arith.constant 64 : index
        %get3A_1251 = tpu.vector_load %arg11[%get3A_1249, %get3A_1250] {strides = array<i32>} : memref<48x128xf32, #tpu.memory_space<vmem>>, vector<16xf32>,
        %get3A_1252 = arith.index_cast %add3A_1220 : i32 to index
        %get3A_1253 = arith.constant 64 : index
        %get3A_1254 = tpu.vector_load %arg12[%get3A_1252, %get3A_1253] {strides = array<i32>} : memref<48x128xf32, #tpu.memory_space<vmem>>, vector<16xf32>,
        %mul3A_1255 = arith.mulf %get3A_1251, %get3A_1254 : vector<16xf32>
        %get3A_1256 = arith.index_cast %add3A_1220 : i32 to index
        %get3A_1257 = arith.constant 80 : index
        %get3A_1258 = tpu.vector_load %arg11[%get3A_1256, %get3A_1257] {strides = array<i32>} : memref<48x128xf32, #tpu.memory_space<vmem>>, vector<16xf32>,
        %get3A_1259 = arith.index_cast %add3A_1220 : i32 to index
        %get3A_1260 = arith.constant 80 : index
        %get3A_1261 = tpu.vector_load %arg12[%get3A_1259, %get3A_1260] {strides = array<i32>} : memref<48x128xf32, #tpu.memory_space<vmem>>, vector<16xf32>,
        %mul3A_1262 = arith.mulf %get3A_1258, %get3A_1261 : vector<16xf32>
        %get3A_1263 = arith.index_cast %add3A_1220 : i32 to index
        %get3A_1264 = arith.constant 96 : index
        %get3A_1265 = tpu.vector_load %arg11[%get3A_1263, %get3A_1264] {strides = array<i32>} : memref<48x128xf32, #tpu.memory_space<vmem>>, vector<16xf32>,
        %get3A_1266 = arith.index_cast %add3A_1220 : i32 to index
        %get3A_1267 = arith.constant 96 : index
        %get3A_1268 = tpu.vector_load %arg12[%get3A_1266, %get3A_1267] {strides = array<i32>} : memref<48x128xf32, #tpu.memory_space<vmem>>, vector<16xf32>,
        %mul3A_1269 = arith.mulf %get3A_1265, %get3A_1268 : vector<16xf32>
        %get3A_1270 = arith.index_cast %add3A_1220 : i32 to index
        %get3A_1271 = arith.constant 112 : index
        %get3A_1272 = tpu.vector_load %arg11[%get3A_1270, %get3A_1271] {strides = array<i32>} : memref<48x128xf32, #tpu.memory_space<vmem>>, vector<16xf32>,
        %get3A_1273 = arith.index_cast %add3A_1220 : i32 to index
        %get3A_1274 = arith.constant 112 : index
        %get3A_1275 = tpu.vector_load %arg12[%get3A_1273, %get3A_1274] {strides = array<i32>} : memref<48x128xf32, #tpu.memory_space<vmem>>, vector<16xf32>,
        %mul3A_1276 = arith.mulf %get3A_1272, %get3A_1275 : vector<16xf32>
        %add3A_1277 = arith.constant 255 : i32
        %add3A_1278 = vector.broadcast %add3A_1277 : i32 to vector<16xi32>
        %add3A_1279 = arith.addi %iota3A, %add3A_1278 : vector<16xi32>
        %add3A_1280 = arith.addf %mul3A_1227, %mul3A_1234 : vector<16xf32>
        %add3A_1281 = arith.addf %mul3A_1241, %mul3A_1248 : vector<16xf32>
        %add3A_1282 = arith.addf %mul3A_1255, %mul3A_1262 : vector<16xf32>
        %add3A_1283 = arith.addf %mul3A_1269, %mul3A_1276 : vector<16xf32>
        %add3A_1284 = arith.addf %add3A_1280, %add3A_1281 : vector<16xf32>
        %add3A_1285 = arith.addf %add3A_1282, %add3A_1283 : vector<16xf32>
        %add3A_1286 = arith.addf %add3A_1284, %add3A_1285 : vector<16xf32>
        tpu.vector_store_idx %arg13[%add3A_1279], %add3A_1286 : memref<272xf32, #tpu.memory_space<vmem>>[vector<16xi32>], vector<16xf32>,
        %mul3A_1287 = arith.constant 17 : i32
        %mul3A_1288 = vector.broadcast %mul3A_1287 : i32 to vector<16xi32>
        %mul3A_1289 = arith.muli %iota3A, %mul3A_1288 : vector<16xi32>
        %add3A_1290 = arith.constant 0 : i32
        %add3A_1291 = vector.broadcast %add3A_1290 : i32 to vector<16xi32>
        %add3A_1292 = arith.addi %mul3A_1289, %add3A_1291 : vector<16xi32>
        %gather3A = tpu.vector_load_idx %arg13[%add3A_1292] : memref<272xf32, #tpu.memory_space<vmem>>[vector<16xi32>], vector<16xf32>,
        %mul3A_1293 = arith.constant 17 : i32
        %mul3A_1294 = vector.broadcast %mul3A_1293 : i32 to vector<16xi32>
        %mul3A_1295 = arith.muli %iota3A, %mul3A_1294 : vector<16xi32>
        %add3A_1296 = arith.constant 1 : i32
        %add3A_1297 = vector.broadcast %add3A_1296 : i32 to vector<16xi32>
        %add3A_1298 = arith.addi %mul3A_1295, %add3A_1297 : vector<16xi32>
        %gather3A_1299 = tpu.vector_load_idx %arg13[%add3A_1298] : memref<272xf32, #tpu.memory_space<vmem>>[vector<16xi32>], vector<16xf32>,
        %mul3A_1300 = arith.constant 17 : i32
        %mul3A_1301 = vector.broadcast %mul3A_1300 : i32 to vector<16xi32>
        %mul3A_1302 = arith.muli %iota3A, %mul3A_1301 : vector<16xi32>
        %add3A_1303 = arith.constant 2 : i32
        %add3A_1304 = vector.broadcast %add3A_1303 : i32 to vector<16xi32>
        %add3A_1305 = arith.addi %mul3A_1302, %add3A_1304 : vector<16xi32>
        %gather3A_1306 = tpu.vector_load_idx %arg13[%add3A_1305] : memref<272xf32, #tpu.memory_space<vmem>>[vector<16xi32>], vector<16xf32>,
        %mul3A_1307 = arith.constant 17 : i32
        %mul3A_1308 = vector.broadcast %mul3A_1307 : i32 to vector<16xi32>
        %mul3A_1309 = arith.muli %iota3A, %mul3A_1308 : vector<16xi32>
        %add3A_1310 = arith.constant 3 : i32
        %add3A_1311 = vector.broadcast %add3A_1310 : i32 to vector<16xi32>
        %add3A_1312 = arith.addi %mul3A_1309, %add3A_1311 : vector<16xi32>
        %gather3A_1313 = tpu.vector_load_idx %arg13[%add3A_1312] : memref<272xf32, #tpu.memory_space<vmem>>[vector<16xi32>], vector<16xf32>,
        %mul3A_1314 = arith.constant 17 : i32
        %mul3A_1315 = vector.broadcast %mul3A_1314 : i32 to vector<16xi32>
        %mul3A_1316 = arith.muli %iota3A, %mul3A_1315 : vector<16xi32>
        %add3A_1317 = arith.constant 4 : i32
        %add3A_1318 = vector.broadcast %add3A_1317 : i32 to vector<16xi32>
        %add3A_1319 = arith.addi %mul3A_1316, %add3A_1318 : vector<16xi32>
        %gather3A_1320 = tpu.vector_load_idx %arg13[%add3A_1319] : memref<272xf32, #tpu.memory_space<vmem>>[vector<16xi32>], vector<16xf32>,
        %mul3A_1321 = arith.constant 17 : i32
        %mul3A_1322 = vector.broadcast %mul3A_1321 : i32 to vector<16xi32>
        %mul3A_1323 = arith.muli %iota3A, %mul3A_1322 : vector<16xi32>
        %add3A_1324 = arith.constant 5 : i32
        %add3A_1325 = vector.broadcast %add3A_1324 : i32 to vector<16xi32>
        %add3A_1326 = arith.addi %mul3A_1323, %add3A_1325 : vector<16xi32>
        %gather3A_1327 = tpu.vector_load_idx %arg13[%add3A_1326] : memref<272xf32, #tpu.memory_space<vmem>>[vector<16xi32>], vector<16xf32>,
        %mul3A_1328 = arith.constant 17 : i32
        %mul3A_1329 = vector.broadcast %mul3A_1328 : i32 to vector<16xi32>
        %mul3A_1330 = arith.muli %iota3A, %mul3A_1329 : vector<16xi32>
        %add3A_1331 = arith.constant 6 : i32
        %add3A_1332 = vector.broadcast %add3A_1331 : i32 to vector<16xi32>
        %add3A_1333 = arith.addi %mul3A_1330, %add3A_1332 : vector<16xi32>
        %gather3A_1334 = tpu.vector_load_idx %arg13[%add3A_1333] : memref<272xf32, #tpu.memory_space<vmem>>[vector<16xi32>], vector<16xf32>,
        %mul3A_1335 = arith.constant 17 : i32
        %mul3A_1336 = vector.broadcast %mul3A_1335 : i32 to vector<16xi32>
        %mul3A_1337 = arith.muli %iota3A, %mul3A_1336 : vector<16xi32>
        %add3A_1338 = arith.constant 7 : i32
        %add3A_1339 = vector.broadcast %add3A_1338 : i32 to vector<16xi32>
        %add3A_1340 = arith.addi %mul3A_1337, %add3A_1339 : vector<16xi32>
        %gather3A_1341 = tpu.vector_load_idx %arg13[%add3A_1340] : memref<272xf32, #tpu.memory_space<vmem>>[vector<16xi32>], vector<16xf32>,
        %mul3A_1342 = arith.constant 17 : i32
        %mul3A_1343 = vector.broadcast %mul3A_1342 : i32 to vector<16xi32>
        %mul3A_1344 = arith.muli %iota3A, %mul3A_1343 : vector<16xi32>
        %add3A_1345 = arith.constant 8 : i32
        %add3A_1346 = vector.broadcast %add3A_1345 : i32 to vector<16xi32>
        %add3A_1347 = arith.addi %mul3A_1344, %add3A_1346 : vector<16xi32>
        %gather3A_1348 = tpu.vector_load_idx %arg13[%add3A_1347] : memref<272xf32, #tpu.memory_space<vmem>>[vector<16xi32>], vector<16xf32>,
        %mul3A_1349 = arith.constant 17 : i32
        %mul3A_1350 = vector.broadcast %mul3A_1349 : i32 to vector<16xi32>
        %mul3A_1351 = arith.muli %iota3A, %mul3A_1350 : vector<16xi32>
        %add3A_1352 = arith.constant 9 : i32
        %add3A_1353 = vector.broadcast %add3A_1352 : i32 to vector<16xi32>
        %add3A_1354 = arith.addi %mul3A_1351, %add3A_1353 : vector<16xi32>
        %gather3A_1355 = tpu.vector_load_idx %arg13[%add3A_1354] : memref<272xf32, #tpu.memory_space<vmem>>[vector<16xi32>], vector<16xf32>,
        %mul3A_1356 = arith.constant 17 : i32
        %mul3A_1357 = vector.broadcast %mul3A_1356 : i32 to vector<16xi32>
        %mul3A_1358 = arith.muli %iota3A, %mul3A_1357 : vector<16xi32>
        %add3A_1359 = arith.constant 10 : i32
        %add3A_1360 = vector.broadcast %add3A_1359 : i32 to vector<16xi32>
        %add3A_1361 = arith.addi %mul3A_1358, %add3A_1360 : vector<16xi32>
        %gather3A_1362 = tpu.vector_load_idx %arg13[%add3A_1361] : memref<272xf32, #tpu.memory_space<vmem>>[vector<16xi32>], vector<16xf32>,
        %mul3A_1363 = arith.constant 17 : i32
        %mul3A_1364 = vector.broadcast %mul3A_1363 : i32 to vector<16xi32>
        %mul3A_1365 = arith.muli %iota3A, %mul3A_1364 : vector<16xi32>
        %add3A_1366 = arith.constant 11 : i32
        %add3A_1367 = vector.broadcast %add3A_1366 : i32 to vector<16xi32>
        %add3A_1368 = arith.addi %mul3A_1365, %add3A_1367 : vector<16xi32>
        %gather3A_1369 = tpu.vector_load_idx %arg13[%add3A_1368] : memref<272xf32, #tpu.memory_space<vmem>>[vector<16xi32>], vector<16xf32>,
        %mul3A_1370 = arith.constant 17 : i32
        %mul3A_1371 = vector.broadcast %mul3A_1370 : i32 to vector<16xi32>
        %mul3A_1372 = arith.muli %iota3A, %mul3A_1371 : vector<16xi32>
        %add3A_1373 = arith.constant 12 : i32
        %add3A_1374 = vector.broadcast %add3A_1373 : i32 to vector<16xi32>
        %add3A_1375 = arith.addi %mul3A_1372, %add3A_1374 : vector<16xi32>
        %gather3A_1376 = tpu.vector_load_idx %arg13[%add3A_1375] : memref<272xf32, #tpu.memory_space<vmem>>[vector<16xi32>], vector<16xf32>,
        %mul3A_1377 = arith.constant 17 : i32
        %mul3A_1378 = vector.broadcast %mul3A_1377 : i32 to vector<16xi32>
        %mul3A_1379 = arith.muli %iota3A, %mul3A_1378 : vector<16xi32>
        %add3A_1380 = arith.constant 13 : i32
        %add3A_1381 = vector.broadcast %add3A_1380 : i32 to vector<16xi32>
        %add3A_1382 = arith.addi %mul3A_1379, %add3A_1381 : vector<16xi32>
        %gather3A_1383 = tpu.vector_load_idx %arg13[%add3A_1382] : memref<272xf32, #tpu.memory_space<vmem>>[vector<16xi32>], vector<16xf32>,
        %mul3A_1384 = arith.constant 17 : i32
        %mul3A_1385 = vector.broadcast %mul3A_1384 : i32 to vector<16xi32>
        %mul3A_1386 = arith.muli %iota3A, %mul3A_1385 : vector<16xi32>
        %add3A_1387 = arith.constant 14 : i32
        %add3A_1388 = vector.broadcast %add3A_1387 : i32 to vector<16xi32>
        %add3A_1389 = arith.addi %mul3A_1386, %add3A_1388 : vector<16xi32>
        %gather3A_1390 = tpu.vector_load_idx %arg13[%add3A_1389] : memref<272xf32, #tpu.memory_space<vmem>>[vector<16xi32>], vector<16xf32>,
        %mul3A_1391 = arith.constant 17 : i32
        %mul3A_1392 = vector.broadcast %mul3A_1391 : i32 to vector<16xi32>
        %mul3A_1393 = arith.muli %iota3A, %mul3A_1392 : vector<16xi32>
        %add3A_1394 = arith.constant 15 : i32
        %add3A_1395 = vector.broadcast %add3A_1394 : i32 to vector<16xi32>
        %add3A_1396 = arith.addi %mul3A_1393, %add3A_1395 : vector<16xi32>
        %gather3A_1397 = tpu.vector_load_idx %arg13[%add3A_1396] : memref<272xf32, #tpu.memory_space<vmem>>[vector<16xi32>], vector<16xf32>,
        %add3A_1398 = arith.addf %gather3A, %gather3A_1299 : vector<16xf32>
        %add3A_1399 = arith.addf %gather3A_1306, %gather3A_1313 : vector<16xf32>
        %add3A_1400 = arith.addf %gather3A_1320, %gather3A_1327 : vector<16xf32>
        %add3A_1401 = arith.addf %gather3A_1334, %gather3A_1341 : vector<16xf32>
        %add3A_1402 = arith.addf %gather3A_1348, %gather3A_1355 : vector<16xf32>
        %add3A_1403 = arith.addf %gather3A_1362, %gather3A_1369 : vector<16xf32>
        %add3A_1404 = arith.addf %gather3A_1376, %gather3A_1383 : vector<16xf32>
        %add3A_1405 = arith.addf %gather3A_1390, %gather3A_1397 : vector<16xf32>
        %add3A_1406 = arith.addf %add3A_1398, %add3A_1399 : vector<16xf32>
        %add3A_1407 = arith.addf %add3A_1400, %add3A_1401 : vector<16xf32>
        %add3A_1408 = arith.addf %add3A_1402, %add3A_1403 : vector<16xf32>
        %add3A_1409 = arith.addf %add3A_1404, %add3A_1405 : vector<16xf32>
        %add3A_1410 = arith.addf %add3A_1406, %add3A_1407 : vector<16xf32>
        %add3A_1411 = arith.addf %add3A_1408, %add3A_1409 : vector<16xf32>
        %add3A_1412 = arith.addf %add3A_1410, %add3A_1411 : vector<16xf32>
        %swap3A = arith.index_cast %mul3A_199 : i32 to index
        %swap3A_1413 = tpu.vector_load %arg15[%swap3A] {strides = array<i32>} : memref<48xf32, #tpu.memory_space<vmem>>, vector<16xf32>,
        tpu.vector_store %arg15[%swap3A], %add3A_1412 {strides = array<i32>} : memref<48xf32, #tpu.memory_space<vmem>>, vector<16xf32>,
      }
      %scan3A_185 = arith.constant 3 : i32
      %add3A_186 = arith.constant 1 : i32
      %add3A_187 = arith.addi %add3A_51, %add3A_186 : i32
      %mul3A_188 = arith.constant 48 : i32
      %mul3A_189 = arith.muli %add3A_187, %mul3A_188 : i32
      %add3A_190 = arith.addi %mul3A_2, %mul3A_189 : i32
      %dma_start3A_191 = tpu.memref_slice %arg5[%add3A_190] : memref<322560xf32, #tpu.memory_space<hbm>> -> memref<48xf32, #tpu.memory_space<hbm>>
      %dma_start3A_192 = tpu.memref_slice %arg5[%add3A_190] : memref<322560xf32, #tpu.memory_space<hbm>> -> memref<48xf32, #tpu.memory_space<hbm>>
      tpu.enqueue_dma source(%arg15 : memref<48xf32, #tpu.memory_space<vmem>>) target(%dma_start3A_192 : memref<48xf32, #tpu.memory_space<hbm>>) target_semaphore(%arg19 : memref<!tpu.dma_semaphore, #tpu.memory_space<semaphore_mem>>)
    }
    %scan3A_39 = arith.constant 105 : i32
    %add3A_40 = arith.constant 9984 : i32
    %add3A_41 = arith.addi %mul3A_2, %add3A_40 : i32
    %dma_wait3A = tpu.memref_slice %arg5[%add3A_41] : memref<322560xf32, #tpu.memory_space<hbm>> -> memref<48xf32, #tpu.memory_space<hbm>>
    %dma_wait3A_42 = tpu.memref_slice %arg5[%add3A_41] : memref<322560xf32, #tpu.memory_space<hbm>> -> memref<48xf32, #tpu.memory_space<hbm>>
    tpu.wait_dma2 semaphore(%arg18 : memref<!tpu.dma_semaphore, #tpu.memory_space<semaphore_mem>>) src(%arg14 : memref<48xf32, #tpu.memory_space<vmem>>) dst(%dma_wait3A_42 : memref<48xf32, #tpu.memory_space<hbm>>)
    %add3A_43 = arith.constant 10032 : i32
    %add3A_44 = arith.addi %mul3A_2, %add3A_43 : i32
    %dma_wait3A_45 = tpu.memref_slice %arg5[%add3A_44] : memref<322560xf32, #tpu.memory_space<hbm>> -> memref<48xf32, #tpu.memory_space<hbm>>
    %dma_wait3A_46 = tpu.memref_slice %arg5[%add3A_44] : memref<322560xf32, #tpu.memory_space<hbm>> -> memref<48xf32, #tpu.memory_space<hbm>>
    tpu.wait_dma2 semaphore(%arg19 : memref<!tpu.dma_semaphore, #tpu.memory_space<semaphore_mem>>) src(%arg15 : memref<48xf32, #tpu.memory_space<vmem>>) dst(%dma_wait3A_46 : memref<48xf32, #tpu.memory_space<hbm>>)
    return
  }
}

</mosaic_0001>

<sc_bundles>
// kernel: kernel.3.cloned.1.call-start
scs
__scs_entry_jumppad:
0x0: {  	(pc) =	sbr.rel $0x88, $3  }
0x1: {  	(tag) =	ssettag $0x0;
	lr =	simm.s32 $0x1  }
0x2: {  	[smem:$0x3F9F] =	sst lr;
	_ =	strace $0xD0000000  }
0x3: {  	_ = 	snop  }
0x4: {  	_ = 	snop  }
0x5: {  	_ = 	snop  }
0x6: {  	_ = 	snop  }
0x7: {  	_ = 	snop  }
__scs_overlays_trampoline_lowered:
0x8: {  	[smem:$0x3FAE] =	sst s0  }
0x9: {  	[smem:$0x3FAF] =	sst s1  }
0xa: {  	[smem:$0x3FB0] =	sst s2  }
0xb: {  	[smem:$0x3FB1] =	sst s3  }
0xc: {  	[smem:$0x3FB2] =	sst s4  }
0xd: {  	[smem:$0x3FB3] =	sst s5  }
0xe: {  	[smem:$0x3FB4] =	sst s6  }
0xf: {  	[smem:$0x3FB5] =	sst s7  }
0x10: {  	[smem:$0x3FB6] =	sst s8  }
0x11: {  	[smem:$0x3FB7] =	sst s9;
	s0 =	simm.s32 @!p0 $0x0  }
0x12: {  	s1 =	sld [smem:$0x3F9D];
	s0 =	simm.s32 @p0 $0x1  }
0x13: {  	[smem:$0x3FB8] =	sst s0;
	s0 =	simm.s32 @!p1 $0x0  }
0x14: {  	s2 =	sld [smem:$0x3F9C];
	s0 =	simm.s32 @p1 $0x1  }
0x15: {  	[smem:$0x3FB9] =	sst s0;
	s0 =	simm.s32 @!p2 $0x0  }
0x16: {  	s3 =	sld [smem:$0x3FDB];
	s0 =	simm.s32 @p2 $0x1  }
0x17: {  	s4 =	simm.s32 $0x1BF5;
	[smem:$0x3FBB] =	sst s0  }
0x18: {  	s0 =	sld [smem:$0x3F9E];
	_ =	swait.ge [sflag:s4], $0x0  }
0x19: {  	s7 =	sld [smem:$0x3F9F]  }
0x1a: {  	s8 =	sadd.s32 $0xFFFFE003, lr  }
0x1b: {  	s9 =	sadd.s32 $0xFFFFFEF7, lr;
	s5 =	simm.s32 $0xFFFFFFFF;
	p2 =	slt.u32 s8, $0xFFFFF086  }
0x1c: {  	p1 =	slt.u32 s9, $0xF7A;
	s5 =	simm.s32 @!p2 $0x0  }
0x1d: {  	s5 =	simm.s32 @p1 $0x1;
	p0 =	seq.s32 s7, s2  }
0x1e: {  	s7 =	smul.u32 @!p0 $0xF7A, s2;
	p2 =	seq.s32 @!p0 s5, $0x0  }
0x1f: {  	s9 =	smul.u32 $0xF7A, s1;
	s8 =	simm.s32 @!p0 $0x1BF5;
	p2 =	por !p2, p0  }
0x20: {  	[sflag:s8] =	ssyncset.s32 @!p0 $0xFFFFF086;
	s6 =	sadd.s32 @!p0 s3, s7;
	s7 =	simm.s32 @!p0 $0x108  }
0x21: {  	s3 =	sadd.s32 s3, s9;
	s6 =	sadd.s32 @!p0 $0x88, s6;
	s7 =	simm.s32 @p2 $0x1082  }
0x22: {  	[simem:s7], [sflag:s8] =	dma.local @!p0 [hbm:s6], $0xF7A  }
0x23: {  	s9 =	sor.u32 $0xD0000000, s2;
	s6 =	simm.s32 $0x108;
	_ =	swait.ge @!p0 [sflag:s8], $0x0  }
0x24: {  	s3 =	sadd.s32 $0x88, s3;
	s6 =	simm.s32 @!p1 $0x1082;
	[sflag:s4] =	ssyncset.s32 $0xFFFFF086  }
0x25: {  	[simem:s6], [sflag:s4] =	dma.local [hbm:s3], $0xF7A  }
0x26: {  	[smem:$0x3F9F] =	sst s1;
	(tag) =	ssettag s2;
	_ =	strace s9  }
0x27: {  	s1 =	sld [smem:$0x3FAF]  }
0x28: {  	s2 =	sld [smem:$0x3FB0]  }
0x29: {  	s4 =	sld [smem:$0x3FB2]  }
0x2a: {  	p0 =	seq.s32 s5, $0x0;
	s5 =	sld [smem:$0x3FB3]  }
0x2b: {  	s6 =	sld [smem:$0x3FB4]  }
0x2c: {  	s7 =	sld [smem:$0x3FB5]  }
0x2d: {  	s3 =	simm.s32 $0x108;
	s8 =	sld [smem:$0x3FB6]  }
0x2e: {  	s3 =	simm.s32 @!p0 $0x1082;
	s9 =	sld [smem:$0x3FB7]  }
0x2f: {  	lr =	sadd.s32 s0, s3;
	s0 =	sld [smem:$0x3FAE]  }
0x30: {  	s3 =	sld [smem:$0x3FB1]  }
0x31: {  	[smem:$0x3FBA] =	sst s10  }
0x32: {  	s10 =	sld [smem:$0x3FB8];
	_ =	sdelay $0x3  }
0x33: {  	p0 =	seq.s32 s10, $0x1;
	s10 =	sld [smem:$0x3FBA];
	_ =	sdelay $0x3  }
0x34: {  	[smem:$0x3FBA] =	sst s10  }
0x35: {  	s10 =	sld [smem:$0x3FB9];
	_ =	sdelay $0x3  }
0x36: {  	p1 =	seq.s32 s10, $0x1;
	s10 =	sld [smem:$0x3FBA];
	_ =	sdelay $0x3  }
0x37: {  	[smem:$0x3FBA] =	sst s10  }
0x38: {  	s10 =	sld [smem:$0x3FBB]  }
0x39: {  	_ = 	snop;
	(pc) =	sbr.ind lr, $3  }
0x3a: {  	_ = 	snop  }
0x3b: {  	_ = 	snop  }
0x3c: {  	p2 =	seq.s32 s10, $0x1;
	s10 =	sld [smem:$0x3FBA]  }
0x3d: {  	_ =	shalt  }
0x3e: {  	_ =	shalt  }
0x3f: {  	_ =	shalt  }
0x40: {  	_ =	shalt  }
0x41: {  	_ =	shalt  }
0x42: {  	_ =	shalt  }
0x43: {  	_ =	shalt  }
0x44: {  	_ =	shalt  }
0x45: {  	_ =	shalt  }
0x46: {  	_ =	shalt  }
0x47: {  	_ =	shalt  }
0x48: {  	_ =	shalt  }
0x49: {  	_ =	shalt  }
0x4a: {  	_ =	shalt  }
0x4b: {  	_ =	shalt  }
0x4c: {  	_ =	shalt  }
0x4d: {  	_ =	shalt  }
0x4e: {  	_ =	shalt  }
0x4f: {  	_ =	shalt  }
0x50: {  	_ =	shalt  }
0x51: {  	_ =	shalt  }
0x52: {  	_ =	shalt  }
0x53: {  	_ =	shalt  }
0x54: {  	_ =	shalt  }
0x55: {  	_ =	shalt  }
0x56: {  	_ =	shalt  }
0x57: {  	_ =	shalt  }
0x58: {  	_ =	shalt  }
0x59: {  	_ =	shalt  }
0x5a: {  	_ =	shalt  }
0x5b: {  	_ =	shalt  }
0x5c: {  	_ =	shalt  }
0x5d: {  	_ =	shalt  }
0x5e: {  	_ =	shalt  }
0x5f: {  	_ =	shalt  }
0x60: {  	_ =	shalt  }
0x61: {  	_ =	shalt  }
0x62: {  	_ =	shalt  }
0x63: {  	_ =	shalt  }
0x64: {  	_ =	shalt  }
0x65: {  	_ =	shalt  }
0x66: {  	_ =	shalt  }
0x67: {  	_ =	shalt  }
0x68: {  	_ =	shalt  }
0x69: {  	_ =	shalt  }
0x6a: {  	_ =	shalt  }
0x6b: {  	_ =	shalt  }
0x6c: {  	_ =	shalt  }
0x6d: {  	_ =	shalt  }
0x6e: {  	_ =	shalt  }
0x6f: {  	_ =	shalt  }
0x70: {  	_ =	shalt  }
0x71: {  	_ =	shalt  }
0x72: {  	_ =	shalt  }
0x73: {  	_ =	shalt  }
0x74: {  	_ =	shalt  }
0x75: {  	_ =	shalt  }
0x76: {  	_ =	shalt  }
0x77: {  	_ =	shalt  }
0x78: {  	_ =	shalt  }
0x79: {  	_ =	shalt  }
0x7a: {  	_ =	shalt  }
0x7b: {  	_ =	shalt  }
0x7c: {  	_ =	shalt  }
0x7d: {  	_ =	shalt  }
0x7e: {  	_ =	shalt  }
0x7f: {  	_ =	shalt  }
0x80: {  	_ =	shalt  }
0x81: {  	_ =	shalt  }
0x82: {  	_ =	shalt  }
0x83: {  	_ =	shalt  }
0x84: {  	_ =	shalt  }
0x85: {  	_ =	shalt  }
0x86: {  	_ =	shalt  }
0x87: {  	_ =	shalt  }
.Lfunc_end0:
.L_simem_size_0:
called_computation_lowered:
.L_overlay_start_0:
0x88: {  	s2 =	sld [smem:$0x3FD9]  }
0x89: {  	s3 =	sld [smem:$0x3FFE];
	_ =	sdelay $0x1  }
0x8a: {  	s1 =	srdreg.scid  }
0x8b: {  	s0 =	sand.u32 $0x1, s1  }
0x8c: {  	s16 =	sshll.u32 s0, $0xA;
	s2 =	sadd.s32 s3, s2  }
0x8d: {  	s2 =	sadd.s32 s2, s16  }
0x8e: {  	[smem:$0x3FC6] =	sst s2  }
0x8f: {  	_ = 	snop  }
0x90: {  	(tm) =	ssettm $0x1  }
0x91: {  	s17 =	sld [smem:$0x3FFB];
	_ =	sdelay $0x3  }
0x92: {  	_ =	strace s17  }
0x93: {  	s2 =	sld [smem:$0x3FFC];
	_ =	sdelay $0x3  }
0x94: {  	_ =	strace s2  }
0x95: {  	s2 =	sld [smem:$0x3FFD];
	_ =	sdelay $0x3  }
0x96: {  	_ =	strace s2  }
0x97: {  	_ =	strace $0x8FFFFFFF  }
0x98: {  	s18 =	sld [smem:$0x3FDB];
	_ =	sdelay $0x1  }
0x99: {  	s19 =	simm.s32 $_scs_section_size  }
0x9a: {  	s4 =	simm.s32 $_size__tile_overlayer_lowered;
	s5 =	simm.s32 $_tile_overlayer_lowered  }
0x9b: {  	s22 =	simm.s32 $0x1BFF;
	s21 =	sshll.u32 s5, $0x1;
	s2 =	sadd.s32 s19, s18  }
0x9c: {  	s6 =	simm.s32 $0x0;
	s20 =	sshll.u32 s4, $0x1;
	s4 =	sadd.s32 s21, s2  }
0x9d: {  	[timem:s6], [sflag:s22] =	dma.local [hbm:s4], s20  }
0x9e: {  	_ =	swait.ge [sflag:s22], s20  }
0x9f: {  	s3 =	ssub.s32 $0x0, s20;
	[sflag:s22] =	ssyncset.done $0x0  }
0xa0: {  	[sflag:s22] =	ssyncadd.s32 s3;
	_ =	sdelay $0x1  }
0xa1: {  	s23 =	simm.s32 $0x1B8B  }
0xa2: {  	_ =	swait.ge [sflag:s23], $0x1  }
0xa3: {  	[sflag:s23] =	ssyncset.done $0x0  }
0xa4: {  	s25 =	simm.s32 $0x1B8E;
	s24 =	sld [smem:$0x3FFE];
	[sflag:s23] =	ssyncadd.s32 $0xFFFFFFFF  }
0xa5: {  	s26 =	simm.s32 $execute0_lowered;
	[smem:$0x3FD2] =	sst s25  }
0xa6: {  	s4 =	sshll.u32 s26, $0x1;
	_ =	strace $0x80000046;
	[dreg:$0x1] =	wrdreg $0xFFFFFFFF  }
0xa7: {  	s28 =	simm.s32 $_size_execute0_lowered;
	s2 =	sadd.s32 s2, s4;
	[dreg:$0x0] =	wrdreg $0x0  }
0xa8: {  	s4 =	sshll.u32 s28, $0x1;
	[dreg:$0x2] =	wrdreg s2  }
0xa9: {  	[dreg:$0x3] =	wrdreg s4  }
0xaa: {  	[dreg:$0x4] =	wrdreg $0xC0  }
0xab: {  	_ =	task [dreg:s6], $0x5FFFF  }
0xac: {  	[dreg:$0x1] =	wrdreg $0xFFFFFFFF  }
0xad: {  	[dreg:$0x0] =	wrdreg $0x60  }
0xae: {  	[dreg:$0x2] =	wrdreg s24  }
0xaf: {  	[dreg:$0x3] =	wrdreg $0x0  }
0xb0: {  	[dreg:$0x4] =	wrdreg $0x9  }
0xb1: {  	_ =	task.clear_ibuf [dreg:s6], $0x5FFFF;
	_ =	strace $0x90000046  }
0xb2: {  	s29 =	simm.s32 $0x9;
	_ =	strace $0x80000048  }
0xb3: {  	_ =	swait.ge [sflag:s29], $0x1  }
0xb4: {  	[sflag:s29] =	ssyncadd.s32 $0xFFFFFFFF  }
0xb5: {  	_ =	strace $0x90000048  }
0xb6: {  	_ =	sfence  }
0xb7: {  	s30 =	sld [smem:$0x0];
	_ =	sdelay $0x2  }
0xb8: {  	s31 =	sshll.u32 s1, $0xD;
	s1 =	sshrl.u32 s1, $0x2  }
0xb9: {  	s3 =	sand.u32 $0x4000, s31;
	s1 =	sadd.s32 s1, s30  }
0xba: {  	s0 =	sor.u32 s3, s0;
	s1 =	sshll.u32 s1, $0x11  }
0xbb: {  	s0 =	sor.u32 s1, s0  }
0xbc: {  	s0 =	sadd.s32 $0x8F2B, s0  }
0xbd: {  	[sflag:s0] =	ssyncadd.remote.s32 $0x1  }
0xbe: {  	_ =	sfence.sel $0xFFFF  }
0xbf: {  	[dreg:$0x0] =	wrdreg $0xFFFFFFFF;
	(pc) =	sbr.abs _section_cstart, $3  }
0xc0: {  	[dreg:$0x1] =	wrdreg $0xFFFFFFFF  }
0xc1: {  	_ =	task.clear_ibuf [dreg:s6], $0x2FFFF;
	_ =	strace $0x9FFFFFFF  }
0xc2: {  	(tm) =	ssettm $0x7FFFFFFF  }
0xc3: {  	_ =	shalt  }
tec
execute0_lowered:
.L_overlay_start_1:
0x0: {  	(tag) =	ssettag $0x1  }
0x1: {  	s0 =	rddreg [dreg:$0x0]  }
0x2: {  	s2 =	rddreg [dreg:$0x1]  }
0x3: {  	s9 =	stileid.u32;
	s1 =	srdreg.scid  }
0x4: {  	s3 =	simm.s32 $0x0;
	s12 =	simm.s32 $0x5;
	s14 =	simm.s32 $0x16780  }
0x5: {  	v0 =	vlaneseq.u32;
	s15 =	simm.s32 $0x18;
	s22 =	simm.s32 $0x1;
	s23 =	simm.s32 $0x1BF00  }
0x6: {  	s24 =	simm.s32 $0x1D700;
	s25 =	simm.s32 $0x1CB00;
	s28 =	simm.s32 $0x1EF00;
	v1 =	vadd.s32 $0x11, v0  }
0x7: {  	s29 =	simm.s32 $0x1F080;
	s30 =	simm.s32 $0x2;
	s31 =	simm.s32 $0x1F100;
	v2 =	vadd.s32 $0x22, v0;
	v3 =	vadd.s32 $0x33, v0;
	v4 =	vadd.s32 $0x44, v0  }
0x8: {  	s16 =	simm.s32 $0x0;
	s1 =	sand.u32 $0x1, s1;
	s5 =	smul.u32 $0x2800, s9;
	v5 =	vadd.s32 $0x55, v0;
	v6 =	vadd.s32 $0x66, v0;
	v7 =	vadd.s32 $0x77, v0  }
0x9: {  	s4 =	sshll.u32 s9, $0x1;
	[smem:$0x7FF] =	sst s3;
	s6 =	smul.u32 $0x50000, s9;
	v8 =	vadd.s32 $0x88, v0;
	v9 =	vadd.s32 $0x99, v0;
	v10 =	vadd.s32 $0xAA, v0  }
0xa: {  	s9 =	sshll.u32 s9, $0x6;
	v11 =	vadd.s32 $0xBB, v0;
	v12 =	vadd.s32 $0xCC, v0;
	v13 =	vmul.u32 $0x11, v0;
	s4 =	sor.u32 s1, s4;
	_ =	strace $0x80000047  }
0xb: {  	v14 =	vadd.s32 $0xDD, v0;
	v15 =	vadd.s32 $0xEE, v0;
	v16 =	vadd.s32 $0xFF, v0;
	s1 =	ssub.s32 $0x2, s1;
	s4 =	smul.u32 $0x2760, s4;
	s7 =	sadd.s32 s5, s0  }
0xc: {  	s5 =	sadd.s32 $0x3BC00, s0;
	s8 =	sshrl.u32 s1, $0x1;
	s6 =	sshrl.u32 s6, $0x2;
	v17 =	vadd.s32 $0x1, v13;
	v18 =	vadd.s32 $0x2, v13;
	v19 =	vadd.s32 $0x3, v13  }
0xd: {  	v20 =	vadd.s32 $0x4, v13;
	v21 =	vadd.s32 $0x5, v13;
	v22 =	vadd.s32 $0x6, v13;
	s1 =	ssub.s32 s1, s8;
	s11 =	sadd.s32 s6, s2;
	s7 =	sadd.s32 $0x13C00, s7  }
0xe: {  	v23 =	vadd.s32 $0x7, v13;
	v24 =	vadd.s32 $0x8, v13;
	v25 =	vadd.s32 $0x9, v13;
	s8 =	sor.u32 $0x1C05, s9;
	s26 =	sshrl.u32 s4, $0x3;
	s10 =	smax.u32 s1, $0x1  }
0xf: {  	v26 =	vadd.s32 $0xA, v13;
	v27 =	vadd.s32 $0xB, v13;
	v28 =	vadd.s32 $0xC, v13;
	s11 =	sshrl.u32 s11, $0x3;
	s1 =	simm.s32 $0x4;
	s6 =	sadd.s32 s0, s26  }
0x10: {  	v29 =	vadd.s32 $0xD, v13;
	v30 =	vadd.s32 $0xE, v13;
	v31 =	vadd.s32 $0xF, v13;
	s26 =	simm.s32 $0x1E300;
	s0 =	simm.s32 $0x3;
	s9 =	sadd.s32 $0x9E00, s6  }
.LBB2_1:
0x11: {  	[spmem:s11], [sflag:s8] =	dma.local [hbm:s7], $0x2800  }
0x12: {  	_ =	swait.ge [sflag:s12], $0x2800  }
0x13: {  	[sflag:s12] =	ssyncset.done $0x0  }
0x14: {  	s13 =	simm.s32 $0x14000;
	[sflag:s12] =	ssyncadd.s32 $0xFFFFD800  }
0x15: {  	[tilespmem:s13], [sflag:$0x5] =	stream.linear.gather [hbm4b:s9+s3], $0x2760, $0x38;
	[tilespmem:$0x1F180] =	vst v63  }
0x16: {  	_ =	swait.ge [sflag:s12], $0x2760  }
0x17: {  	[sflag:s12] =	ssyncset.done $0x0  }
0x18: {  	[sflag:s12] =	ssyncadd.s32 $0xFFFFD8A0  }
0x19: {  	[tilespmem:s14], [sflag:$0x5] =	stream.linear.gather [hbm4b:s6+s3], $0x2760, $0x38;
	[tilespmem:$0x1F180] =	vst v63  }
0x1a: {  	_ =	swait.ge [sflag:s12], $0x2760  }
0x1b: {  	[sflag:s12] =	ssyncset.done $0x0  }
0x1c: {  	[sflag:s12] =	ssyncadd.s32 $0xFFFFD8A0  }
0x1d: {  	s17 =	simm.s32 $0x18F00;
	[bflag:$0x0] =	sbarrier.arrive $0xFFFF  }
0x1e: {  	[tilespmem:s17], [sflag:$0x1] =	stream.indirect.gather [spmem:s2], $0x80, s13, s15, $0xb8;
	[tilespmem:$0x1F180] =	vst v63  }
0x1f: {  	s17 =	simm.s32 $0x1A700  }
0x20: {  	[tilespmem:s17], [sflag:$0x1] =	stream.indirect.gather [spmem:s2], $0x80, s14, s15, $0xb8;
	[tilespmem:$0x1F180] =	vst v63  }
0x21: {  	s18 =	simm.s32 $0x14018;
	s19 =	simm.s32 $0x19B00  }
0x22: {  	[tilespmem:s19], [sflag:$0x1] =	stream.indirect.gather [spmem:s2], $0x80, s18, s15, $0xb8;
	[tilespmem:$0x1F180] =	vst v63  }
0x23: {  	s20 =	simm.s32 $0x16798;
	s21 =	simm.s32 $0x1B300;
	s17 =	simm.s32 $0x0  }
0x24: {  	[tilespmem:s21], [sflag:$0x1] =	stream.indirect.gather [spmem:s2], $0x80, s20, s15, $0xb8;
	[tilespmem:$0x1F180] =	vst v63  }
.LBB2_2:
0x25: {  	_ =	swait.ge [sflag:s22], $0xC00  }
0x26: {  	[sflag:s22] =	ssyncset.done $0x0  }
0x27: {  	[sflag:s22] =	ssyncadd.s32 $0xFFFFF400  }
0x28: {  	_ =	swait.ge [sflag:s22], $0xC00  }
0x29: {  	[sflag:s22] =	ssyncset.done $0x0  }
0x2a: {  	[sflag:s22] =	ssyncadd.s32 $0xFFFFF400  }
0x2b: {  	_ =	swait.ge [sflag:s22], $0xC00  }
0x2c: {  	[sflag:s22] =	ssyncset.done $0x0  }
0x2d: {  	[sflag:s22] =	ssyncadd.s32 $0xFFFFF400  }
0x2e: {  	s19 =	smul.u32 $0x60, s17;
	_ =	swait.ge [sflag:s22], $0xC00  }
0x2f: {  	[sflag:s22] =	ssyncset.done $0x0  }
0x30: {  	s18 =	sadd.s32 $0x14030, s19;
	[sflag:s22] =	ssyncadd.s32 $0xFFFFF400  }
0x31: {  	[tilespmem:s23], [sflag:$0x2] =	stream.indirect.gather [spmem:s2], $0x80, s18, s15, $0xb8;
	[tilespmem:$0x1F180] =	vst v63  }
0x32: {  	s13 =	sadd.s32 $0x167B0, s19  }
0x33: {  	[tilespmem:s24], [sflag:$0x2] =	stream.indirect.gather [spmem:s2], $0x80, s13, s15, $0xb8;
	[tilespmem:$0x1F180] =	vst v63  }
0x34: {  	p0 =	seq.s32 s17, $0x0;
	s20 =	sadd.s32 $0x14048, s19  }
0x35: {  	[tilespmem:s25], [sflag:$0x2] =	stream.indirect.gather [spmem:s2], $0x80, s20, s15, $0xb8;
	[tilespmem:$0x1F180] =	vst v63  }
0x36: {  	s21 =	sadd.s32 $0x167C8, s19;
	s20 =	simm.s32 @!p0 $0x3  }
0x37: {  	[tilespmem:s26], [sflag:$0x2] =	stream.indirect.gather [spmem:s2], $0x80, s21, s15, $0xb8;
	[tilespmem:$0x1F180] =	vst v63  }
0x38: {  	_ =	swait.ge @!p0 [sflag:s20], $0x30  }
0x39: {  	[sflag:s20] =	ssyncset.done @!p0 $0x0  }
0x3a: {  	s18 =	sadd.s32 $0x30, s19;
	[sflag:s20] =	ssyncadd.s32 @!p0 $0xFFFFFFD0;
	s20 =	simm.s32 $0x0  }
.LBB2_3:
0x3b: {  	s21 =	sshll.u32 s20, $0xB  }
0x3c: {  	v32 =	vld [tilespmem:s21+$0x18F00]  }
0x3d: {  	v33 =	vld [tilespmem:s21+$0x1A700]  }
0x3e: {  	v34 =	vld [tilespmem:s21+$0x18F10]  }
0x3f: {  	v35 =	vld [tilespmem:s21+$0x1A710]  }
0x40: {  	v36 =	vld [tilespmem:s21+$0x18F20]  }
0x41: {  	v37 =	vld [tilespmem:s21+$0x1A720]  }
0x42: {  	v38 =	vld [tilespmem:s21+$0x18F30]  }
0x43: {  	v39 =	vld [tilespmem:s21+$0x1A730]  }
0x44: {  	v40 =	vld [tilespmem:s21+$0x18F40]  }
0x45: {  	v41 =	vld [tilespmem:s21+$0x1A740]  }
0x46: {  	v42 =	vld [tilespmem:s21+$0x18F50]  }
0x47: {  	v43 =	vld [tilespmem:s21+$0x1A750]  }
0x48: {  	v44 =	vld [tilespmem:s21+$0x18F60]  }
0x49: {  	v45 =	vld [tilespmem:s21+$0x1A760]  }
0x4a: {  	v46 =	vld [tilespmem:s21+$0x18F70]  }
0x4b: {  	v47 =	vld [tilespmem:s21+$0x1A770];
	_ =	sdelay $0x1  }
0x4c: {  	v32 =	vmul.f32 v33, v32;
	v50 =	vmul.f32 v35, v34  }
0x4d: {  	v51 =	vmul.f32 v37, v36;
	v52 =	vmul.f32 v39, v38  }
0x4e: {  	v53 =	vmul.f32 v41, v40;
	v54 =	vmul.f32 v43, v42  }
0x4f: {  	v55 =	vmul.f32 v45, v44;
	v56 =	vmul.f32 v47, v46  }
0x50: {  	v32 =	vadd.f32 v50, v32;
	v57 =	vadd.f32 v52, v51  }
0x51: {  	v58 =	vadd.f32 v54, v53;
	v59 =	vadd.f32 v56, v55;
	_ =	sdelay $0x1  }
0x52: {  	v32 =	vadd.f32 v57, v32;
	v60 =	vadd.f32 v59, v58;
	_ =	sdelay $0x1  }
0x53: {  	v32 =	vadd.f32 v60, v32;
	_ =	sdelay $0x1  }
0x54: {  	[tilespmem:v0+s28+$0x0] =	vst.idx.msk $0xffff, v32  }
0x55: {  	v32 =	vld [tilespmem:s21+$0x18F80]  }
0x56: {  	v61 =	vld [tilespmem:s21+$0x1A780]  }
0x57: {  	v62 =	vld [tilespmem:s21+$0x18F90]  }
0x58: {  	v63 =	vld [tilespmem:s21+$0x1A790]  }
0x59: {  	v48 =	vld [tilespmem:s21+$0x18FA0]  }
0x5a: {  	v49 =	vld [tilespmem:s21+$0x1A7A0]  }
0x5b: {  	v50 =	vld [tilespmem:s21+$0x18FB0]  }
0x5c: {  	v51 =	vld [tilespmem:s21+$0x1A7B0]  }
0x5d: {  	v52 =	vld [tilespmem:s21+$0x18FC0]  }
0x5e: {  	v53 =	vld [tilespmem:s21+$0x1A7C0]  }
0x5f: {  	v54 =	vld [tilespmem:s21+$0x18FD0]  }
0x60: {  	v55 =	vld [tilespmem:s21+$0x1A7D0]  }
0x61: {  	v56 =	vld [tilespmem:s21+$0x18FE0]  }
0x62: {  	v57 =	vld [tilespmem:s21+$0x1A7E0]  }
0x63: {  	v58 =	vld [tilespmem:s21+$0x18FF0]  }
0x64: {  	v59 =	vld [tilespmem:s21+$0x1A7F0];
	_ =	sdelay $0x1  }
0x65: {  	v32 =	vmul.f32 v61, v32;
	v60 =	vmul.f32 v63, v62  }
0x66: {  	v61 =	vmul.f32 v49, v48;
	v62 =	vmul.f32 v51, v50  }
0x67: {  	v63 =	vmul.f32 v53, v52;
	v43 =	vmul.f32 v55, v54  }
0x68: {  	v45 =	vmul.f32 v57, v56;
	v46 =	vmul.f32 v59, v58  }
0x69: {  	v32 =	vadd.f32 v60, v32;
	v47 =	vadd.f32 v62, v61  }
0x6a: {  	v48 =	vadd.f32 v43, v63;
	v49 =	vadd.f32 v46, v45;
	_ =	sdelay $0x1  }
0x6b: {  	v32 =	vadd.f32 v47, v32;
	v50 =	vadd.f32 v49, v48;
	_ =	sdelay $0x1  }
0x6c: {  	v32 =	vadd.f32 v50, v32;
	_ =	sdelay $0x1  }
0x6d: {  	[tilespmem:v1+s28+$0x0] =	vst.idx.msk $0xffff, v32  }
0x6e: {  	v32 =	vld [tilespmem:s21+$0x19000]  }
0x6f: {  	v51 =	vld [tilespmem:s21+$0x1A800]  }
0x70: {  	v52 =	vld [tilespmem:s21+$0x19010]  }
0x71: {  	v53 =	vld [tilespmem:s21+$0x1A810]  }
0x72: {  	v54 =	vld [tilespmem:s21+$0x19020]  }
0x73: {  	v55 =	vld [tilespmem:s21+$0x1A820]  }
0x74: {  	v56 =	vld [tilespmem:s21+$0x19030]  }
0x75: {  	v57 =	vld [tilespmem:s21+$0x1A830]  }
0x76: {  	v58 =	vld [tilespmem:s21+$0x19040]  }
0x77: {  	v59 =	vld [tilespmem:s21+$0x1A840]  }
0x78: {  	v60 =	vld [tilespmem:s21+$0x19050]  }
0x79: {  	v61 =	vld [tilespmem:s21+$0x1A850]  }
0x7a: {  	v62 =	vld [tilespmem:s21+$0x19060]  }
0x7b: {  	v63 =	vld [tilespmem:s21+$0x1A860]  }
0x7c: {  	v48 =	vld [tilespmem:s21+$0x19070]  }
0x7d: {  	v49 =	vld [tilespmem:s21+$0x1A870];
	_ =	sdelay $0x1  }
0x7e: {  	v32 =	vmul.f32 v51, v32;
	v50 =	vmul.f32 v53, v52  }
0x7f: {  	v51 =	vmul.f32 v55, v54;
	v52 =	vmul.f32 v57, v56  }
0x80: {  	v53 =	vmul.f32 v59, v58;
	v54 =	vmul.f32 v61, v60  }
0x81: {  	v55 =	vmul.f32 v63, v62;
	v56 =	vmul.f32 v49, v48  }
0x82: {  	v32 =	vadd.f32 v50, v32;
	v57 =	vadd.f32 v52, v51  }
0x83: {  	v58 =	vadd.f32 v54, v53;
	v59 =	vadd.f32 v56, v55;
	_ =	sdelay $0x1  }
0x84: {  	v32 =	vadd.f32 v57, v32;
	v60 =	vadd.f32 v59, v58;
	_ =	sdelay $0x1  }
0x85: {  	v32 =	vadd.f32 v60, v32;
	_ =	sdelay $0x1  }
0x86: {  	[tilespmem:v2+s28+$0x0] =	vst.idx.msk $0xffff, v32  }
0x87: {  	v32 =	vld [tilespmem:s21+$0x19080]  }
0x88: {  	v61 =	vld [tilespmem:s21+$0x1A880]  }
0x89: {  	v62 =	vld [tilespmem:s21+$0x19090]  }
0x8a: {  	v63 =	vld [tilespmem:s21+$0x1A890]  }
0x8b: {  	v48 =	vld [tilespmem:s21+$0x190A0]  }
0x8c: {  	v49 =	vld [tilespmem:s21+$0x1A8A0]  }
0x8d: {  	v50 =	vld [tilespmem:s21+$0x190B0]  }
0x8e: {  	v51 =	vld [tilespmem:s21+$0x1A8B0]  }
0x8f: {  	v52 =	vld [tilespmem:s21+$0x190C0]  }
0x90: {  	v53 =	vld [tilespmem:s21+$0x1A8C0]  }
0x91: {  	v54 =	vld [tilespmem:s21+$0x190D0]  }
0x92: {  	v55 =	vld [tilespmem:s21+$0x1A8D0]  }
0x93: {  	v56 =	vld [tilespmem:s21+$0x190E0]  }
0x94: {  	v57 =	vld [tilespmem:s21+$0x1A8E0]  }
0x95: {  	v58 =	vld [tilespmem:s21+$0x190F0]  }
0x96: {  	v59 =	vld [tilespmem:s21+$0x1A8F0];
	_ =	sdelay $0x1  }
0x97: {  	v32 =	vmul.f32 v61, v32;
	v60 =	vmul.f32 v63, v62  }
0x98: {  	v61 =	vmul.f32 v49, v48;
	v62 =	vmul.f32 v51, v50  }
0x99: {  	v63 =	vmul.f32 v53, v52;
	v43 =	vmul.f32 v55, v54  }
0x9a: {  	v45 =	vmul.f32 v57, v56;
	v46 =	vmul.f32 v59, v58  }
0x9b: {  	v32 =	vadd.f32 v60, v32;
	v47 =	vadd.f32 v62, v61  }
0x9c: {  	v48 =	vadd.f32 v43, v63;
	v49 =	vadd.f32 v46, v45;
	_ =	sdelay $0x1  }
0x9d: {  	v32 =	vadd.f32 v47, v32;
	v50 =	vadd.f32 v49, v48;
	_ =	sdelay $0x1  }
0x9e: {  	v32 =	vadd.f32 v50, v32;
	_ =	sdelay $0x1  }
0x9f: {  	[tilespmem:v3+s28+$0x0] =	vst.idx.msk $0xffff, v32  }
0xa0: {  	v32 =	vld [tilespmem:s21+$0x19100]  }
0xa1: {  	v51 =	vld [tilespmem:s21+$0x1A900]  }
0xa2: {  	v52 =	vld [tilespmem:s21+$0x19110]  }
0xa3: {  	v53 =	vld [tilespmem:s21+$0x1A910]  }
0xa4: {  	v54 =	vld [tilespmem:s21+$0x19120]  }
0xa5: {  	v55 =	vld [tilespmem:s21+$0x1A920]  }
0xa6: {  	v56 =	vld [tilespmem:s21+$0x19130]  }
0xa7: {  	v57 =	vld [tilespmem:s21+$0x1A930]  }
0xa8: {  	v58 =	vld [tilespmem:s21+$0x19140]  }
0xa9: {  	v59 =	vld [tilespmem:s21+$0x1A940]  }
0xaa: {  	v60 =	vld [tilespmem:s21+$0x19150]  }
0xab: {  	v61 =	vld [tilespmem:s21+$0x1A950]  }
0xac: {  	v62 =	vld [tilespmem:s21+$0x19160]  }
0xad: {  	v63 =	vld [tilespmem:s21+$0x1A960]  }
0xae: {  	v48 =	vld [tilespmem:s21+$0x19170]  }
0xaf: {  	v49 =	vld [tilespmem:s21+$0x1A970];
	_ =	sdelay $0x1  }
0xb0: {  	v32 =	vmul.f32 v51, v32;
	v50 =	vmul.f32 v53, v52  }
0xb1: {  	v51 =	vmul.f32 v55, v54;
	v52 =	vmul.f32 v57, v56  }
0xb2: {  	v53 =	vmul.f32 v59, v58;
	v54 =	vmul.f32 v61, v60  }
0xb3: {  	v55 =	vmul.f32 v63, v62;
	v56 =	vmul.f32 v49, v48  }
0xb4: {  	v32 =	vadd.f32 v50, v32;
	v57 =	vadd.f32 v52, v51  }
0xb5: {  	v58 =	vadd.f32 v54, v53;
	v59 =	vadd.f32 v56, v55;
	_ =	sdelay $0x1  }
0xb6: {  	v32 =	vadd.f32 v57, v32;
	v60 =	vadd.f32 v59, v58;
	_ =	sdelay $0x1  }
0xb7: {  	v32 =	vadd.f32 v60, v32;
	_ =	sdelay $0x1  }
0xb8: {  	[tilespmem:v4+s28+$0x0] =	vst.idx.msk $0xffff, v32  }
0xb9: {  	v32 =	vld [tilespmem:s21+$0x19180]  }
0xba: {  	v61 =	vld [tilespmem:s21+$0x1A980]  }
0xbb: {  	v62 =	vld [tilespmem:s21+$0x19190]  }
0xbc: {  	v63 =	vld [tilespmem:s21+$0x1A990]  }
0xbd: {  	v48 =	vld [tilespmem:s21+$0x191A0]  }
0xbe: {  	v49 =	vld [tilespmem:s21+$0x1A9A0]  }
0xbf: {  	v50 =	vld [tilespmem:s21+$0x191B0]  }
0xc0: {  	v51 =	vld [tilespmem:s21+$0x1A9B0]  }
0xc1: {  	v52 =	vld [tilespmem:s21+$0x191C0]  }
0xc2: {  	v53 =	vld [tilespmem:s21+$0x1A9C0]  }
0xc3: {  	v54 =	vld [tilespmem:s21+$0x191D0]  }
0xc4: {  	v55 =	vld [tilespmem:s21+$0x1A9D0]  }
0xc5: {  	v56 =	vld [tilespmem:s21+$0x191E0]  }
0xc6: {  	v57 =	vld [tilespmem:s21+$0x1A9E0]  }
0xc7: {  	v58 =	vld [tilespmem:s21+$0x191F0]  }
0xc8: {  	v59 =	vld [tilespmem:s21+$0x1A9F0];
	_ =	sdelay $0x1  }
0xc9: {  	v32 =	vmul.f32 v61, v32;
	v60 =	vmul.f32 v63, v62  }
0xca: {  	v61 =	vmul.f32 v49, v48;
	v62 =	vmul.f32 v51, v50  }
0xcb: {  	v63 =	vmul.f32 v53, v52;
	v43 =	vmul.f32 v55, v54  }
0xcc: {  	v45 =	vmul.f32 v57, v56;
	v46 =	vmul.f32 v59, v58  }
0xcd: {  	v32 =	vadd.f32 v60, v32;
	v47 =	vadd.f32 v62, v61  }
0xce: {  	v48 =	vadd.f32 v43, v63;
	v49 =	vadd.f32 v46, v45;
	_ =	sdelay $0x1  }
0xcf: {  	v32 =	vadd.f32 v47, v32;
	v50 =	vadd.f32 v49, v48;
	_ =	sdelay $0x1  }
0xd0: {  	v32 =	vadd.f32 v50, v32;
	_ =	sdelay $0x1  }
0xd1: {  	[tilespmem:v5+s28+$0x0] =	vst.idx.msk $0xffff, v32  }
0xd2: {  	v32 =	vld [tilespmem:s21+$0x19200]  }
0xd3: {  	v51 =	vld [tilespmem:s21+$0x1AA00]  }
0xd4: {  	v52 =	vld [tilespmem:s21+$0x19210]  }
0xd5: {  	v53 =	vld [tilespmem:s21+$0x1AA10]  }
0xd6: {  	v54 =	vld [tilespmem:s21+$0x19220]  }
0xd7: {  	v55 =	vld [tilespmem:s21+$0x1AA20]  }
0xd8: {  	v56 =	vld [tilespmem:s21+$0x19230]  }
0xd9: {  	v57 =	vld [tilespmem:s21+$0x1AA30]  }
0xda: {  	v58 =	vld [tilespmem:s21+$0x19240]  }
0xdb: {  	v59 =	vld [tilespmem:s21+$0x1AA40]  }
0xdc: {  	v60 =	vld [tilespmem:s21+$0x19250]  }
0xdd: {  	v61 =	vld [tilespmem:s21+$0x1AA50]  }
0xde: {  	v62 =	vld [tilespmem:s21+$0x19260]  }
0xdf: {  	v63 =	vld [tilespmem:s21+$0x1AA60]  }
0xe0: {  	v48 =	vld [tilespmem:s21+$0x19270]  }
0xe1: {  	v49 =	vld [tilespmem:s21+$0x1AA70];
	_ =	sdelay $0x1  }
0xe2: {  	v32 =	vmul.f32 v51, v32;
	v50 =	vmul.f32 v53, v52  }
0xe3: {  	v51 =	vmul.f32 v55, v54;
	v52 =	vmul.f32 v57, v56  }
0xe4: {  	v53 =	vmul.f32 v59, v58;
	v54 =	vmul.f32 v61, v60  }
0xe5: {  	v55 =	vmul.f32 v63, v62;
	v56 =	vmul.f32 v49, v48  }
0xe6: {  	v32 =	vadd.f32 v50, v32;
	v57 =	vadd.f32 v52, v51  }
0xe7: {  	v58 =	vadd.f32 v54, v53;
	v59 =	vadd.f32 v56, v55;
	_ =	sdelay $0x1  }
0xe8: {  	v32 =	vadd.f32 v57, v32;
	v60 =	vadd.f32 v59, v58;
	_ =	sdelay $0x1  }
0xe9: {  	v32 =	vadd.f32 v60, v32;
	_ =	sdelay $0x1  }
0xea: {  	[tilespmem:v6+s28+$0x0] =	vst.idx.msk $0xffff, v32  }
0xeb: {  	v32 =	vld [tilespmem:s21+$0x19280]  }
0xec: {  	v61 =	vld [tilespmem:s21+$0x1AA80]  }
0xed: {  	v62 =	vld [tilespmem:s21+$0x19290]  }
0xee: {  	v63 =	vld [tilespmem:s21+$0x1AA90]  }
0xef: {  	v48 =	vld [tilespmem:s21+$0x192A0]  }
0xf0: {  	v49 =	vld [tilespmem:s21+$0x1AAA0]  }
0xf1: {  	v50 =	vld [tilespmem:s21+$0x192B0]  }
0xf2: {  	v51 =	vld [tilespmem:s21+$0x1AAB0]  }
0xf3: {  	v52 =	vld [tilespmem:s21+$0x192C0]  }
0xf4: {  	v53 =	vld [tilespmem:s21+$0x1AAC0]  }
0xf5: {  	v54 =	vld [tilespmem:s21+$0x192D0]  }
0xf6: {  	v55 =	vld [tilespmem:s21+$0x1AAD0]  }
0xf7: {  	v56 =	vld [tilespmem:s21+$0x192E0]  }
0xf8: {  	v57 =	vld [tilespmem:s21+$0x1AAE0]  }
0xf9: {  	v58 =	vld [tilespmem:s21+$0x192F0]  }
0xfa: {  	v59 =	vld [tilespmem:s21+$0x1AAF0];
	_ =	sdelay $0x1  }
0xfb: {  	v32 =	vmul.f32 v61, v32;
	v60 =	vmul.f32 v63, v62  }
0xfc: {  	v61 =	vmul.f32 v49, v48;
	v62 =	vmul.f32 v51, v50  }
0xfd: {  	v63 =	vmul.f32 v53, v52;
	v43 =	vmul.f32 v55, v54  }
0xfe: {  	v45 =	vmul.f32 v57, v56;
	v46 =	vmul.f32 v59, v58  }
0xff: {  	v32 =	vadd.f32 v60, v32;
	v47 =	vadd.f32 v62, v61  }
0x100: {  	v48 =	vadd.f32 v43, v63;
	v49 =	vadd.f32 v46, v45;
	_ =	sdelay $0x1  }
0x101: {  	v32 =	vadd.f32 v47, v32;
	v50 =	vadd.f32 v49, v48;
	_ =	sdelay $0x1  }
0x102: {  	v32 =	vadd.f32 v50, v32;
	_ =	sdelay $0x1  }
0x103: {  	[tilespmem:v7+s28+$0x0] =	vst.idx.msk $0xffff, v32  }
0x104: {  	v32 =	vld [tilespmem:s21+$0x19300]  }
0x105: {  	v51 =	vld [tilespmem:s21+$0x1AB00]  }
0x106: {  	v52 =	vld [tilespmem:s21+$0x19310]  }
0x107: {  	v53 =	vld [tilespmem:s21+$0x1AB10]  }
0x108: {  	v54 =	vld [tilespmem:s21+$0x19320]  }
0x109: {  	v55 =	vld [tilespmem:s21+$0x1AB20]  }
0x10a: {  	v56 =	vld [tilespmem:s21+$0x19330]  }
0x10b: {  	v57 =	vld [tilespmem:s21+$0x1AB30]  }
0x10c: {  	v58 =	vld [tilespmem:s21+$0x19340]  }
0x10d: {  	v59 =	vld [tilespmem:s21+$0x1AB40]  }
0x10e: {  	v60 =	vld [tilespmem:s21+$0x19350]  }
0x10f: {  	v61 =	vld [tilespmem:s21+$0x1AB50]  }
0x110: {  	v62 =	vld [tilespmem:s21+$0x19360]  }
0x111: {  	v63 =	vld [tilespmem:s21+$0x1AB60]  }
0x112: {  	v48 =	vld [tilespmem:s21+$0x19370]  }
0x113: {  	v49 =	vld [tilespmem:s21+$0x1AB70];
	_ =	sdelay $0x1  }
0x114: {  	v32 =	vmul.f32 v51, v32;
	v50 =	vmul.f32 v53, v52  }
0x115: {  	v51 =	vmul.f32 v55, v54;
	v52 =	vmul.f32 v57, v56  }
0x116: {  	v53 =	vmul.f32 v59, v58;
	v54 =	vmul.f32 v61, v60  }
0x117: {  	v55 =	vmul.f32 v63, v62;
	v56 =	vmul.f32 v49, v48  }
0x118: {  	v32 =	vadd.f32 v50, v32;
	v57 =	vadd.f32 v52, v51  }
0x119: {  	v58 =	vadd.f32 v54, v53;
	v59 =	vadd.f32 v56, v55;
	_ =	sdelay $0x1  }
0x11a: {  	v32 =	vadd.f32 v57, v32;
	v60 =	vadd.f32 v59, v58;
	_ =	sdelay $0x1  }
0x11b: {  	v32 =	vadd.f32 v60, v32;
	_ =	sdelay $0x1  }
0x11c: {  	[tilespmem:v8+s28+$0x0] =	vst.idx.msk $0xffff, v32  }
0x11d: {  	v32 =	vld [tilespmem:s21+$0x19380]  }
0x11e: {  	v61 =	vld [tilespmem:s21+$0x1AB80]  }
0x11f: {  	v62 =	vld [tilespmem:s21+$0x19390]  }
0x120: {  	v63 =	vld [tilespmem:s21+$0x1AB90]  }
0x121: {  	v48 =	vld [tilespmem:s21+$0x193A0]  }
0x122: {  	v49 =	vld [tilespmem:s21+$0x1ABA0]  }
0x123: {  	v50 =	vld [tilespmem:s21+$0x193B0]  }
0x124: {  	v51 =	vld [tilespmem:s21+$0x1ABB0]  }
0x125: {  	v52 =	vld [tilespmem:s21+$0x193C0]  }
0x126: {  	v53 =	vld [tilespmem:s21+$0x1ABC0]  }
0x127: {  	v54 =	vld [tilespmem:s21+$0x193D0]  }
0x128: {  	v55 =	vld [tilespmem:s21+$0x1ABD0]  }
0x129: {  	v56 =	vld [tilespmem:s21+$0x193E0]  }
0x12a: {  	v57 =	vld [tilespmem:s21+$0x1ABE0]  }
0x12b: {  	v58 =	vld [tilespmem:s21+$0x193F0]  }
0x12c: {  	v59 =	vld [tilespmem:s21+$0x1ABF0];
	_ =	sdelay $0x1  }
0x12d: {  	v32 =	vmul.f32 v61, v32;
	v60 =	vmul.f32 v63, v62  }
0x12e: {  	v61 =	vmul.f32 v49, v48;
	v62 =	vmul.f32 v51, v50  }
0x12f: {  	v63 =	vmul.f32 v53, v52;
	v43 =	vmul.f32 v55, v54  }
0x130: {  	v45 =	vmul.f32 v57, v56;
	v46 =	vmul.f32 v59, v58  }
0x131: {  	v32 =	vadd.f32 v60, v32;
	v47 =	vadd.f32 v62, v61  }
0x132: {  	v48 =	vadd.f32 v43, v63;
	v49 =	vadd.f32 v46, v45;
	_ =	sdelay $0x1  }
0x133: {  	v32 =	vadd.f32 v47, v32;
	v50 =	vadd.f32 v49, v48;
	_ =	sdelay $0x1  }
0x134: {  	v32 =	vadd.f32 v50, v32;
	_ =	sdelay $0x1  }
0x135: {  	[tilespmem:v9+s28+$0x0] =	vst.idx.msk $0xffff, v32  }
0x136: {  	v32 =	vld [tilespmem:s21+$0x19400]  }
0x137: {  	v51 =	vld [tilespmem:s21+$0x1AC00]  }
0x138: {  	v52 =	vld [tilespmem:s21+$0x19410]  }
0x139: {  	v53 =	vld [tilespmem:s21+$0x1AC10]  }
0x13a: {  	v54 =	vld [tilespmem:s21+$0x19420]  }
0x13b: {  	v55 =	vld [tilespmem:s21+$0x1AC20]  }
0x13c: {  	v56 =	vld [tilespmem:s21+$0x19430]  }
0x13d: {  	v57 =	vld [tilespmem:s21+$0x1AC30]  }
0x13e: {  	v58 =	vld [tilespmem:s21+$0x19440]  }
0x13f: {  	v59 =	vld [tilespmem:s21+$0x1AC40]  }
0x140: {  	v60 =	vld [tilespmem:s21+$0x19450]  }
0x141: {  	v61 =	vld [tilespmem:s21+$0x1AC50]  }
0x142: {  	v62 =	vld [tilespmem:s21+$0x19460]  }
0x143: {  	v63 =	vld [tilespmem:s21+$0x1AC60]  }
0x144: {  	v48 =	vld [tilespmem:s21+$0x19470]  }
0x145: {  	v49 =	vld [tilespmem:s21+$0x1AC70];
	_ =	sdelay $0x1  }
0x146: {  	v32 =	vmul.f32 v51, v32;
	v50 =	vmul.f32 v53, v52  }
0x147: {  	v51 =	vmul.f32 v55, v54;
	v52 =	vmul.f32 v57, v56  }
0x148: {  	v53 =	vmul.f32 v59, v58;
	v54 =	vmul.f32 v61, v60  }
0x149: {  	v55 =	vmul.f32 v63, v62;
	v56 =	vmul.f32 v49, v48  }
0x14a: {  	v32 =	vadd.f32 v50, v32;
	v57 =	vadd.f32 v52, v51  }
0x14b: {  	v58 =	vadd.f32 v54, v53;
	v59 =	vadd.f32 v56, v55;
	_ =	sdelay $0x1  }
0x14c: {  	v32 =	vadd.f32 v57, v32;
	v60 =	vadd.f32 v59, v58;
	_ =	sdelay $0x1  }
0x14d: {  	v32 =	vadd.f32 v60, v32;
	_ =	sdelay $0x1  }
0x14e: {  	[tilespmem:v10+s28+$0x0] =	vst.idx.msk $0xffff, v32  }
0x14f: {  	v32 =	vld [tilespmem:s21+$0x19480]  }
0x150: {  	v61 =	vld [tilespmem:s21+$0x1AC80]  }
0x151: {  	v62 =	vld [tilespmem:s21+$0x19490]  }
0x152: {  	v63 =	vld [tilespmem:s21+$0x1AC90]  }
0x153: {  	v48 =	vld [tilespmem:s21+$0x194A0]  }
0x154: {  	v49 =	vld [tilespmem:s21+$0x1ACA0]  }
0x155: {  	v50 =	vld [tilespmem:s21+$0x194B0]  }
0x156: {  	v51 =	vld [tilespmem:s21+$0x1ACB0]  }
0x157: {  	v52 =	vld [tilespmem:s21+$0x194C0]  }
0x158: {  	v53 =	vld [tilespmem:s21+$0x1ACC0]  }
0x159: {  	v54 =	vld [tilespmem:s21+$0x194D0]  }
0x15a: {  	v55 =	vld [tilespmem:s21+$0x1ACD0]  }
0x15b: {  	v56 =	vld [tilespmem:s21+$0x194E0]  }
0x15c: {  	v57 =	vld [tilespmem:s21+$0x1ACE0]  }
0x15d: {  	v58 =	vld [tilespmem:s21+$0x194F0]  }
0x15e: {  	v59 =	vld [tilespmem:s21+$0x1ACF0];
	_ =	sdelay $0x1  }
0x15f: {  	v32 =	vmul.f32 v61, v32;
	v60 =	vmul.f32 v63, v62  }
0x160: {  	v61 =	vmul.f32 v49, v48;
	v62 =	vmul.f32 v51, v50  }
0x161: {  	v63 =	vmul.f32 v53, v52;
	v43 =	vmul.f32 v55, v54  }
0x162: {  	v45 =	vmul.f32 v57, v56;
	v46 =	vmul.f32 v59, v58  }
0x163: {  	v32 =	vadd.f32 v60, v32;
	v47 =	vadd.f32 v62, v61  }
0x164: {  	v48 =	vadd.f32 v43, v63;
	v49 =	vadd.f32 v46, v45;
	_ =	sdelay $0x1  }
0x165: {  	v32 =	vadd.f32 v47, v32;
	v50 =	vadd.f32 v49, v48;
	_ =	sdelay $0x1  }
0x166: {  	v32 =	vadd.f32 v50, v32;
	_ =	sdelay $0x1  }
0x167: {  	[tilespmem:v11+s28+$0x0] =	vst.idx.msk $0xffff, v32  }
0x168: {  	v32 =	vld [tilespmem:s21+$0x19500]  }
0x169: {  	v51 =	vld [tilespmem:s21+$0x1AD00]  }
0x16a: {  	v52 =	vld [tilespmem:s21+$0x19510]  }
0x16b: {  	v53 =	vld [tilespmem:s21+$0x1AD10]  }
0x16c: {  	v54 =	vld [tilespmem:s21+$0x19520]  }
0x16d: {  	v55 =	vld [tilespmem:s21+$0x1AD20]  }
0x16e: {  	v56 =	vld [tilespmem:s21+$0x19530]  }
0x16f: {  	v57 =	vld [tilespmem:s21+$0x1AD30]  }
0x170: {  	v58 =	vld [tilespmem:s21+$0x19540]  }
0x171: {  	v59 =	vld [tilespmem:s21+$0x1AD40]  }
0x172: {  	v60 =	vld [tilespmem:s21+$0x19550]  }
0x173: {  	v61 =	vld [tilespmem:s21+$0x1AD50]  }
0x174: {  	v62 =	vld [tilespmem:s21+$0x19560]  }
0x175: {  	v63 =	vld [tilespmem:s21+$0x1AD60]  }
0x176: {  	v48 =	vld [tilespmem:s21+$0x19570]  }
0x177: {  	v49 =	vld [tilespmem:s21+$0x1AD70];
	_ =	sdelay $0x1  }
0x178: {  	v32 =	vmul.f32 v51, v32;
	v50 =	vmul.f32 v53, v52  }
0x179: {  	v51 =	vmul.f32 v55, v54;
	v52 =	vmul.f32 v57, v56  }
0x17a: {  	v53 =	vmul.f32 v59, v58;
	v54 =	vmul.f32 v61, v60  }
0x17b: {  	v55 =	vmul.f32 v63, v62;
	v56 =	vmul.f32 v49, v48  }
0x17c: {  	v32 =	vadd.f32 v50, v32;
	v57 =	vadd.f32 v52, v51  }
0x17d: {  	v58 =	vadd.f32 v54, v53;
	v59 =	vadd.f32 v56, v55;
	_ =	sdelay $0x1  }
0x17e: {  	v32 =	vadd.f32 v57, v32;
	v60 =	vadd.f32 v59, v58;
	_ =	sdelay $0x1  }
0x17f: {  	v32 =	vadd.f32 v60, v32;
	_ =	sdelay $0x1  }
0x180: {  	[tilespmem:v12+s28+$0x0] =	vst.idx.msk $0xffff, v32  }
0x181: {  	v32 =	vld [tilespmem:s21+$0x19580]  }
0x182: {  	v61 =	vld [tilespmem:s21+$0x1AD80]  }
0x183: {  	v62 =	vld [tilespmem:s21+$0x19590]  }
0x184: {  	v63 =	vld [tilespmem:s21+$0x1AD90]  }
0x185: {  	v48 =	vld [tilespmem:s21+$0x195A0]  }
0x186: {  	v49 =	vld [tilespmem:s21+$0x1ADA0]  }
0x187: {  	v50 =	vld [tilespmem:s21+$0x195B0]  }
0x188: {  	v51 =	vld [tilespmem:s21+$0x1ADB0]  }
0x189: {  	v52 =	vld [tilespmem:s21+$0x195C0]  }
0x18a: {  	v53 =	vld [tilespmem:s21+$0x1ADC0]  }
0x18b: {  	v54 =	vld [tilespmem:s21+$0x195D0]  }
0x18c: {  	v55 =	vld [tilespmem:s21+$0x1ADD0]  }
0x18d: {  	v56 =	vld [tilespmem:s21+$0x195E0]  }
0x18e: {  	v57 =	vld [tilespmem:s21+$0x1ADE0]  }
0x18f: {  	v58 =	vld [tilespmem:s21+$0x195F0]  }
0x190: {  	v59 =	vld [tilespmem:s21+$0x1ADF0];
	_ =	sdelay $0x1  }
0x191: {  	v32 =	vmul.f32 v61, v32;
	v60 =	vmul.f32 v63, v62  }
0x192: {  	v61 =	vmul.f32 v49, v48;
	v62 =	vmul.f32 v51, v50  }
0x193: {  	v63 =	vmul.f32 v53, v52;
	v43 =	vmul.f32 v55, v54  }
0x194: {  	v45 =	vmul.f32 v57, v56;
	v46 =	vmul.f32 v59, v58  }
0x195: {  	v32 =	vadd.f32 v60, v32;
	v47 =	vadd.f32 v62, v61  }
0x196: {  	v48 =	vadd.f32 v43, v63;
	v49 =	vadd.f32 v46, v45;
	_ =	sdelay $0x1  }
0x197: {  	v32 =	vadd.f32 v47, v32;
	v50 =	vadd.f32 v49, v48;
	_ =	sdelay $0x1  }
0x198: {  	v32 =	vadd.f32 v50, v32;
	_ =	sdelay $0x1  }
0x199: {  	[tilespmem:v14+s28+$0x0] =	vst.idx.msk $0xffff, v32  }
0x19a: {  	v32 =	vld [tilespmem:s21+$0x19600]  }
0x19b: {  	v51 =	vld [tilespmem:s21+$0x1AE00]  }
0x19c: {  	v52 =	vld [tilespmem:s21+$0x19610]  }
0x19d: {  	v53 =	vld [tilespmem:s21+$0x1AE10]  }
0x19e: {  	v54 =	vld [tilespmem:s21+$0x19620]  }
0x19f: {  	v55 =	vld [tilespmem:s21+$0x1AE20]  }
0x1a0: {  	v56 =	vld [tilespmem:s21+$0x19630]  }
0x1a1: {  	v57 =	vld [tilespmem:s21+$0x1AE30]  }
0x1a2: {  	v58 =	vld [tilespmem:s21+$0x19640]  }
0x1a3: {  	v59 =	vld [tilespmem:s21+$0x1AE40]  }
0x1a4: {  	v60 =	vld [tilespmem:s21+$0x19650]  }
0x1a5: {  	v61 =	vld [tilespmem:s21+$0x1AE50]  }
0x1a6: {  	v62 =	vld [tilespmem:s21+$0x19660]  }
0x1a7: {  	v63 =	vld [tilespmem:s21+$0x1AE60]  }
0x1a8: {  	v48 =	vld [tilespmem:s21+$0x19670]  }
0x1a9: {  	v49 =	vld [tilespmem:s21+$0x1AE70];
	_ =	sdelay $0x1  }
0x1aa: {  	v32 =	vmul.f32 v51, v32;
	v50 =	vmul.f32 v53, v52  }
0x1ab: {  	v51 =	vmul.f32 v55, v54;
	v52 =	vmul.f32 v57, v56  }
0x1ac: {  	v53 =	vmul.f32 v59, v58;
	v54 =	vmul.f32 v61, v60  }
0x1ad: {  	v55 =	vmul.f32 v63, v62;
	v56 =	vmul.f32 v49, v48  }
0x1ae: {  	v32 =	vadd.f32 v50, v32;
	v57 =	vadd.f32 v52, v51  }
0x1af: {  	v58 =	vadd.f32 v54, v53;
	v59 =	vadd.f32 v56, v55;
	_ =	sdelay $0x1  }
0x1b0: {  	v32 =	vadd.f32 v57, v32;
	v60 =	vadd.f32 v59, v58;
	_ =	sdelay $0x1  }
0x1b1: {  	v32 =	vadd.f32 v60, v32;
	_ =	sdelay $0x1  }
0x1b2: {  	[tilespmem:v15+s28+$0x0] =	vst.idx.msk $0xffff, v32  }
0x1b3: {  	v32 =	vld [tilespmem:s21+$0x19680]  }
0x1b4: {  	v61 =	vld [tilespmem:s21+$0x1AE80]  }
0x1b5: {  	v62 =	vld [tilespmem:s21+$0x19690]  }
0x1b6: {  	v63 =	vld [tilespmem:s21+$0x1AE90]  }
0x1b7: {  	v48 =	vld [tilespmem:s21+$0x196A0]  }
0x1b8: {  	v49 =	vld [tilespmem:s21+$0x1AEA0]  }
0x1b9: {  	v50 =	vld [tilespmem:s21+$0x196B0]  }
0x1ba: {  	v51 =	vld [tilespmem:s21+$0x1AEB0]  }
0x1bb: {  	v52 =	vld [tilespmem:s21+$0x196C0]  }
0x1bc: {  	v53 =	vld [tilespmem:s21+$0x1AEC0]  }
0x1bd: {  	v54 =	vld [tilespmem:s21+$0x196D0]  }
0x1be: {  	v55 =	vld [tilespmem:s21+$0x1AED0]  }
0x1bf: {  	v56 =	vld [tilespmem:s21+$0x196E0]  }
0x1c0: {  	v57 =	vld [tilespmem:s21+$0x1AEE0]  }
0x1c1: {  	v58 =	vld [tilespmem:s21+$0x196F0]  }
0x1c2: {  	v59 =	vld [tilespmem:s21+$0x1AEF0];
	_ =	sdelay $0x1  }
0x1c3: {  	v32 =	vmul.f32 v61, v32;
	v60 =	vmul.f32 v63, v62  }
0x1c4: {  	v61 =	vmul.f32 v49, v48;
	v62 =	vmul.f32 v51, v50  }
0x1c5: {  	v63 =	vmul.f32 v53, v52;
	v43 =	vmul.f32 v55, v54  }
0x1c6: {  	v48 =	vmul.f32 v57, v56;
	v49 =	vmul.f32 v59, v58  }
0x1c7: {  	v32 =	vadd.f32 v60, v32;
	v50 =	vadd.f32 v62, v61  }
0x1c8: {  	v51 =	vadd.f32 v43, v63;
	v52 =	vadd.f32 v49, v48;
	_ =	sdelay $0x1  }
0x1c9: {  	v32 =	vadd.f32 v50, v32;
	v53 =	vadd.f32 v52, v51;
	_ =	sdelay $0x1  }
0x1ca: {  	v32 =	vadd.f32 v53, v32;
	_ =	sdelay $0x1  }
0x1cb: {  	[tilespmem:v16+s28+$0x0] =	vst.idx.msk $0xffff, v32  }
0x1cc: {  	v32 =	vld.idx.msk [tilespmem:v13+s28+$0x0], $0xffff  }
0x1cd: {  	v54 =	vld.idx.msk [tilespmem:v17+s28+$0x0], $0xffff  }
0x1ce: {  	v55 =	vld.idx.msk [tilespmem:v18+s28+$0x0], $0xffff  }
0x1cf: {  	v56 =	vld.idx.msk [tilespmem:v19+s28+$0x0], $0xffff  }
0x1d0: {  	v57 =	vld.idx.msk [tilespmem:v20+s28+$0x0], $0xffff  }
0x1d1: {  	v58 =	vld.idx.msk [tilespmem:v21+s28+$0x0], $0xffff  }
0x1d2: {  	v59 =	vld.idx.msk [tilespmem:v22+s28+$0x0], $0xffff  }
0x1d3: {  	v60 =	vld.idx.msk [tilespmem:v23+s28+$0x0], $0xffff  }
0x1d4: {  	v61 =	vld.idx.msk [tilespmem:v24+s28+$0x0], $0xffff  }
0x1d5: {  	v62 =	vld.idx.msk [tilespmem:v25+s28+$0x0], $0xffff  }
0x1d6: {  	v63 =	vld.idx.msk [tilespmem:v26+s28+$0x0], $0xffff  }
0x1d7: {  	v48 =	vld.idx.msk [tilespmem:v27+s28+$0x0], $0xffff  }
0x1d8: {  	v49 =	vld.idx.msk [tilespmem:v28+s28+$0x0], $0xffff  }
0x1d9: {  	v50 =	vld.idx.msk [tilespmem:v29+s28+$0x0], $0xffff  }
0x1da: {  	v51 =	vld.idx.msk [tilespmem:v30+s28+$0x0], $0xffff  }
0x1db: {  	v52 =	vld.idx.msk [tilespmem:v31+s28+$0x0], $0xffff;
	_ =	sdelay $0x1  }
0x1dc: {  	v32 =	vadd.f32 v54, v32;
	v53 =	vadd.f32 v56, v55  }
0x1dd: {  	v54 =	vadd.f32 v58, v57;
	v55 =	vadd.f32 v60, v59  }
0x1de: {  	v56 =	vadd.f32 v62, v61;
	v57 =	vadd.f32 v48, v63  }
0x1df: {  	v58 =	vadd.f32 v50, v49;
	v59 =	vadd.f32 v52, v51  }
0x1e0: {  	v32 =	vadd.f32 v53, v32;
	v60 =	vadd.f32 v55, v54  }
0x1e1: {  	v61 =	vadd.f32 v57, v56;
	v62 =	vadd.f32 v59, v58  }
0x1e2: {  	p0 =	sne.s32 s20, $0x2  }
.Ltmp0:
0x1e3: {  	v32 =	vadd.f32 v60, v32;
	v63 =	vadd.f32 v62, v61;
	(pc) =	sbr.rel @p0 .LBB2_3-.Ltmp0, $4  }
0x1e4: {  	_ = 	snop  }
0x1e5: {  	s13 =	sshll.u32 s20, $0x4;
	v32 =	vadd.f32 v63, v32  }
0x1e6: {  	s21 =	sand.u32 $0x3FFFFFF0, s13  }
0x1e7: {  	s20 =	sadd.s32 $0x1, s20;
	[tilespmem:s21+$0x1F080] =	vst v32  }
0x1e8: {  	s20 =	sadd.s32 s4, s19  }
0x1e9: {  	s20 =	sshrl.u32 s20, $0x3  }
0x1ea: {  	s20 =	sadd.s32 s5, s20  }
0x1eb: {  	[hbm4b:s20+s3] =	stream.linear.scatter [tilespmem:s29], [sflag:$0x3], $0x30, $0x38;
	[tilespmem:$0x1F180] =	vst v63  }
0x1ec: {  	_ =	swait.ge [sflag:s30], $0xC00  }
0x1ed: {  	[sflag:s30] =	ssyncset.done $0x0  }
0x1ee: {  	[sflag:s30] =	ssyncadd.s32 $0xFFFFF400  }
0x1ef: {  	_ =	swait.ge [sflag:s30], $0xC00  }
0x1f0: {  	[sflag:s30] =	ssyncset.done $0x0  }
0x1f1: {  	[sflag:s30] =	ssyncadd.s32 $0xFFFFF400  }
0x1f2: {  	_ =	swait.ge [sflag:s30], $0xC00  }
0x1f3: {  	[sflag:s30] =	ssyncset.done $0x0  }
0x1f4: {  	[sflag:s30] =	ssyncadd.s32 $0xFFFFF400  }
0x1f5: {  	p0 =	seq.s32 s17, $0x68;
	_ =	swait.ge [sflag:s30], $0xC00  }
0x1f6: {  	s21 =	simm.s32 @!p0 $0x18;
	[sflag:s30] =	ssyncset.done $0x0  }
0x1f7: {  	s13 =	simm.s32 @!p0 $0x18F00;
	s20 =	sadd.s32 @!p0 $0x14060, s19;
	[sflag:s30] =	ssyncadd.s32 $0xFFFFF400  }
0x1f8: {  	[tilespmem:s13], [sflag:$0x1] =	stream.indirect.gather @!p0 [spmem:s2], $0x80, s20, s21, $0xb8;
	[tilespmem:$0x1F180] =	vst v63  }
0x1f9: {  	s13 =	sadd.s32 @!p0 $0x167E0, s19;
	s20 =	simm.s32 @!p0 $0x1A700  }
0x1fa: {  	[tilespmem:s20], [sflag:$0x1] =	stream.indirect.gather @!p0 [spmem:s2], $0x80, s13, s21, $0xb8;
	[tilespmem:$0x1F180] =	vst v63  }
0x1fb: {  	s13 =	sadd.s32 @!p0 $0x14078, s19;
	s20 =	simm.s32 @!p0 $0x19B00  }
0x1fc: {  	[tilespmem:s20], [sflag:$0x1] =	stream.indirect.gather @!p0 [spmem:s2], $0x80, s13, s21, $0xb8;
	[tilespmem:$0x1F180] =	vst v63  }
0x1fd: {  	p1 =	seq.s32 @!p0 s17, $0x0;
	s13 =	sadd.s32 @!p0 $0x167F8, s19;
	s19 =	simm.s32 @!p0 $0x1B300  }
0x1fe: {  	[tilespmem:s19], [sflag:$0x1] =	stream.indirect.gather @!p0 [spmem:s2], $0x80, s13, s21, $0xb8;
	[tilespmem:$0x1F180] =	vst v63  }
0x1ff: {  	p0 =	por p0, !p1  }
0x200: {  	_ =	swait.ge @p0 [sflag:s1], $0x30  }
0x201: {  	[sflag:s1] =	ssyncset.done @p0 $0x0  }
0x202: {  	s19 =	simm.s32 $0x0;
	[sflag:s1] =	ssyncadd.s32 @p0 $0xFFFFFFD0  }
.LBB2_5:
0x203: {  	s20 =	sshll.u32 s19, $0xB  }
0x204: {  	v32 =	vld [tilespmem:s20+$0x1BF00]  }
0x205: {  	v33 =	vld [tilespmem:s20+$0x1D700]  }
0x206: {  	v34 =	vld [tilespmem:s20+$0x1BF10]  }
0x207: {  	v35 =	vld [tilespmem:s20+$0x1D710]  }
0x208: {  	v36 =	vld [tilespmem:s20+$0x1BF20]  }
0x209: {  	v37 =	vld [tilespmem:s20+$0x1D720]  }
0x20a: {  	v38 =	vld [tilespmem:s20+$0x1BF30]  }
0x20b: {  	v39 =	vld [tilespmem:s20+$0x1D730]  }
0x20c: {  	v40 =	vld [tilespmem:s20+$0x1BF40]  }
0x20d: {  	v41 =	vld [tilespmem:s20+$0x1D740]  }
0x20e: {  	v42 =	vld [tilespmem:s20+$0x1BF50]  }
0x20f: {  	v43 =	vld [tilespmem:s20+$0x1D750]  }
0x210: {  	v44 =	vld [tilespmem:s20+$0x1BF60]  }
0x211: {  	v45 =	vld [tilespmem:s20+$0x1D760]  }
0x212: {  	v46 =	vld [tilespmem:s20+$0x1BF70]  }
0x213: {  	v47 =	vld [tilespmem:s20+$0x1D770];
	_ =	sdelay $0x1  }
0x214: {  	v32 =	vmul.f32 v33, v32;
	v50 =	vmul.f32 v35, v34  }
0x215: {  	v51 =	vmul.f32 v37, v36;
	v52 =	vmul.f32 v39, v38  }
0x216: {  	v53 =	vmul.f32 v41, v40;
	v54 =	vmul.f32 v43, v42  }
0x217: {  	v55 =	vmul.f32 v45, v44;
	v56 =	vmul.f32 v47, v46  }
0x218: {  	v32 =	vadd.f32 v50, v32;
	v57 =	vadd.f32 v52, v51  }
0x219: {  	v58 =	vadd.f32 v54, v53;
	v59 =	vadd.f32 v56, v55;
	_ =	sdelay $0x1  }
0x21a: {  	v32 =	vadd.f32 v57, v32;
	v60 =	vadd.f32 v59, v58;
	_ =	sdelay $0x1  }
0x21b: {  	v32 =	vadd.f32 v60, v32;
	_ =	sdelay $0x1  }
0x21c: {  	[tilespmem:v0+s28+$0x0] =	vst.idx.msk $0xffff, v32  }
0x21d: {  	v32 =	vld [tilespmem:s20+$0x1BF80]  }
0x21e: {  	v61 =	vld [tilespmem:s20+$0x1D780]  }
0x21f: {  	v62 =	vld [tilespmem:s20+$0x1BF90]  }
0x220: {  	v63 =	vld [tilespmem:s20+$0x1D790]  }
0x221: {  	v48 =	vld [tilespmem:s20+$0x1BFA0]  }
0x222: {  	v49 =	vld [tilespmem:s20+$0x1D7A0]  }
0x223: {  	v50 =	vld [tilespmem:s20+$0x1BFB0]  }
0x224: {  	v51 =	vld [tilespmem:s20+$0x1D7B0]  }
0x225: {  	v52 =	vld [tilespmem:s20+$0x1BFC0]  }
0x226: {  	v53 =	vld [tilespmem:s20+$0x1D7C0]  }
0x227: {  	v54 =	vld [tilespmem:s20+$0x1BFD0]  }
0x228: {  	v55 =	vld [tilespmem:s20+$0x1D7D0]  }
0x229: {  	v56 =	vld [tilespmem:s20+$0x1BFE0]  }
0x22a: {  	v57 =	vld [tilespmem:s20+$0x1D7E0]  }
0x22b: {  	v58 =	vld [tilespmem:s20+$0x1BFF0]  }
0x22c: {  	v59 =	vld [tilespmem:s20+$0x1D7F0];
	_ =	sdelay $0x1  }
0x22d: {  	v32 =	vmul.f32 v61, v32;
	v60 =	vmul.f32 v63, v62  }
0x22e: {  	v61 =	vmul.f32 v49, v48;
	v62 =	vmul.f32 v51, v50  }
0x22f: {  	v63 =	vmul.f32 v53, v52;
	v43 =	vmul.f32 v55, v54  }
0x230: {  	v45 =	vmul.f32 v57, v56;
	v46 =	vmul.f32 v59, v58  }
0x231: {  	v32 =	vadd.f32 v60, v32;
	v47 =	vadd.f32 v62, v61  }
0x232: {  	v48 =	vadd.f32 v43, v63;
	v49 =	vadd.f32 v46, v45;
	_ =	sdelay $0x1  }
0x233: {  	v32 =	vadd.f32 v47, v32;
	v50 =	vadd.f32 v49, v48;
	_ =	sdelay $0x1  }
0x234: {  	v32 =	vadd.f32 v50, v32;
	_ =	sdelay $0x1  }
0x235: {  	[tilespmem:v1+s28+$0x0] =	vst.idx.msk $0xffff, v32  }
0x236: {  	v32 =	vld [tilespmem:s20+$0x1C000]  }
0x237: {  	v51 =	vld [tilespmem:s20+$0x1D800]  }
0x238: {  	v52 =	vld [tilespmem:s20+$0x1C010]  }
0x239: {  	v53 =	vld [tilespmem:s20+$0x1D810]  }
0x23a: {  	v54 =	vld [tilespmem:s20+$0x1C020]  }
0x23b: {  	v55 =	vld [tilespmem:s20+$0x1D820]  }
0x23c: {  	v56 =	vld [tilespmem:s20+$0x1C030]  }
0x23d: {  	v57 =	vld [tilespmem:s20+$0x1D830]  }
0x23e: {  	v58 =	vld [tilespmem:s20+$0x1C040]  }
0x23f: {  	v59 =	vld [tilespmem:s20+$0x1D840]  }
0x240: {  	v60 =	vld [tilespmem:s20+$0x1C050]  }
0x241: {  	v61 =	vld [tilespmem:s20+$0x1D850]  }
0x242: {  	v62 =	vld [tilespmem:s20+$0x1C060]  }
0x243: {  	v63 =	vld [tilespmem:s20+$0x1D860]  }
0x244: {  	v48 =	vld [tilespmem:s20+$0x1C070]  }
0x245: {  	v49 =	vld [tilespmem:s20+$0x1D870];
	_ =	sdelay $0x1  }
0x246: {  	v32 =	vmul.f32 v51, v32;
	v50 =	vmul.f32 v53, v52  }
0x247: {  	v51 =	vmul.f32 v55, v54;
	v52 =	vmul.f32 v57, v56  }
0x248: {  	v53 =	vmul.f32 v59, v58;
	v54 =	vmul.f32 v61, v60  }
0x249: {  	v55 =	vmul.f32 v63, v62;
	v56 =	vmul.f32 v49, v48  }
0x24a: {  	v32 =	vadd.f32 v50, v32;
	v57 =	vadd.f32 v52, v51  }
0x24b: {  	v58 =	vadd.f32 v54, v53;
	v59 =	vadd.f32 v56, v55;
	_ =	sdelay $0x1  }
0x24c: {  	v32 =	vadd.f32 v57, v32;
	v60 =	vadd.f32 v59, v58;
	_ =	sdelay $0x1  }
0x24d: {  	v32 =	vadd.f32 v60, v32;
	_ =	sdelay $0x1  }
0x24e: {  	[tilespmem:v2+s28+$0x0] =	vst.idx.msk $0xffff, v32  }
0x24f: {  	v32 =	vld [tilespmem:s20+$0x1C080]  }
0x250: {  	v61 =	vld [tilespmem:s20+$0x1D880]  }
0x251: {  	v62 =	vld [tilespmem:s20+$0x1C090]  }
0x252: {  	v63 =	vld [tilespmem:s20+$0x1D890]  }
0x253: {  	v48 =	vld [tilespmem:s20+$0x1C0A0]  }
0x254: {  	v49 =	vld [tilespmem:s20+$0x1D8A0]  }
0x255: {  	v50 =	vld [tilespmem:s20+$0x1C0B0]  }
0x256: {  	v51 =	vld [tilespmem:s20+$0x1D8B0]  }
0x257: {  	v52 =	vld [tilespmem:s20+$0x1C0C0]  }
0x258: {  	v53 =	vld [tilespmem:s20+$0x1D8C0]  }
0x259: {  	v54 =	vld [tilespmem:s20+$0x1C0D0]  }
0x25a: {  	v55 =	vld [tilespmem:s20+$0x1D8D0]  }
0x25b: {  	v56 =	vld [tilespmem:s20+$0x1C0E0]  }
0x25c: {  	v57 =	vld [tilespmem:s20+$0x1D8E0]  }
0x25d: {  	v58 =	vld [tilespmem:s20+$0x1C0F0]  }
0x25e: {  	v59 =	vld [tilespmem:s20+$0x1D8F0];
	_ =	sdelay $0x1  }
0x25f: {  	v32 =	vmul.f32 v61, v32;
	v60 =	vmul.f32 v63, v62  }
0x260: {  	v61 =	vmul.f32 v49, v48;
	v62 =	vmul.f32 v51, v50  }
0x261: {  	v63 =	vmul.f32 v53, v52;
	v43 =	vmul.f32 v55, v54  }
0x262: {  	v45 =	vmul.f32 v57, v56;
	v46 =	vmul.f32 v59, v58  }
0x263: {  	v32 =	vadd.f32 v60, v32;
	v47 =	vadd.f32 v62, v61  }
0x264: {  	v48 =	vadd.f32 v43, v63;
	v49 =	vadd.f32 v46, v45;
	_ =	sdelay $0x1  }
0x265: {  	v32 =	vadd.f32 v47, v32;
	v50 =	vadd.f32 v49, v48;
	_ =	sdelay $0x1  }
0x266: {  	v32 =	vadd.f32 v50, v32;
	_ =	sdelay $0x1  }
0x267: {  	[tilespmem:v3+s28+$0x0] =	vst.idx.msk $0xffff, v32  }
0x268: {  	v32 =	vld [tilespmem:s20+$0x1C100]  }
0x269: {  	v51 =	vld [tilespmem:s20+$0x1D900]  }
0x26a: {  	v52 =	vld [tilespmem:s20+$0x1C110]  }
0x26b: {  	v53 =	vld [tilespmem:s20+$0x1D910]  }
0x26c: {  	v54 =	vld [tilespmem:s20+$0x1C120]  }
0x26d: {  	v55 =	vld [tilespmem:s20+$0x1D920]  }
0x26e: {  	v56 =	vld [tilespmem:s20+$0x1C130]  }
0x26f: {  	v57 =	vld [tilespmem:s20+$0x1D930]  }
0x270: {  	v58 =	vld [tilespmem:s20+$0x1C140]  }
0x271: {  	v59 =	vld [tilespmem:s20+$0x1D940]  }
0x272: {  	v60 =	vld [tilespmem:s20+$0x1C150]  }
0x273: {  	v61 =	vld [tilespmem:s20+$0x1D950]  }
0x274: {  	v62 =	vld [tilespmem:s20+$0x1C160]  }
0x275: {  	v63 =	vld [tilespmem:s20+$0x1D960]  }
0x276: {  	v48 =	vld [tilespmem:s20+$0x1C170]  }
0x277: {  	v49 =	vld [tilespmem:s20+$0x1D970];
	_ =	sdelay $0x1  }
0x278: {  	v32 =	vmul.f32 v51, v32;
	v50 =	vmul.f32 v53, v52  }
0x279: {  	v51 =	vmul.f32 v55, v54;
	v52 =	vmul.f32 v57, v56  }
0x27a: {  	v53 =	vmul.f32 v59, v58;
	v54 =	vmul.f32 v61, v60  }
0x27b: {  	v55 =	vmul.f32 v63, v62;
	v56 =	vmul.f32 v49, v48  }
0x27c: {  	v32 =	vadd.f32 v50, v32;
	v57 =	vadd.f32 v52, v51  }
0x27d: {  	v58 =	vadd.f32 v54, v53;
	v59 =	vadd.f32 v56, v55;
	_ =	sdelay $0x1  }
0x27e: {  	v32 =	vadd.f32 v57, v32;
	v60 =	vadd.f32 v59, v58;
	_ =	sdelay $0x1  }
0x27f: {  	v32 =	vadd.f32 v60, v32;
	_ =	sdelay $0x1  }
0x280: {  	[tilespmem:v4+s28+$0x0] =	vst.idx.msk $0xffff, v32  }
0x281: {  	v32 =	vld [tilespmem:s20+$0x1C180]  }
0x282: {  	v61 =	vld [tilespmem:s20+$0x1D980]  }
0x283: {  	v62 =	vld [tilespmem:s20+$0x1C190]  }
0x284: {  	v63 =	vld [tilespmem:s20+$0x1D990]  }
0x285: {  	v48 =	vld [tilespmem:s20+$0x1C1A0]  }
0x286: {  	v49 =	vld [tilespmem:s20+$0x1D9A0]  }
0x287: {  	v50 =	vld [tilespmem:s20+$0x1C1B0]  }
0x288: {  	v51 =	vld [tilespmem:s20+$0x1D9B0]  }
0x289: {  	v52 =	vld [tilespmem:s20+$0x1C1C0]  }
0x28a: {  	v53 =	vld [tilespmem:s20+$0x1D9C0]  }
0x28b: {  	v54 =	vld [tilespmem:s20+$0x1C1D0]  }
0x28c: {  	v55 =	vld [tilespmem:s20+$0x1D9D0]  }
0x28d: {  	v56 =	vld [tilespmem:s20+$0x1C1E0]  }
0x28e: {  	v57 =	vld [tilespmem:s20+$0x1D9E0]  }
0x28f: {  	v58 =	vld [tilespmem:s20+$0x1C1F0]  }
0x290: {  	v59 =	vld [tilespmem:s20+$0x1D9F0];
	_ =	sdelay $0x1  }
0x291: {  	v32 =	vmul.f32 v61, v32;
	v60 =	vmul.f32 v63, v62  }
0x292: {  	v61 =	vmul.f32 v49, v48;
	v62 =	vmul.f32 v51, v50  }
0x293: {  	v63 =	vmul.f32 v53, v52;
	v43 =	vmul.f32 v55, v54  }
0x294: {  	v45 =	vmul.f32 v57, v56;
	v46 =	vmul.f32 v59, v58  }
0x295: {  	v32 =	vadd.f32 v60, v32;
	v47 =	vadd.f32 v62, v61  }
0x296: {  	v48 =	vadd.f32 v43, v63;
	v49 =	vadd.f32 v46, v45;
	_ =	sdelay $0x1  }
0x297: {  	v32 =	vadd.f32 v47, v32;
	v50 =	vadd.f32 v49, v48;
	_ =	sdelay $0x1  }
0x298: {  	v32 =	vadd.f32 v50, v32;
	_ =	sdelay $0x1  }
0x299: {  	[tilespmem:v5+s28+$0x0] =	vst.idx.msk $0xffff, v32  }
0x29a: {  	v32 =	vld [tilespmem:s20+$0x1C200]  }
0x29b: {  	v51 =	vld [tilespmem:s20+$0x1DA00]  }
0x29c: {  	v52 =	vld [tilespmem:s20+$0x1C210]  }
0x29d: {  	v53 =	vld [tilespmem:s20+$0x1DA10]  }
0x29e: {  	v54 =	vld [tilespmem:s20+$0x1C220]  }
0x29f: {  	v55 =	vld [tilespmem:s20+$0x1DA20]  }
0x2a0: {  	v56 =	vld [tilespmem:s20+$0x1C230]  }
0x2a1: {  	v57 =	vld [tilespmem:s20+$0x1DA30]  }
0x2a2: {  	v58 =	vld [tilespmem:s20+$0x1C240]  }
0x2a3: {  	v59 =	vld [tilespmem:s20+$0x1DA40]  }
0x2a4: {  	v60 =	vld [tilespmem:s20+$0x1C250]  }
0x2a5: {  	v61 =	vld [tilespmem:s20+$0x1DA50]  }
0x2a6: {  	v62 =	vld [tilespmem:s20+$0x1C260]  }
0x2a7: {  	v63 =	vld [tilespmem:s20+$0x1DA60]  }
0x2a8: {  	v48 =	vld [tilespmem:s20+$0x1C270]  }
0x2a9: {  	v49 =	vld [tilespmem:s20+$0x1DA70];
	_ =	sdelay $0x1  }
0x2aa: {  	v32 =	vmul.f32 v51, v32;
	v50 =	vmul.f32 v53, v52  }
0x2ab: {  	v51 =	vmul.f32 v55, v54;
	v52 =	vmul.f32 v57, v56  }
0x2ac: {  	v53 =	vmul.f32 v59, v58;
	v54 =	vmul.f32 v61, v60  }
0x2ad: {  	v55 =	vmul.f32 v63, v62;
	v56 =	vmul.f32 v49, v48  }
0x2ae: {  	v32 =	vadd.f32 v50, v32;
	v57 =	vadd.f32 v52, v51  }
0x2af: {  	v58 =	vadd.f32 v54, v53;
	v59 =	vadd.f32 v56, v55;
	_ =	sdelay $0x1  }
0x2b0: {  	v32 =	vadd.f32 v57, v32;
	v60 =	vadd.f32 v59, v58;
	_ =	sdelay $0x1  }
0x2b1: {  	v32 =	vadd.f32 v60, v32;
	_ =	sdelay $0x1  }
0x2b2: {  	[tilespmem:v6+s28+$0x0] =	vst.idx.msk $0xffff, v32  }
0x2b3: {  	v32 =	vld [tilespmem:s20+$0x1C280]  }
0x2b4: {  	v61 =	vld [tilespmem:s20+$0x1DA80]  }
0x2b5: {  	v62 =	vld [tilespmem:s20+$0x1C290]  }
0x2b6: {  	v63 =	vld [tilespmem:s20+$0x1DA90]  }
0x2b7: {  	v48 =	vld [tilespmem:s20+$0x1C2A0]  }
0x2b8: {  	v49 =	vld [tilespmem:s20+$0x1DAA0]  }
0x2b9: {  	v50 =	vld [tilespmem:s20+$0x1C2B0]  }
0x2ba: {  	v51 =	vld [tilespmem:s20+$0x1DAB0]  }
0x2bb: {  	v52 =	vld [tilespmem:s20+$0x1C2C0]  }
0x2bc: {  	v53 =	vld [tilespmem:s20+$0x1DAC0]  }
0x2bd: {  	v54 =	vld [tilespmem:s20+$0x1C2D0]  }
0x2be: {  	v55 =	vld [tilespmem:s20+$0x1DAD0]  }
0x2bf: {  	v56 =	vld [tilespmem:s20+$0x1C2E0]  }
0x2c0: {  	v57 =	vld [tilespmem:s20+$0x1DAE0]  }
0x2c1: {  	v58 =	vld [tilespmem:s20+$0x1C2F0]  }
0x2c2: {  	v59 =	vld [tilespmem:s20+$0x1DAF0];
	_ =	sdelay $0x1  }
0x2c3: {  	v32 =	vmul.f32 v61, v32;
	v60 =	vmul.f32 v63, v62  }
0x2c4: {  	v61 =	vmul.f32 v49, v48;
	v62 =	vmul.f32 v51, v50  }
0x2c5: {  	v63 =	vmul.f32 v53, v52;
	v43 =	vmul.f32 v55, v54  }
0x2c6: {  	v45 =	vmul.f32 v57, v56;
	v46 =	vmul.f32 v59, v58  }
0x2c7: {  	v32 =	vadd.f32 v60, v32;
	v47 =	vadd.f32 v62, v61  }
0x2c8: {  	v48 =	vadd.f32 v43, v63;
	v49 =	vadd.f32 v46, v45;
	_ =	sdelay $0x1  }
0x2c9: {  	v32 =	vadd.f32 v47, v32;
	v50 =	vadd.f32 v49, v48;
	_ =	sdelay $0x1  }
0x2ca: {  	v32 =	vadd.f32 v50, v32;
	_ =	sdelay $0x1  }
0x2cb: {  	[tilespmem:v7+s28+$0x0] =	vst.idx.msk $0xffff, v32  }
0x2cc: {  	v32 =	vld [tilespmem:s20+$0x1C300]  }
0x2cd: {  	v51 =	vld [tilespmem:s20+$0x1DB00]  }
0x2ce: {  	v52 =	vld [tilespmem:s20+$0x1C310]  }
0x2cf: {  	v53 =	vld [tilespmem:s20+$0x1DB10]  }
0x2d0: {  	v54 =	vld [tilespmem:s20+$0x1C320]  }
0x2d1: {  	v55 =	vld [tilespmem:s20+$0x1DB20]  }
0x2d2: {  	v56 =	vld [tilespmem:s20+$0x1C330]  }
0x2d3: {  	v57 =	vld [tilespmem:s20+$0x1DB30]  }
0x2d4: {  	v58 =	vld [tilespmem:s20+$0x1C340]  }
0x2d5: {  	v59 =	vld [tilespmem:s20+$0x1DB40]  }
0x2d6: {  	v60 =	vld [tilespmem:s20+$0x1C350]  }
0x2d7: {  	v61 =	vld [tilespmem:s20+$0x1DB50]  }
0x2d8: {  	v62 =	vld [tilespmem:s20+$0x1C360]  }
0x2d9: {  	v63 =	vld [tilespmem:s20+$0x1DB60]  }
0x2da: {  	v48 =	vld [tilespmem:s20+$0x1C370]  }
0x2db: {  	v49 =	vld [tilespmem:s20+$0x1DB70];
	_ =	sdelay $0x1  }
0x2dc: {  	v32 =	vmul.f32 v51, v32;
	v50 =	vmul.f32 v53, v52  }
0x2dd: {  	v51 =	vmul.f32 v55, v54;
	v52 =	vmul.f32 v57, v56  }
0x2de: {  	v53 =	vmul.f32 v59, v58;
	v54 =	vmul.f32 v61, v60  }
0x2df: {  	v55 =	vmul.f32 v63, v62;
	v56 =	vmul.f32 v49, v48  }
0x2e0: {  	v32 =	vadd.f32 v50, v32;
	v57 =	vadd.f32 v52, v51  }
0x2e1: {  	v58 =	vadd.f32 v54, v53;
	v59 =	vadd.f32 v56, v55;
	_ =	sdelay $0x1  }
0x2e2: {  	v32 =	vadd.f32 v57, v32;
	v60 =	vadd.f32 v59, v58;
	_ =	sdelay $0x1  }
0x2e3: {  	v32 =	vadd.f32 v60, v32;
	_ =	sdelay $0x1  }
0x2e4: {  	[tilespmem:v8+s28+$0x0] =	vst.idx.msk $0xffff, v32  }
0x2e5: {  	v32 =	vld [tilespmem:s20+$0x1C380]  }
0x2e6: {  	v61 =	vld [tilespmem:s20+$0x1DB80]  }
0x2e7: {  	v62 =	vld [tilespmem:s20+$0x1C390]  }
0x2e8: {  	v63 =	vld [tilespmem:s20+$0x1DB90]  }
0x2e9: {  	v48 =	vld [tilespmem:s20+$0x1C3A0]  }
0x2ea: {  	v49 =	vld [tilespmem:s20+$0x1DBA0]  }
0x2eb: {  	v50 =	vld [tilespmem:s20+$0x1C3B0]  }
0x2ec: {  	v51 =	vld [tilespmem:s20+$0x1DBB0]  }
0x2ed: {  	v52 =	vld [tilespmem:s20+$0x1C3C0]  }
0x2ee: {  	v53 =	vld [tilespmem:s20+$0x1DBC0]  }
0x2ef: {  	v54 =	vld [tilespmem:s20+$0x1C3D0]  }
0x2f0: {  	v55 =	vld [tilespmem:s20+$0x1DBD0]  }
0x2f1: {  	v56 =	vld [tilespmem:s20+$0x1C3E0]  }
0x2f2: {  	v57 =	vld [tilespmem:s20+$0x1DBE0]  }
0x2f3: {  	v58 =	vld [tilespmem:s20+$0x1C3F0]  }
0x2f4: {  	v59 =	vld [tilespmem:s20+$0x1DBF0];
	_ =	sdelay $0x1  }
0x2f5: {  	v32 =	vmul.f32 v61, v32;
	v60 =	vmul.f32 v63, v62  }
0x2f6: {  	v61 =	vmul.f32 v49, v48;
	v62 =	vmul.f32 v51, v50  }
0x2f7: {  	v63 =	vmul.f32 v53, v52;
	v43 =	vmul.f32 v55, v54  }
0x2f8: {  	v45 =	vmul.f32 v57, v56;
	v46 =	vmul.f32 v59, v58  }
0x2f9: {  	v32 =	vadd.f32 v60, v32;
	v47 =	vadd.f32 v62, v61  }
0x2fa: {  	v48 =	vadd.f32 v43, v63;
	v49 =	vadd.f32 v46, v45;
	_ =	sdelay $0x1  }
0x2fb: {  	v32 =	vadd.f32 v47, v32;
	v50 =	vadd.f32 v49, v48;
	_ =	sdelay $0x1  }
0x2fc: {  	v32 =	vadd.f32 v50, v32;
	_ =	sdelay $0x1  }
0x2fd: {  	[tilespmem:v9+s28+$0x0] =	vst.idx.msk $0xffff, v32  }
0x2fe: {  	v32 =	vld [tilespmem:s20+$0x1C400]  }
0x2ff: {  	v51 =	vld [tilespmem:s20+$0x1DC00]  }
0x300: {  	v52 =	vld [tilespmem:s20+$0x1C410]  }
0x301: {  	v53 =	vld [tilespmem:s20+$0x1DC10]  }
0x302: {  	v54 =	vld [tilespmem:s20+$0x1C420]  }
0x303: {  	v55 =	vld [tilespmem:s20+$0x1DC20]  }
0x304: {  	v56 =	vld [tilespmem:s20+$0x1C430]  }
0x305: {  	v57 =	vld [tilespmem:s20+$0x1DC30]  }
0x306: {  	v58 =	vld [tilespmem:s20+$0x1C440]  }
0x307: {  	v59 =	vld [tilespmem:s20+$0x1DC40]  }
0x308: {  	v60 =	vld [tilespmem:s20+$0x1C450]  }
0x309: {  	v61 =	vld [tilespmem:s20+$0x1DC50]  }
0x30a: {  	v62 =	vld [tilespmem:s20+$0x1C460]  }
0x30b: {  	v63 =	vld [tilespmem:s20+$0x1DC60]  }
0x30c: {  	v48 =	vld [tilespmem:s20+$0x1C470]  }
0x30d: {  	v49 =	vld [tilespmem:s20+$0x1DC70];
	_ =	sdelay $0x1  }
0x30e: {  	v32 =	vmul.f32 v51, v32;
	v50 =	vmul.f32 v53, v52  }
0x30f: {  	v51 =	vmul.f32 v55, v54;
	v52 =	vmul.f32 v57, v56  }
0x310: {  	v53 =	vmul.f32 v59, v58;
	v54 =	vmul.f32 v61, v60  }
0x311: {  	v55 =	vmul.f32 v63, v62;
	v56 =	vmul.f32 v49, v48  }
0x312: {  	v32 =	vadd.f32 v50, v32;
	v57 =	vadd.f32 v52, v51  }
0x313: {  	v58 =	vadd.f32 v54, v53;
	v59 =	vadd.f32 v56, v55;
	_ =	sdelay $0x1  }
0x314: {  	v32 =	vadd.f32 v57, v32;
	v60 =	vadd.f32 v59, v58;
	_ =	sdelay $0x1  }
0x315: {  	v32 =	vadd.f32 v60, v32;
	_ =	sdelay $0x1  }
0x316: {  	[tilespmem:v10+s28+$0x0] =	vst.idx.msk $0xffff, v32  }
0x317: {  	v32 =	vld [tilespmem:s20+$0x1C480]  }
0x318: {  	v61 =	vld [tilespmem:s20+$0x1DC80]  }
0x319: {  	v62 =	vld [tilespmem:s20+$0x1C490]  }
0x31a: {  	v63 =	vld [tilespmem:s20+$0x1DC90]  }
0x31b: {  	v48 =	vld [tilespmem:s20+$0x1C4A0]  }
0x31c: {  	v49 =	vld [tilespmem:s20+$0x1DCA0]  }
0x31d: {  	v50 =	vld [tilespmem:s20+$0x1C4B0]  }
0x31e: {  	v51 =	vld [tilespmem:s20+$0x1DCB0]  }
0x31f: {  	v52 =	vld [tilespmem:s20+$0x1C4C0]  }
0x320: {  	v53 =	vld [tilespmem:s20+$0x1DCC0]  }
0x321: {  	v54 =	vld [tilespmem:s20+$0x1C4D0]  }
0x322: {  	v55 =	vld [tilespmem:s20+$0x1DCD0]  }
0x323: {  	v56 =	vld [tilespmem:s20+$0x1C4E0]  }
0x324: {  	v57 =	vld [tilespmem:s20+$0x1DCE0]  }
0x325: {  	v58 =	vld [tilespmem:s20+$0x1C4F0]  }
0x326: {  	v59 =	vld [tilespmem:s20+$0x1DCF0];
	_ =	sdelay $0x1  }
0x327: {  	v32 =	vmul.f32 v61, v32;
	v60 =	vmul.f32 v63, v62  }
0x328: {  	v61 =	vmul.f32 v49, v48;
	v62 =	vmul.f32 v51, v50  }
0x329: {  	v63 =	vmul.f32 v53, v52;
	v43 =	vmul.f32 v55, v54  }
0x32a: {  	v45 =	vmul.f32 v57, v56;
	v46 =	vmul.f32 v59, v58  }
0x32b: {  	v32 =	vadd.f32 v60, v32;
	v47 =	vadd.f32 v62, v61  }
0x32c: {  	v48 =	vadd.f32 v43, v63;
	v49 =	vadd.f32 v46, v45;
	_ =	sdelay $0x1  }
0x32d: {  	v32 =	vadd.f32 v47, v32;
	v50 =	vadd.f32 v49, v48;
	_ =	sdelay $0x1  }
0x32e: {  	v32 =	vadd.f32 v50, v32;
	_ =	sdelay $0x1  }
0x32f: {  	[tilespmem:v11+s28+$0x0] =	vst.idx.msk $0xffff, v32  }
0x330: {  	v32 =	vld [tilespmem:s20+$0x1C500]  }
0x331: {  	v51 =	vld [tilespmem:s20+$0x1DD00]  }
0x332: {  	v52 =	vld [tilespmem:s20+$0x1C510]  }
0x333: {  	v53 =	vld [tilespmem:s20+$0x1DD10]  }
0x334: {  	v54 =	vld [tilespmem:s20+$0x1C520]  }
0x335: {  	v55 =	vld [tilespmem:s20+$0x1DD20]  }
0x336: {  	v56 =	vld [tilespmem:s20+$0x1C530]  }
0x337: {  	v57 =	vld [tilespmem:s20+$0x1DD30]  }
0x338: {  	v58 =	vld [tilespmem:s20+$0x1C540]  }
0x339: {  	v59 =	vld [tilespmem:s20+$0x1DD40]  }
0x33a: {  	v60 =	vld [tilespmem:s20+$0x1C550]  }
0x33b: {  	v61 =	vld [tilespmem:s20+$0x1DD50]  }
0x33c: {  	v62 =	vld [tilespmem:s20+$0x1C560]  }
0x33d: {  	v63 =	vld [tilespmem:s20+$0x1DD60]  }
0x33e: {  	v48 =	vld [tilespmem:s20+$0x1C570]  }
0x33f: {  	v49 =	vld [tilespmem:s20+$0x1DD70];
	_ =	sdelay $0x1  }
0x340: {  	v32 =	vmul.f32 v51, v32;
	v50 =	vmul.f32 v53, v52  }
0x341: {  	v51 =	vmul.f32 v55, v54;
	v52 =	vmul.f32 v57, v56  }
0x342: {  	v53 =	vmul.f32 v59, v58;
	v54 =	vmul.f32 v61, v60  }
0x343: {  	v55 =	vmul.f32 v63, v62;
	v56 =	vmul.f32 v49, v48  }
0x344: {  	v32 =	vadd.f32 v50, v32;
	v57 =	vadd.f32 v52, v51  }
0x345: {  	v58 =	vadd.f32 v54, v53;
	v59 =	vadd.f32 v56, v55;
	_ =	sdelay $0x1  }
0x346: {  	v32 =	vadd.f32 v57, v32;
	v60 =	vadd.f32 v59, v58;
	_ =	sdelay $0x1  }
0x347: {  	v32 =	vadd.f32 v60, v32;
	_ =	sdelay $0x1  }
0x348: {  	[tilespmem:v12+s28+$0x0] =	vst.idx.msk $0xffff, v32  }
0x349: {  	v32 =	vld [tilespmem:s20+$0x1C580]  }
0x34a: {  	v61 =	vld [tilespmem:s20+$0x1DD80]  }
0x34b: {  	v62 =	vld [tilespmem:s20+$0x1C590]  }
0x34c: {  	v63 =	vld [tilespmem:s20+$0x1DD90]  }
0x34d: {  	v48 =	vld [tilespmem:s20+$0x1C5A0]  }
0x34e: {  	v49 =	vld [tilespmem:s20+$0x1DDA0]  }
0x34f: {  	v50 =	vld [tilespmem:s20+$0x1C5B0]  }
0x350: {  	v51 =	vld [tilespmem:s20+$0x1DDB0]  }
0x351: {  	v52 =	vld [tilespmem:s20+$0x1C5C0]  }
0x352: {  	v53 =	vld [tilespmem:s20+$0x1DDC0]  }
0x353: {  	v54 =	vld [tilespmem:s20+$0x1C5D0]  }
0x354: {  	v55 =	vld [tilespmem:s20+$0x1DDD0]  }
0x355: {  	v56 =	vld [tilespmem:s20+$0x1C5E0]  }
0x356: {  	v57 =	vld [tilespmem:s20+$0x1DDE0]  }
0x357: {  	v58 =	vld [tilespmem:s20+$0x1C5F0]  }
0x358: {  	v59 =	vld [tilespmem:s20+$0x1DDF0];
	_ =	sdelay $0x1  }
0x359: {  	v32 =	vmul.f32 v61, v32;
	v60 =	vmul.f32 v63, v62  }
0x35a: {  	v61 =	vmul.f32 v49, v48;
	v62 =	vmul.f32 v51, v50  }
0x35b: {  	v63 =	vmul.f32 v53, v52;
	v43 =	vmul.f32 v55, v54  }
0x35c: {  	v45 =	vmul.f32 v57, v56;
	v46 =	vmul.f32 v59, v58  }
0x35d: {  	v32 =	vadd.f32 v60, v32;
	v47 =	vadd.f32 v62, v61  }
0x35e: {  	v48 =	vadd.f32 v43, v63;
	v49 =	vadd.f32 v46, v45;
	_ =	sdelay $0x1  }
0x35f: {  	v32 =	vadd.f32 v47, v32;
	v50 =	vadd.f32 v49, v48;
	_ =	sdelay $0x1  }
0x360: {  	v32 =	vadd.f32 v50, v32;
	_ =	sdelay $0x1  }
0x361: {  	[tilespmem:v14+s28+$0x0] =	vst.idx.msk $0xffff, v32  }
0x362: {  	v32 =	vld [tilespmem:s20+$0x1C600]  }
0x363: {  	v51 =	vld [tilespmem:s20+$0x1DE00]  }
0x364: {  	v52 =	vld [tilespmem:s20+$0x1C610]  }
0x365: {  	v53 =	vld [tilespmem:s20+$0x1DE10]  }
0x366: {  	v54 =	vld [tilespmem:s20+$0x1C620]  }
0x367: {  	v55 =	vld [tilespmem:s20+$0x1DE20]  }
0x368: {  	v56 =	vld [tilespmem:s20+$0x1C630]  }
0x369: {  	v57 =	vld [tilespmem:s20+$0x1DE30]  }
0x36a: {  	v58 =	vld [tilespmem:s20+$0x1C640]  }
0x36b: {  	v59 =	vld [tilespmem:s20+$0x1DE40]  }
0x36c: {  	v60 =	vld [tilespmem:s20+$0x1C650]  }
0x36d: {  	v61 =	vld [tilespmem:s20+$0x1DE50]  }
0x36e: {  	v62 =	vld [tilespmem:s20+$0x1C660]  }
0x36f: {  	v63 =	vld [tilespmem:s20+$0x1DE60]  }
0x370: {  	v48 =	vld [tilespmem:s20+$0x1C670]  }
0x371: {  	v49 =	vld [tilespmem:s20+$0x1DE70];
	_ =	sdelay $0x1  }
0x372: {  	v32 =	vmul.f32 v51, v32;
	v50 =	vmul.f32 v53, v52  }
0x373: {  	v51 =	vmul.f32 v55, v54;
	v52 =	vmul.f32 v57, v56  }
0x374: {  	v53 =	vmul.f32 v59, v58;
	v54 =	vmul.f32 v61, v60  }
0x375: {  	v55 =	vmul.f32 v63, v62;
	v56 =	vmul.f32 v49, v48  }
0x376: {  	v32 =	vadd.f32 v50, v32;
	v57 =	vadd.f32 v52, v51  }
0x377: {  	v58 =	vadd.f32 v54, v53;
	v59 =	vadd.f32 v56, v55;
	_ =	sdelay $0x1  }
0x378: {  	v32 =	vadd.f32 v57, v32;
	v60 =	vadd.f32 v59, v58;
	_ =	sdelay $0x1  }
0x379: {  	v32 =	vadd.f32 v60, v32;
	_ =	sdelay $0x1  }
0x37a: {  	[tilespmem:v15+s28+$0x0] =	vst.idx.msk $0xffff, v32  }
0x37b: {  	v32 =	vld [tilespmem:s20+$0x1C680]  }
0x37c: {  	v61 =	vld [tilespmem:s20+$0x1DE80]  }
0x37d: {  	v62 =	vld [tilespmem:s20+$0x1C690]  }
0x37e: {  	v63 =	vld [tilespmem:s20+$0x1DE90]  }
0x37f: {  	v48 =	vld [tilespmem:s20+$0x1C6A0]  }
0x380: {  	v49 =	vld [tilespmem:s20+$0x1DEA0]  }
0x381: {  	v50 =	vld [tilespmem:s20+$0x1C6B0]  }
0x382: {  	v51 =	vld [tilespmem:s20+$0x1DEB0]  }
0x383: {  	v52 =	vld [tilespmem:s20+$0x1C6C0]  }
0x384: {  	v53 =	vld [tilespmem:s20+$0x1DEC0]  }
0x385: {  	v54 =	vld [tilespmem:s20+$0x1C6D0]  }
0x386: {  	v55 =	vld [tilespmem:s20+$0x1DED0]  }
0x387: {  	v56 =	vld [tilespmem:s20+$0x1C6E0]  }
0x388: {  	v57 =	vld [tilespmem:s20+$0x1DEE0]  }
0x389: {  	v58 =	vld [tilespmem:s20+$0x1C6F0]  }
0x38a: {  	v59 =	vld [tilespmem:s20+$0x1DEF0];
	_ =	sdelay $0x1  }
0x38b: {  	v32 =	vmul.f32 v61, v32;
	v60 =	vmul.f32 v63, v62  }
0x38c: {  	v61 =	vmul.f32 v49, v48;
	v62 =	vmul.f32 v51, v50  }
0x38d: {  	v63 =	vmul.f32 v53, v52;
	v43 =	vmul.f32 v55, v54  }
0x38e: {  	v48 =	vmul.f32 v57, v56;
	v49 =	vmul.f32 v59, v58  }
0x38f: {  	v32 =	vadd.f32 v60, v32;
	v50 =	vadd.f32 v62, v61  }
0x390: {  	v51 =	vadd.f32 v43, v63;
	v52 =	vadd.f32 v49, v48;
	_ =	sdelay $0x1  }
0x391: {  	v32 =	vadd.f32 v50, v32;
	v53 =	vadd.f32 v52, v51;
	_ =	sdelay $0x1  }
0x392: {  	v32 =	vadd.f32 v53, v32;
	_ =	sdelay $0x1  }
0x393: {  	[tilespmem:v16+s28+$0x0] =	vst.idx.msk $0xffff, v32  }
0x394: {  	v32 =	vld.idx.msk [tilespmem:v13+s28+$0x0], $0xffff  }
0x395: {  	v54 =	vld.idx.msk [tilespmem:v17+s28+$0x0], $0xffff  }
0x396: {  	v55 =	vld.idx.msk [tilespmem:v18+s28+$0x0], $0xffff  }
0x397: {  	v56 =	vld.idx.msk [tilespmem:v19+s28+$0x0], $0xffff  }
0x398: {  	v57 =	vld.idx.msk [tilespmem:v20+s28+$0x0], $0xffff  }
0x399: {  	v58 =	vld.idx.msk [tilespmem:v21+s28+$0x0], $0xffff  }
0x39a: {  	v59 =	vld.idx.msk [tilespmem:v22+s28+$0x0], $0xffff  }
0x39b: {  	v60 =	vld.idx.msk [tilespmem:v23+s28+$0x0], $0xffff  }
0x39c: {  	v61 =	vld.idx.msk [tilespmem:v24+s28+$0x0], $0xffff  }
0x39d: {  	v62 =	vld.idx.msk [tilespmem:v25+s28+$0x0], $0xffff  }
0x39e: {  	v63 =	vld.idx.msk [tilespmem:v26+s28+$0x0], $0xffff  }
0x39f: {  	v48 =	vld.idx.msk [tilespmem:v27+s28+$0x0], $0xffff  }
0x3a0: {  	v49 =	vld.idx.msk [tilespmem:v28+s28+$0x0], $0xffff  }
0x3a1: {  	v50 =	vld.idx.msk [tilespmem:v29+s28+$0x0], $0xffff  }
0x3a2: {  	v51 =	vld.idx.msk [tilespmem:v30+s28+$0x0], $0xffff  }
0x3a3: {  	v52 =	vld.idx.msk [tilespmem:v31+s28+$0x0], $0xffff;
	_ =	sdelay $0x1  }
0x3a4: {  	v32 =	vadd.f32 v54, v32;
	v53 =	vadd.f32 v56, v55  }
0x3a5: {  	v54 =	vadd.f32 v58, v57;
	v55 =	vadd.f32 v60, v59  }
0x3a6: {  	v56 =	vadd.f32 v62, v61;
	v57 =	vadd.f32 v48, v63  }
0x3a7: {  	v58 =	vadd.f32 v50, v49;
	v59 =	vadd.f32 v52, v51  }
0x3a8: {  	v32 =	vadd.f32 v53, v32;
	v60 =	vadd.f32 v55, v54  }
0x3a9: {  	v61 =	vadd.f32 v57, v56;
	v62 =	vadd.f32 v59, v58  }
0x3aa: {  	p0 =	sne.s32 s19, $0x2  }
.Ltmp1:
0x3ab: {  	v32 =	vadd.f32 v60, v32;
	v63 =	vadd.f32 v62, v61;
	(pc) =	sbr.rel @p0 .LBB2_5-.Ltmp1, $4  }
0x3ac: {  	_ = 	snop  }
0x3ad: {  	s13 =	sshll.u32 s19, $0x4;
	v32 =	vadd.f32 v63, v32  }
0x3ae: {  	s13 =	sand.u32 $0x3FFFFFF0, s13  }
0x3af: {  	s19 =	sadd.s32 $0x1, s19;
	[tilespmem:s13+$0x1F100] =	vst v32  }
0x3b0: {  	s17 =	sadd.s32 $0x1, s17  }
0x3b1: {  	p0 =	sne.s32 s17, $0x69  }
.Ltmp2:
0x3b2: {  	_ = 	snop;
	(pc) =	sbr.rel @p0 .LBB2_2-.Ltmp2, $4  }
0x3b3: {  	s13 =	sadd.s32 s4, s18  }
0x3b4: {  	s13 =	sshrl.u32 s13, $0x3  }
0x3b5: {  	s13 =	sadd.s32 s5, s13  }
0x3b6: {  	[hbm4b:s13+s3] =	stream.linear.scatter [tilespmem:s31], [sflag:$0x4], $0x30, $0x38;
	[tilespmem:$0x1F180] =	vst v63  }
0x3b7: {  	s16 =	sadd.s32 $0x1, s16  }
0x3b8: {  	_ =	swait.ge [sflag:s0], $0x30;
	p0 =	sne.s32 s16, s10  }
.Ltmp3:
0x3b9: {  	[sflag:s0] =	ssyncset.done $0x0;
	(pc) =	sbr.rel @p0 .LBB2_1-.Ltmp3, $4  }
0x3ba: {  	[sflag:s0] =	ssyncadd.s32 $0xFFFFFFD0  }
0x3bb: {  	_ =	swait.ge [sflag:s1], $0x30  }
0x3bc: {  	[sflag:s1] =	ssyncset.done $0x0  }
0x3bd: {  	[sflag:s1] =	ssyncadd.s32 $0xFFFFFFD0  }
0x3be: {  	_ =	sfence.sel $0x180000  }
0x3bf: {  	[bflag:$0x0] =	sbarrier.arrive $0xFFFF  }
0x3c0: {  	_ =	strace $0x90000047  }
0x3c1: {  	s0 =	stileid.u32;
	[bflag:$0x2] =	sbarrier.arrive $0xFFFF  }
0x3c2: {  	p0 =	sne.s32 s0, $0x0;
	s0 =	rddreg [dreg:$0x2]  }
0x3c3: {  	s0 =	sadd.s32 @!p0 $0x100000, s0  }
0x3c4: {  	[sflag:s0] =	ssyncadd.tile.s32 @!p0 $0x1;
	_ =	shalt  }
.Lfunc_end2:
_tile_overlayer_lowered:
.L_overlay_start_2:
0x3c5: {  	(tag) =	ssettag $0x2  }
0x3c6: {  	s0 =	rddreg [dreg:$0x0];
	s2 =	stileid.u32  }
0x3c7: {  	s1 =	rddreg [dreg:$0x1];
	p0 =	sne.s32 s2, $0x0  }
0x3c8: {  	s3 =	rddreg [dreg:$0x2];
	[bflag:$0x3] =	sbarrier.arrive $0xFFFF;
	s2 =	simm.s32 @!p0 $0x1C05  }
0x3c9: {  	[timem:s3], [sflag:s2] =	dma.local @!p0 [hbm:s0], s1  }
0x3ca: {  	s0 =	simm.s32 @!p0 $0x5  }
0x3cb: {  	_ =	swait.ge @!p0 [sflag:s0], s1  }
0x3cc: {  	s1 =	ssub.s32 @!p0 $0x0, s1;
	[sflag:s0] =	ssyncset.done @!p0 $0x0  }
0x3cd: {  	[sflag:s0] =	ssyncadd.s32 @!p0 s1  }
0x3ce: {  	[bflag:$0x3] =	sbarrier.arrive $0xFFFF  }
0x3cf: {  	_ =	shalt  }

</sc_bundles>
